<compile_context>
chip_gen: v7x
topology: tpu7x:2x2x1
jax: 0.10.2.dev20260603
libtpu: 0.0.44.dev20260713+nightly
codegen_flags: <defaults>
</compile_context>

<pallas_src>
import functools

import jax
import jax.numpy as jnp
from jax import lax
from jax.experimental import pallas as pl
from jax.experimental.pallas import tpu as pltpu
from jax.experimental.pallas import tpu_sc as plsc

_D = 2048
_E = 64
_B = 4
_T = 4096
_TOKENS = _B * _T
_BT = 1024
_LANES = 16
_NW = 32
_TILE_TOK = _TOKENS // _NW
_NSUB = 2
_CT = _TILE_TOK // _NSUB


def _gate_body(ent_ref, temp_ref, x_ref, w_ref,
               went_ref, bent_ref, out_ref, outT_ref):
    i = pl.program_id(0)
    b = i // (_T // _BT)
    ent = ent_ref[b, 0]
    denom = jnp.abs(temp_ref[0]) + 1e-6
    logits = lax.dot_general(
        x_ref[...], w_ref[...],
        dimension_numbers=(((1,), (1,)), ((), ())),
        preferred_element_type=jnp.float32,
    )
    bias = ent * went_ref[...] + bent_ref[...]
    res = (logits + bias) / denom
    out_ref[...] = res
    resT = res.T
    for w in range(_BT // _TILE_TOK):
        for c in range(_NSUB):
            lo = w * _TILE_TOK + c * _CT
            outT_ref[w, c] = resT[:, lo:lo + _CT]


def _gate_logits(x2, W_gate, went, bent, entropy, temperature):
    grid = (_TOKENS // _BT,)
    return pl.pallas_call(
        _gate_body,
        grid=grid,
        in_specs=[
            pl.BlockSpec(memory_space=pltpu.SMEM),
            pl.BlockSpec(memory_space=pltpu.SMEM),
            pl.BlockSpec((_BT, _D), lambda i: (i, 0)),
            pl.BlockSpec((_E, _D), lambda i: (0, 0)),
            pl.BlockSpec((1, _E), lambda i: (0, 0)),
            pl.BlockSpec((1, _E), lambda i: (0, 0)),
        ],
        out_specs=[
            pl.BlockSpec((_BT, _E), lambda i: (i, 0)),
            pl.BlockSpec((_BT // _TILE_TOK, _NSUB, _E, _CT),
                         lambda i: (i, 0, 0, 0)),
        ],
        out_shape=[
            jax.ShapeDtypeStruct((_TOKENS, _E), jnp.float32),
            jax.ShapeDtypeStruct((_NW, _NSUB, _E, _CT), jnp.float32),
        ],
        compiler_params=pltpu.CompilerParams(
            dimension_semantics=("parallel",),
        ),
    )(entropy, temperature, x2, W_gate, went, bent)


def _topk_call(logitsT):
    info = plsc.get_sparse_core_info()
    nc, ns = info.num_cores, info.num_subcores
    nw = nc * ns
    tok_per = _TOKENS // nw
    mesh = plsc.VectorSubcoreMesh(core_axis_name="c", subcore_axis_name="s")

    def body(lt_hbm, w_hbm, i_hbm, buf0, buf1, w1v, w2v, i1v, i2v,
             sem0, sem1):
        wid = lax.axis_index("s") * nc + lax.axis_index("c")
        base = wid * tok_per
        bufs = (buf0, buf1)
        sems = (sem0, sem1)

        pending = pltpu.async_copy(lt_hbm.at[wid, 0], bufs[0], sems[0])
        for ci in range(_NSUB):
            nxt = (pltpu.async_copy(lt_hbm.at[wid, ci + 1],
                                    bufs[(ci + 1) % 2], sems[(ci + 1) % 2])
                   if ci + 1 < _NSUB else None)
            pending.wait()
            buf = bufs[ci % 2]

            def group(g, carry):
                t0 = g * _LANES
                m1 = jnp.full((_LANES,), -jnp.inf, jnp.float32)
                m2 = jnp.full((_LANES,), -jnp.inf, jnp.float32)
                i1 = jnp.zeros((_LANES,), jnp.int32)
                i2 = jnp.zeros((_LANES,), jnp.int32)
                for e in range(_E):
                    col = jnp.full((_LANES,), e, jnp.int32)
                    v = buf[e, pl.ds(t0, _LANES)]
                    gt1 = v > m1
                    gt2 = v > m2
                    m2n = jnp.where(gt2, jnp.where(gt1, m1, v), m2)
                    i2n = jnp.where(gt2, jnp.where(gt1, i1, col), i2)
                    m1 = jnp.where(gt1, v, m1)
                    i1 = jnp.where(gt1, col, i1)
                    m2, i2 = m2n, i2n
                z = jnp.exp(m2 - m1)
                s = 1.0 + z
                o0 = ci * _CT + t0
                w1v[pl.ds(o0, _LANES)] = 1.0 / s
                w2v[pl.ds(o0, _LANES)] = z / s
                i1v[pl.ds(o0, _LANES)] = i1
                i2v[pl.ds(o0, _LANES)] = i2
                return carry

            lax.fori_loop(0, _CT // _LANES, group, 0)
            pending = nxt

        pltpu.sync_copy(w1v, w_hbm.at[0, pl.ds(base, tok_per)])
        pltpu.sync_copy(w2v, w_hbm.at[1, pl.ds(base, tok_per)])
        pltpu.sync_copy(i1v, i_hbm.at[0, pl.ds(base, tok_per)])
        pltpu.sync_copy(i2v, i_hbm.at[1, pl.ds(base, tok_per)])

    call = functools.partial(
        pl.kernel,
        mesh=mesh,
        out_type=[
            jax.ShapeDtypeStruct((2, _TOKENS), jnp.float32),
            jax.ShapeDtypeStruct((2, _TOKENS), jnp.int32),
        ],
        scratch_types=[
            pltpu.VMEM((_E, _CT), jnp.float32),
            pltpu.VMEM((_E, _CT), jnp.float32),
            pltpu.VMEM((tok_per,), jnp.float32),
            pltpu.VMEM((tok_per,), jnp.float32),
            pltpu.VMEM((tok_per,), jnp.int32),
            pltpu.VMEM((tok_per,), jnp.int32),
            pltpu.SemaphoreType.DMA,
            pltpu.SemaphoreType.DMA,
        ],
    )(body)
    return call(logitsT)


def kernel(x, entropy, W_gate, W_ent, b_ent, temperature):
    x2 = x.reshape(_TOKENS, _D)
    went = W_ent.reshape(1, _E)
    bent = b_ent.reshape(1, _E)
    logits, logitsT = _gate_logits(x2, W_gate, went, bent, entropy, temperature)
    weights2, experts2 = _topk_call(logitsT)
    return (
        weights2.T.reshape(_B, _T, 2),
        experts2.T.reshape(_B, _T, 2),
        logits.reshape(_B, _T, _E),
    )

# --- scband reference (transcript-rebuilt; emitter-appended) ---
"""Pipeline reference for scband-heterogeneous-mo-erouter-33749853012618 (READ-ONLY COPY).

The authoritative reference and input builder live on the scoring server;
editing this copy changes nothing except your own understanding.
"""

import jax, jax.numpy as jnp
import numpy as np

D_MODEL = 2048
NUM_EXPERTS = 64
TOP_K = 2
B, T = 4, 4096


def setup_inputs(seed: int = 0) -> dict:
    key = jax.random.key(seed)
    k_x, k_e, k_g, k_ew, k_eb = jax.random.split(key, 5)
    x = jax.random.normal(k_x, (B, T, D_MODEL), dtype=jnp.float32)
    entropy = jax.random.uniform(k_e, (B, 1), dtype=jnp.float32)
    # nn.Linear(d_model, num_experts, bias=False): weight shape (num_experts, d_model)
    bound_g = 1.0 / np.sqrt(D_MODEL)
    W_gate = jax.random.uniform(k_g, (NUM_EXPERTS, D_MODEL), dtype=jnp.float32, minval=-bound_g, maxval=bound_g)
    # nn.Linear(1, num_experts, bias=True): weight shape (num_experts, 1), bias (num_experts,)
    bound_e = 1.0
    W_ent = jax.random.uniform(k_ew, (NUM_EXPERTS, 1), dtype=jnp.float32, minval=-bound_e, maxval=bound_e)
    b_ent = jax.random.uniform(k_eb, (NUM_EXPERTS,), dtype=jnp.float32, minval=-bound_e, maxval=bound_e)
    temperature = jnp.ones((1,), dtype=jnp.float32)
    return {"x": x, "entropy": entropy, "W_gate": W_gate, "W_ent": W_ent, "b_ent": b_ent, "temperature": temperature}


def reference(x, entropy, W_gate, W_ent, b_ent, temperature):
    # router_logits = gate(x): (B, T, E)
    router_logits = jnp.einsum('btd,ed->bte', x, W_gate)
    # entropy_bias = entropy_proj(entropy): (B, E)
    entropy_bias = entropy @ W_ent.T + b_ent
    # expand over T and add
    router_logits = router_logits + entropy_bias[:, None, :]
    router_logits = router_logits / (jnp.abs(temperature) + 1e-06)
    routing_weights, selected_experts = jax.lax.top_k(router_logits, TOP_K)
    routing_weights = jax.nn.softmax(routing_weights, axis=-1)
    return (routing_weights, selected_experts, router_logits)

if __name__ == "__main__":
    import jax
    _d = setup_inputs()
    print(jax.jit(kernel)(*tuple(_d.values())))

</pallas_src>

<mosaic_0001>
#map = affine_map<(d0, d1) -> (0, 0, 0, 0)>
#map1 = affine_map<(d0, d1) -> (0, 0)>
module attributes {stable_mosaic.version = 14 : i64} {
  func.func @body(%arg0: i32, %arg1: i32, %arg2: memref<32x2x64x256xf32, #tpu.memory_space<hbm>>, %arg3: memref<2x16384xf32, #tpu.memory_space<hbm>>, %arg4: memref<2x16384xi32, #tpu.memory_space<hbm>>, %arg5: memref<64x256xf32, #tpu.memory_space<vmem>>, %arg6: memref<64x256xf32, #tpu.memory_space<vmem>>, %arg7: memref<512xf32, #tpu.memory_space<vmem>>, %arg8: memref<512xf32, #tpu.memory_space<vmem>>, %arg9: memref<512xi32, #tpu.memory_space<vmem>>, %arg10: memref<512xi32, #tpu.memory_space<vmem>>, %arg11: memref<!tpu.dma_semaphore, #tpu.memory_space<semaphore_mem>>, %arg12: memref<!tpu.dma_semaphore, #tpu.memory_space<semaphore_mem>>) attributes {dimension_semantics = [#tpu.dimension_semantics<core_parallel>, #tpu.dimension_semantics<subcore_parallel>], iteration_bounds = array<i64: 2, 16>, scalar_prefetch = 0 : i64, scratch_operands = 8 : i64, tpu.core_type = #tpu.core_type<sc_vector_subcore>, window_params = [{transform_indices = #map}, {transform_indices = #map1}, {transform_indices = #map1}]} {
    %mul3A = arith.constant 2 : i32
    %mul3A_0 = arith.muli %arg1, %mul3A : i32
    %add3A = arith.addi %mul3A_0, %arg0 : i32
    %mul3A_1 = arith.constant 512 : i32
    %mul3A_2 = arith.muli %add3A, %mul3A_1 : i32
    %dma_start3A = arith.constant 0 : i32
    %dma_start3A_3 = arith.constant 0 : i32
    %dma_start3A_4 = arith.constant 0 : i32
    %dma_start3A_5 = tpu.memref_slice %arg2[%add3A, %dma_start3A, %dma_start3A_3, %dma_start3A_4] : memref<32x2x64x256xf32, #tpu.memory_space<hbm>> -> memref<1x1x64x256xf32, #tpu.memory_space<hbm>>
    %dma_start3A_6 = tpu.memref_squeeze %dma_start3A_5 : memref<1x1x64x256xf32, #tpu.memory_space<hbm>> -> memref<64x256xf32, #tpu.memory_space<hbm>>
    %dma_start3A_7 = arith.constant 0 : i32
    %dma_start3A_8 = arith.constant 0 : i32
    %dma_start3A_9 = tpu.memref_slice %arg2[%add3A, %dma_start3A, %dma_start3A_7, %dma_start3A_8] : memref<32x2x64x256xf32, #tpu.memory_space<hbm>> -> memref<1x1x64x256xf32, #tpu.memory_space<hbm>>
    %dma_start3A_10 = tpu.memref_squeeze %dma_start3A_9 : memref<1x1x64x256xf32, #tpu.memory_space<hbm>> -> memref<64x256xf32, #tpu.memory_space<hbm>>
    tpu.enqueue_dma source(%dma_start3A_10 : memref<64x256xf32, #tpu.memory_space<hbm>>) target(%arg5 : memref<64x256xf32, #tpu.memory_space<vmem>>) target_semaphore(%arg11 : memref<!tpu.dma_semaphore, #tpu.memory_space<semaphore_mem>>)
    %dma_start3A_11 = arith.constant 1 : i32
    %dma_start3A_12 = arith.constant 0 : i32
    %dma_start3A_13 = arith.constant 0 : i32
    %dma_start3A_14 = tpu.memref_slice %arg2[%add3A, %dma_start3A_11, %dma_start3A_12, %dma_start3A_13] : memref<32x2x64x256xf32, #tpu.memory_space<hbm>> -> memref<1x1x64x256xf32, #tpu.memory_space<hbm>>
    %dma_start3A_15 = tpu.memref_squeeze %dma_start3A_14 : memref<1x1x64x256xf32, #tpu.memory_space<hbm>> -> memref<64x256xf32, #tpu.memory_space<hbm>>
    %dma_start3A_16 = arith.constant 0 : i32
    %dma_start3A_17 = arith.constant 0 : i32
    %dma_start3A_18 = tpu.memref_slice %arg2[%add3A, %dma_start3A_11, %dma_start3A_16, %dma_start3A_17] : memref<32x2x64x256xf32, #tpu.memory_space<hbm>> -> memref<1x1x64x256xf32, #tpu.memory_space<hbm>>
    %dma_start3A_19 = tpu.memref_squeeze %dma_start3A_18 : memref<1x1x64x256xf32, #tpu.memory_space<hbm>> -> memref<64x256xf32, #tpu.memory_space<hbm>>
    tpu.enqueue_dma source(%dma_start3A_19 : memref<64x256xf32, #tpu.memory_space<hbm>>) target(%arg6 : memref<64x256xf32, #tpu.memory_space<vmem>>) target_semaphore(%arg12 : memref<!tpu.dma_semaphore, #tpu.memory_space<semaphore_mem>>)
    %dma_wait3A = arith.constant 0 : i32
    %dma_wait3A_20 = arith.constant 0 : i32
    %dma_wait3A_21 = arith.constant 0 : i32
    %dma_wait3A_22 = tpu.memref_slice %arg2[%add3A, %dma_wait3A, %dma_wait3A_20, %dma_wait3A_21] : memref<32x2x64x256xf32, #tpu.memory_space<hbm>> -> memref<1x1x64x256xf32, #tpu.memory_space<hbm>>
    %dma_wait3A_23 = tpu.memref_squeeze %dma_wait3A_22 : memref<1x1x64x256xf32, #tpu.memory_space<hbm>> -> memref<64x256xf32, #tpu.memory_space<hbm>>
    %dma_wait3A_24 = arith.constant 0 : i32
    %dma_wait3A_25 = arith.constant 0 : i32
    %dma_wait3A_26 = tpu.memref_slice %arg2[%add3A, %dma_wait3A, %dma_wait3A_24, %dma_wait3A_25] : memref<32x2x64x256xf32, #tpu.memory_space<hbm>> -> memref<1x1x64x256xf32, #tpu.memory_space<hbm>>
    %dma_wait3A_27 = tpu.memref_squeeze %dma_wait3A_26 : memref<1x1x64x256xf32, #tpu.memory_space<hbm>> -> memref<64x256xf32, #tpu.memory_space<hbm>>
    tpu.wait_dma2 semaphore(%arg11 : memref<!tpu.dma_semaphore, #tpu.memory_space<semaphore_mem>>) src(%dma_wait3A_27 : memref<64x256xf32, #tpu.memory_space<hbm>>) dst(%arg5 : memref<64x256xf32, #tpu.memory_space<vmem>>)
    %scan3A = arith.constant 0 : i32
    %scan3A_28 = arith.constant 0 : i32
    %scan3A_29 = arith.constant 16 : i32
    %scan3A_30 = arith.addi %scan3A_28, %scan3A_29 : i32
    %scan3A_31 = arith.constant 1 : i32
    scf.for %scan3A_51 = %scan3A_28 to %scan3A_30 step %scan3A_31  : i32 {
      %mul3A_52 = arith.constant 16 : i32
      %mul3A_53 = arith.muli %scan3A_51, %mul3A_52 : i32
      %broadcast_in_dim3A = arith.constant 0xFF800000 : f32
      %broadcast_in_dim3A_54 = vector.broadcast %broadcast_in_dim3A : f32 to vector<16xf32>
      %broadcast_in_dim3A_55 = arith.constant 0xFF800000 : f32
      %broadcast_in_dim3A_56 = vector.broadcast %broadcast_in_dim3A_55 : f32 to vector<16xf32>
      %broadcast_in_dim3A_57 = arith.constant 0 : i32
      %broadcast_in_dim3A_58 = vector.broadcast %broadcast_in_dim3A_57 : i32 to vector<16xi32>
      %broadcast_in_dim3A_59 = arith.constant 0 : i32
      %broadcast_in_dim3A_60 = vector.broadcast %broadcast_in_dim3A_59 : i32 to vector<16xi32>
      %broadcast_in_dim3A_61 = arith.constant 0 : i32
      %broadcast_in_dim3A_62 = vector.broadcast %broadcast_in_dim3A_61 : i32 to vector<16xi32>
      %get3A = arith.constant 0 : i32
      %get3A_63 = arith.index_cast %get3A : i32 to index
      %get3A_64 = arith.index_cast %mul3A_53 : i32 to index
      %get3A_65 = tpu.vector_load %arg5[%get3A_63, %get3A_64] {strides = array<i32>} : memref<64x256xf32, #tpu.memory_space<vmem>>, vector<1x16xf32>,
      %get3A_66 = vector.shape_cast %get3A_65 : vector<1x16xf32> to vector<16xf32>
      %gt3A = arith.cmpf ogt, %get3A_66, %broadcast_in_dim3A_54 : vector<16xf32>
      %gt3A_67 = arith.cmpf ogt, %get3A_66, %broadcast_in_dim3A_56 : vector<16xf32>
      %select_n3A = arith.select %gt3A, %broadcast_in_dim3A_54, %get3A_66 : vector<16xi1>, vector<16xf32>
      %select_n3A_68 = arith.select %gt3A_67, %select_n3A, %broadcast_in_dim3A_56 : vector<16xi1>, vector<16xf32>
      %select_n3A_69 = arith.select %gt3A, %broadcast_in_dim3A_58, %broadcast_in_dim3A_62 : vector<16xi1>, vector<16xi32>
      %select_n3A_70 = arith.select %gt3A_67, %select_n3A_69, %broadcast_in_dim3A_60 : vector<16xi1>, vector<16xi32>
      %select_n3A_71 = arith.select %gt3A, %get3A_66, %broadcast_in_dim3A_54 : vector<16xi1>, vector<16xf32>
      %select_n3A_72 = arith.select %gt3A, %broadcast_in_dim3A_62, %broadcast_in_dim3A_58 : vector<16xi1>, vector<16xi32>
      %broadcast_in_dim3A_73 = arith.constant 1 : i32
      %broadcast_in_dim3A_74 = vector.broadcast %broadcast_in_dim3A_73 : i32 to vector<16xi32>
      %get3A_75 = arith.constant 1 : i32
      %get3A_76 = arith.index_cast %get3A_75 : i32 to index
      %get3A_77 = arith.index_cast %mul3A_53 : i32 to index
      %get3A_78 = tpu.vector_load %arg5[%get3A_76, %get3A_77] {strides = array<i32>} : memref<64x256xf32, #tpu.memory_space<vmem>>, vector<1x16xf32>,
      %get3A_79 = vector.shape_cast %get3A_78 : vector<1x16xf32> to vector<16xf32>
      %gt3A_80 = arith.cmpf ogt, %get3A_79, %select_n3A_71 : vector<16xf32>
      %gt3A_81 = arith.cmpf ogt, %get3A_79, %select_n3A_68 : vector<16xf32>
      %select_n3A_82 = arith.select %gt3A_80, %select_n3A_71, %get3A_79 : vector<16xi1>, vector<16xf32>
      %select_n3A_83 = arith.select %gt3A_81, %select_n3A_82, %select_n3A_68 : vector<16xi1>, vector<16xf32>
      %select_n3A_84 = arith.select %gt3A_80, %select_n3A_72, %broadcast_in_dim3A_74 : vector<16xi1>, vector<16xi32>
      %select_n3A_85 = arith.select %gt3A_81, %select_n3A_84, %select_n3A_70 : vector<16xi1>, vector<16xi32>
      %select_n3A_86 = arith.select %gt3A_80, %get3A_79, %select_n3A_71 : vector<16xi1>, vector<16xf32>
      %select_n3A_87 = arith.select %gt3A_80, %broadcast_in_dim3A_74, %select_n3A_72 : vector<16xi1>, vector<16xi32>
      %broadcast_in_dim3A_88 = arith.constant 2 : i32
      %broadcast_in_dim3A_89 = vector.broadcast %broadcast_in_dim3A_88 : i32 to vector<16xi32>
      %get3A_90 = arith.constant 2 : i32
      %get3A_91 = arith.index_cast %get3A_90 : i32 to index
      %get3A_92 = arith.index_cast %mul3A_53 : i32 to index
      %get3A_93 = tpu.vector_load %arg5[%get3A_91, %get3A_92] {strides = array<i32>} : memref<64x256xf32, #tpu.memory_space<vmem>>, vector<1x16xf32>,
      %get3A_94 = vector.shape_cast %get3A_93 : vector<1x16xf32> to vector<16xf32>
      %gt3A_95 = arith.cmpf ogt, %get3A_94, %select_n3A_86 : vector<16xf32>
      %gt3A_96 = arith.cmpf ogt, %get3A_94, %select_n3A_83 : vector<16xf32>
      %select_n3A_97 = arith.select %gt3A_95, %select_n3A_86, %get3A_94 : vector<16xi1>, vector<16xf32>
      %select_n3A_98 = arith.select %gt3A_96, %select_n3A_97, %select_n3A_83 : vector<16xi1>, vector<16xf32>
      %select_n3A_99 = arith.select %gt3A_95, %select_n3A_87, %broadcast_in_dim3A_89 : vector<16xi1>, vector<16xi32>
      %select_n3A_100 = arith.select %gt3A_96, %select_n3A_99, %select_n3A_85 : vector<16xi1>, vector<16xi32>
      %select_n3A_101 = arith.select %gt3A_95, %get3A_94, %select_n3A_86 : vector<16xi1>, vector<16xf32>
      %select_n3A_102 = arith.select %gt3A_95, %broadcast_in_dim3A_89, %select_n3A_87 : vector<16xi1>, vector<16xi32>
      %broadcast_in_dim3A_103 = arith.constant 3 : i32
      %broadcast_in_dim3A_104 = vector.broadcast %broadcast_in_dim3A_103 : i32 to vector<16xi32>
      %get3A_105 = arith.constant 3 : i32
      %get3A_106 = arith.index_cast %get3A_105 : i32 to index
      %get3A_107 = arith.index_cast %mul3A_53 : i32 to index
      %get3A_108 = tpu.vector_load %arg5[%get3A_106, %get3A_107] {strides = array<i32>} : memref<64x256xf32, #tpu.memory_space<vmem>>, vector<1x16xf32>,
      %get3A_109 = vector.shape_cast %get3A_108 : vector<1x16xf32> to vector<16xf32>
      %gt3A_110 = arith.cmpf ogt, %get3A_109, %select_n3A_101 : vector<16xf32>
      %gt3A_111 = arith.cmpf ogt, %get3A_109, %select_n3A_98 : vector<16xf32>
      %select_n3A_112 = arith.select %gt3A_110, %select_n3A_101, %get3A_109 : vector<16xi1>, vector<16xf32>
      %select_n3A_113 = arith.select %gt3A_111, %select_n3A_112, %select_n3A_98 : vector<16xi1>, vector<16xf32>
      %select_n3A_114 = arith.select %gt3A_110, %select_n3A_102, %broadcast_in_dim3A_104 : vector<16xi1>, vector<16xi32>
      %select_n3A_115 = arith.select %gt3A_111, %select_n3A_114, %select_n3A_100 : vector<16xi1>, vector<16xi32>
      %select_n3A_116 = arith.select %gt3A_110, %get3A_109, %select_n3A_101 : vector<16xi1>, vector<16xf32>
      %select_n3A_117 = arith.select %gt3A_110, %broadcast_in_dim3A_104, %select_n3A_102 : vector<16xi1>, vector<16xi32>
      %broadcast_in_dim3A_118 = arith.constant 4 : i32
      %broadcast_in_dim3A_119 = vector.broadcast %broadcast_in_dim3A_118 : i32 to vector<16xi32>
      %get3A_120 = arith.constant 4 : i32
      %get3A_121 = arith.index_cast %get3A_120 : i32 to index
      %get3A_122 = arith.index_cast %mul3A_53 : i32 to index
      %get3A_123 = tpu.vector_load %arg5[%get3A_121, %get3A_122] {strides = array<i32>} : memref<64x256xf32, #tpu.memory_space<vmem>>, vector<1x16xf32>,
      %get3A_124 = vector.shape_cast %get3A_123 : vector<1x16xf32> to vector<16xf32>
      %gt3A_125 = arith.cmpf ogt, %get3A_124, %select_n3A_116 : vector<16xf32>
      %gt3A_126 = arith.cmpf ogt, %get3A_124, %select_n3A_113 : vector<16xf32>
      %select_n3A_127 = arith.select %gt3A_125, %select_n3A_116, %get3A_124 : vector<16xi1>, vector<16xf32>
      %select_n3A_128 = arith.select %gt3A_126, %select_n3A_127, %select_n3A_113 : vector<16xi1>, vector<16xf32>
      %select_n3A_129 = arith.select %gt3A_125, %select_n3A_117, %broadcast_in_dim3A_119 : vector<16xi1>, vector<16xi32>
      %select_n3A_130 = arith.select %gt3A_126, %select_n3A_129, %select_n3A_115 : vector<16xi1>, vector<16xi32>
      %select_n3A_131 = arith.select %gt3A_125, %get3A_124, %select_n3A_116 : vector<16xi1>, vector<16xf32>
      %select_n3A_132 = arith.select %gt3A_125, %broadcast_in_dim3A_119, %select_n3A_117 : vector<16xi1>, vector<16xi32>
      %broadcast_in_dim3A_133 = arith.constant 5 : i32
      %broadcast_in_dim3A_134 = vector.broadcast %broadcast_in_dim3A_133 : i32 to vector<16xi32>
      %get3A_135 = arith.constant 5 : i32
      %get3A_136 = arith.index_cast %get3A_135 : i32 to index
      %get3A_137 = arith.index_cast %mul3A_53 : i32 to index
      %get3A_138 = tpu.vector_load %arg5[%get3A_136, %get3A_137] {strides = array<i32>} : memref<64x256xf32, #tpu.memory_space<vmem>>, vector<1x16xf32>,
      %get3A_139 = vector.shape_cast %get3A_138 : vector<1x16xf32> to vector<16xf32>
      %gt3A_140 = arith.cmpf ogt, %get3A_139, %select_n3A_131 : vector<16xf32>
      %gt3A_141 = arith.cmpf ogt, %get3A_139, %select_n3A_128 : vector<16xf32>
      %select_n3A_142 = arith.select %gt3A_140, %select_n3A_131, %get3A_139 : vector<16xi1>, vector<16xf32>
      %select_n3A_143 = arith.select %gt3A_141, %select_n3A_142, %select_n3A_128 : vector<16xi1>, vector<16xf32>
      %select_n3A_144 = arith.select %gt3A_140, %select_n3A_132, %broadcast_in_dim3A_134 : vector<16xi1>, vector<16xi32>
      %select_n3A_145 = arith.select %gt3A_141, %select_n3A_144, %select_n3A_130 : vector<16xi1>, vector<16xi32>
      %select_n3A_146 = arith.select %gt3A_140, %get3A_139, %select_n3A_131 : vector<16xi1>, vector<16xf32>
      %select_n3A_147 = arith.select %gt3A_140, %broadcast_in_dim3A_134, %select_n3A_132 : vector<16xi1>, vector<16xi32>
      %broadcast_in_dim3A_148 = arith.constant 6 : i32
      %broadcast_in_dim3A_149 = vector.broadcast %broadcast_in_dim3A_148 : i32 to vector<16xi32>
      %get3A_150 = arith.constant 6 : i32
      %get3A_151 = arith.index_cast %get3A_150 : i32 to index
      %get3A_152 = arith.index_cast %mul3A_53 : i32 to index
      %get3A_153 = tpu.vector_load %arg5[%get3A_151, %get3A_152] {strides = array<i32>} : memref<64x256xf32, #tpu.memory_space<vmem>>, vector<1x16xf32>,
      %get3A_154 = vector.shape_cast %get3A_153 : vector<1x16xf32> to vector<16xf32>
      %gt3A_155 = arith.cmpf ogt, %get3A_154, %select_n3A_146 : vector<16xf32>
      %gt3A_156 = arith.cmpf ogt, %get3A_154, %select_n3A_143 : vector<16xf32>
      %select_n3A_157 = arith.select %gt3A_155, %select_n3A_146, %get3A_154 : vector<16xi1>, vector<16xf32>
      %select_n3A_158 = arith.select %gt3A_156, %select_n3A_157, %select_n3A_143 : vector<16xi1>, vector<16xf32>
      %select_n3A_159 = arith.select %gt3A_155, %select_n3A_147, %broadcast_in_dim3A_149 : vector<16xi1>, vector<16xi32>
      %select_n3A_160 = arith.select %gt3A_156, %select_n3A_159, %select_n3A_145 : vector<16xi1>, vector<16xi32>
      %select_n3A_161 = arith.select %gt3A_155, %get3A_154, %select_n3A_146 : vector<16xi1>, vector<16xf32>
      %select_n3A_162 = arith.select %gt3A_155, %broadcast_in_dim3A_149, %select_n3A_147 : vector<16xi1>, vector<16xi32>
      %broadcast_in_dim3A_163 = arith.constant 7 : i32
      %broadcast_in_dim3A_164 = vector.broadcast %broadcast_in_dim3A_163 : i32 to vector<16xi32>
      %get3A_165 = arith.constant 7 : i32
      %get3A_166 = arith.index_cast %get3A_165 : i32 to index
      %get3A_167 = arith.index_cast %mul3A_53 : i32 to index
      %get3A_168 = tpu.vector_load %arg5[%get3A_166, %get3A_167] {strides = array<i32>} : memref<64x256xf32, #tpu.memory_space<vmem>>, vector<1x16xf32>,
      %get3A_169 = vector.shape_cast %get3A_168 : vector<1x16xf32> to vector<16xf32>
      %gt3A_170 = arith.cmpf ogt, %get3A_169, %select_n3A_161 : vector<16xf32>
      %gt3A_171 = arith.cmpf ogt, %get3A_169, %select_n3A_158 : vector<16xf32>
      %select_n3A_172 = arith.select %gt3A_170, %select_n3A_161, %get3A_169 : vector<16xi1>, vector<16xf32>
      %select_n3A_173 = arith.select %gt3A_171, %select_n3A_172, %select_n3A_158 : vector<16xi1>, vector<16xf32>
      %select_n3A_174 = arith.select %gt3A_170, %select_n3A_162, %broadcast_in_dim3A_164 : vector<16xi1>, vector<16xi32>
      %select_n3A_175 = arith.select %gt3A_171, %select_n3A_174, %select_n3A_160 : vector<16xi1>, vector<16xi32>
      %select_n3A_176 = arith.select %gt3A_170, %get3A_169, %select_n3A_161 : vector<16xi1>, vector<16xf32>
      %select_n3A_177 = arith.select %gt3A_170, %broadcast_in_dim3A_164, %select_n3A_162 : vector<16xi1>, vector<16xi32>
      %broadcast_in_dim3A_178 = arith.constant 8 : i32
      %broadcast_in_dim3A_179 = vector.broadcast %broadcast_in_dim3A_178 : i32 to vector<16xi32>
      %get3A_180 = arith.constant 8 : i32
      %get3A_181 = arith.index_cast %get3A_180 : i32 to index
      %get3A_182 = arith.index_cast %mul3A_53 : i32 to index
      %get3A_183 = tpu.vector_load %arg5[%get3A_181, %get3A_182] {strides = array<i32>} : memref<64x256xf32, #tpu.memory_space<vmem>>, vector<1x16xf32>,
      %get3A_184 = vector.shape_cast %get3A_183 : vector<1x16xf32> to vector<16xf32>
      %gt3A_185 = arith.cmpf ogt, %get3A_184, %select_n3A_176 : vector<16xf32>
      %gt3A_186 = arith.cmpf ogt, %get3A_184, %select_n3A_173 : vector<16xf32>
      %select_n3A_187 = arith.select %gt3A_185, %select_n3A_176, %get3A_184 : vector<16xi1>, vector<16xf32>
      %select_n3A_188 = arith.select %gt3A_186, %select_n3A_187, %select_n3A_173 : vector<16xi1>, vector<16xf32>
      %select_n3A_189 = arith.select %gt3A_185, %select_n3A_177, %broadcast_in_dim3A_179 : vector<16xi1>, vector<16xi32>
      %select_n3A_190 = arith.select %gt3A_186, %select_n3A_189, %select_n3A_175 : vector<16xi1>, vector<16xi32>
      %select_n3A_191 = arith.select %gt3A_185, %get3A_184, %select_n3A_176 : vector<16xi1>, vector<16xf32>
      %select_n3A_192 = arith.select %gt3A_185, %broadcast_in_dim3A_179, %select_n3A_177 : vector<16xi1>, vector<16xi32>
      %broadcast_in_dim3A_193 = arith.constant 9 : i32
      %broadcast_in_dim3A_194 = vector.broadcast %broadcast_in_dim3A_193 : i32 to vector<16xi32>
      %get3A_195 = arith.constant 9 : i32
      %get3A_196 = arith.index_cast %get3A_195 : i32 to index
      %get3A_197 = arith.index_cast %mul3A_53 : i32 to index
      %get3A_198 = tpu.vector_load %arg5[%get3A_196, %get3A_197] {strides = array<i32>} : memref<64x256xf32, #tpu.memory_space<vmem>>, vector<1x16xf32>,
      %get3A_199 = vector.shape_cast %get3A_198 : vector<1x16xf32> to vector<16xf32>
      %gt3A_200 = arith.cmpf ogt, %get3A_199, %select_n3A_191 : vector<16xf32>
      %gt3A_201 = arith.cmpf ogt, %get3A_199, %select_n3A_188 : vector<16xf32>
      %select_n3A_202 = arith.select %gt3A_200, %select_n3A_191, %get3A_199 : vector<16xi1>, vector<16xf32>
      %select_n3A_203 = arith.select %gt3A_201, %select_n3A_202, %select_n3A_188 : vector<16xi1>, vector<16xf32>
      %select_n3A_204 = arith.select %gt3A_200, %select_n3A_192, %broadcast_in_dim3A_194 : vector<16xi1>, vector<16xi32>
      %select_n3A_205 = arith.select %gt3A_201, %select_n3A_204, %select_n3A_190 : vector<16xi1>, vector<16xi32>
      %select_n3A_206 = arith.select %gt3A_200, %get3A_199, %select_n3A_191 : vector<16xi1>, vector<16xf32>
      %select_n3A_207 = arith.select %gt3A_200, %broadcast_in_dim3A_194, %select_n3A_192 : vector<16xi1>, vector<16xi32>
      %broadcast_in_dim3A_208 = arith.constant 10 : i32
      %broadcast_in_dim3A_209 = vector.broadcast %broadcast_in_dim3A_208 : i32 to vector<16xi32>
      %get3A_210 = arith.constant 10 : i32
      %get3A_211 = arith.index_cast %get3A_210 : i32 to index
      %get3A_212 = arith.index_cast %mul3A_53 : i32 to index
      %get3A_213 = tpu.vector_load %arg5[%get3A_211, %get3A_212] {strides = array<i32>} : memref<64x256xf32, #tpu.memory_space<vmem>>, vector<1x16xf32>,
      %get3A_214 = vector.shape_cast %get3A_213 : vector<1x16xf32> to vector<16xf32>
      %gt3A_215 = arith.cmpf ogt, %get3A_214, %select_n3A_206 : vector<16xf32>
      %gt3A_216 = arith.cmpf ogt, %get3A_214, %select_n3A_203 : vector<16xf32>
      %select_n3A_217 = arith.select %gt3A_215, %select_n3A_206, %get3A_214 : vector<16xi1>, vector<16xf32>
      %select_n3A_218 = arith.select %gt3A_216, %select_n3A_217, %select_n3A_203 : vector<16xi1>, vector<16xf32>
      %select_n3A_219 = arith.select %gt3A_215, %select_n3A_207, %broadcast_in_dim3A_209 : vector<16xi1>, vector<16xi32>
      %select_n3A_220 = arith.select %gt3A_216, %select_n3A_219, %select_n3A_205 : vector<16xi1>, vector<16xi32>
      %select_n3A_221 = arith.select %gt3A_215, %get3A_214, %select_n3A_206 : vector<16xi1>, vector<16xf32>
      %select_n3A_222 = arith.select %gt3A_215, %broadcast_in_dim3A_209, %select_n3A_207 : vector<16xi1>, vector<16xi32>
      %broadcast_in_dim3A_223 = arith.constant 11 : i32
      %broadcast_in_dim3A_224 = vector.broadcast %broadcast_in_dim3A_223 : i32 to vector<16xi32>
      %get3A_225 = arith.constant 11 : i32
      %get3A_226 = arith.index_cast %get3A_225 : i32 to index
      %get3A_227 = arith.index_cast %mul3A_53 : i32 to index
      %get3A_228 = tpu.vector_load %arg5[%get3A_226, %get3A_227] {strides = array<i32>} : memref<64x256xf32, #tpu.memory_space<vmem>>, vector<1x16xf32>,
      %get3A_229 = vector.shape_cast %get3A_228 : vector<1x16xf32> to vector<16xf32>
      %gt3A_230 = arith.cmpf ogt, %get3A_229, %select_n3A_221 : vector<16xf32>
      %gt3A_231 = arith.cmpf ogt, %get3A_229, %select_n3A_218 : vector<16xf32>
      %select_n3A_232 = arith.select %gt3A_230, %select_n3A_221, %get3A_229 : vector<16xi1>, vector<16xf32>
      %select_n3A_233 = arith.select %gt3A_231, %select_n3A_232, %select_n3A_218 : vector<16xi1>, vector<16xf32>
      %select_n3A_234 = arith.select %gt3A_230, %select_n3A_222, %broadcast_in_dim3A_224 : vector<16xi1>, vector<16xi32>
      %select_n3A_235 = arith.select %gt3A_231, %select_n3A_234, %select_n3A_220 : vector<16xi1>, vector<16xi32>
      %select_n3A_236 = arith.select %gt3A_230, %get3A_229, %select_n3A_221 : vector<16xi1>, vector<16xf32>
      %select_n3A_237 = arith.select %gt3A_230, %broadcast_in_dim3A_224, %select_n3A_222 : vector<16xi1>, vector<16xi32>
      %broadcast_in_dim3A_238 = arith.constant 12 : i32
      %broadcast_in_dim3A_239 = vector.broadcast %broadcast_in_dim3A_238 : i32 to vector<16xi32>
      %get3A_240 = arith.constant 12 : i32
      %get3A_241 = arith.index_cast %get3A_240 : i32 to index
      %get3A_242 = arith.index_cast %mul3A_53 : i32 to index
      %get3A_243 = tpu.vector_load %arg5[%get3A_241, %get3A_242] {strides = array<i32>} : memref<64x256xf32, #tpu.memory_space<vmem>>, vector<1x16xf32>,
      %get3A_244 = vector.shape_cast %get3A_243 : vector<1x16xf32> to vector<16xf32>
      %gt3A_245 = arith.cmpf ogt, %get3A_244, %select_n3A_236 : vector<16xf32>
      %gt3A_246 = arith.cmpf ogt, %get3A_244, %select_n3A_233 : vector<16xf32>
      %select_n3A_247 = arith.select %gt3A_245, %select_n3A_236, %get3A_244 : vector<16xi1>, vector<16xf32>
      %select_n3A_248 = arith.select %gt3A_246, %select_n3A_247, %select_n3A_233 : vector<16xi1>, vector<16xf32>
      %select_n3A_249 = arith.select %gt3A_245, %select_n3A_237, %broadcast_in_dim3A_239 : vector<16xi1>, vector<16xi32>
      %select_n3A_250 = arith.select %gt3A_246, %select_n3A_249, %select_n3A_235 : vector<16xi1>, vector<16xi32>
      %select_n3A_251 = arith.select %gt3A_245, %get3A_244, %select_n3A_236 : vector<16xi1>, vector<16xf32>
      %select_n3A_252 = arith.select %gt3A_245, %broadcast_in_dim3A_239, %select_n3A_237 : vector<16xi1>, vector<16xi32>
      %broadcast_in_dim3A_253 = arith.constant 13 : i32
      %broadcast_in_dim3A_254 = vector.broadcast %broadcast_in_dim3A_253 : i32 to vector<16xi32>
      %get3A_255 = arith.constant 13 : i32
      %get3A_256 = arith.index_cast %get3A_255 : i32 to index
      %get3A_257 = arith.index_cast %mul3A_53 : i32 to index
      %get3A_258 = tpu.vector_load %arg5[%get3A_256, %get3A_257] {strides = array<i32>} : memref<64x256xf32, #tpu.memory_space<vmem>>, vector<1x16xf32>,
      %get3A_259 = vector.shape_cast %get3A_258 : vector<1x16xf32> to vector<16xf32>
      %gt3A_260 = arith.cmpf ogt, %get3A_259, %select_n3A_251 : vector<16xf32>
      %gt3A_261 = arith.cmpf ogt, %get3A_259, %select_n3A_248 : vector<16xf32>
      %select_n3A_262 = arith.select %gt3A_260, %select_n3A_251, %get3A_259 : vector<16xi1>, vector<16xf32>
      %select_n3A_263 = arith.select %gt3A_261, %select_n3A_262, %select_n3A_248 : vector<16xi1>, vector<16xf32>
      %select_n3A_264 = arith.select %gt3A_260, %select_n3A_252, %broadcast_in_dim3A_254 : vector<16xi1>, vector<16xi32>
      %select_n3A_265 = arith.select %gt3A_261, %select_n3A_264, %select_n3A_250 : vector<16xi1>, vector<16xi32>
      %select_n3A_266 = arith.select %gt3A_260, %get3A_259, %select_n3A_251 : vector<16xi1>, vector<16xf32>
      %select_n3A_267 = arith.select %gt3A_260, %broadcast_in_dim3A_254, %select_n3A_252 : vector<16xi1>, vector<16xi32>
      %broadcast_in_dim3A_268 = arith.constant 14 : i32
      %broadcast_in_dim3A_269 = vector.broadcast %broadcast_in_dim3A_268 : i32 to vector<16xi32>
      %get3A_270 = arith.constant 14 : i32
      %get3A_271 = arith.index_cast %get3A_270 : i32 to index
      %get3A_272 = arith.index_cast %mul3A_53 : i32 to index
      %get3A_273 = tpu.vector_load %arg5[%get3A_271, %get3A_272] {strides = array<i32>} : memref<64x256xf32, #tpu.memory_space<vmem>>, vector<1x16xf32>,
      %get3A_274 = vector.shape_cast %get3A_273 : vector<1x16xf32> to vector<16xf32>
      %gt3A_275 = arith.cmpf ogt, %get3A_274, %select_n3A_266 : vector<16xf32>
      %gt3A_276 = arith.cmpf ogt, %get3A_274, %select_n3A_263 : vector<16xf32>
      %select_n3A_277 = arith.select %gt3A_275, %select_n3A_266, %get3A_274 : vector<16xi1>, vector<16xf32>
      %select_n3A_278 = arith.select %gt3A_276, %select_n3A_277, %select_n3A_263 : vector<16xi1>, vector<16xf32>
      %select_n3A_279 = arith.select %gt3A_275, %select_n3A_267, %broadcast_in_dim3A_269 : vector<16xi1>, vector<16xi32>
      %select_n3A_280 = arith.select %gt3A_276, %select_n3A_279, %select_n3A_265 : vector<16xi1>, vector<16xi32>
      %select_n3A_281 = arith.select %gt3A_275, %get3A_274, %select_n3A_266 : vector<16xi1>, vector<16xf32>
      %select_n3A_282 = arith.select %gt3A_275, %broadcast_in_dim3A_269, %select_n3A_267 : vector<16xi1>, vector<16xi32>
      %broadcast_in_dim3A_283 = arith.constant 15 : i32
      %broadcast_in_dim3A_284 = vector.broadcast %broadcast_in_dim3A_283 : i32 to vector<16xi32>
      %get3A_285 = arith.constant 15 : i32
      %get3A_286 = arith.index_cast %get3A_285 : i32 to index
      %get3A_287 = arith.index_cast %mul3A_53 : i32 to index
      %get3A_288 = tpu.vector_load %arg5[%get3A_286, %get3A_287] {strides = array<i32>} : memref<64x256xf32, #tpu.memory_space<vmem>>, vector<1x16xf32>,
      %get3A_289 = vector.shape_cast %get3A_288 : vector<1x16xf32> to vector<16xf32>
      %gt3A_290 = arith.cmpf ogt, %get3A_289, %select_n3A_281 : vector<16xf32>
      %gt3A_291 = arith.cmpf ogt, %get3A_289, %select_n3A_278 : vector<16xf32>
      %select_n3A_292 = arith.select %gt3A_290, %select_n3A_281, %get3A_289 : vector<16xi1>, vector<16xf32>
      %select_n3A_293 = arith.select %gt3A_291, %select_n3A_292, %select_n3A_278 : vector<16xi1>, vector<16xf32>
      %select_n3A_294 = arith.select %gt3A_290, %select_n3A_282, %broadcast_in_dim3A_284 : vector<16xi1>, vector<16xi32>
      %select_n3A_295 = arith.select %gt3A_291, %select_n3A_294, %select_n3A_280 : vector<16xi1>, vector<16xi32>
      %select_n3A_296 = arith.select %gt3A_290, %get3A_289, %select_n3A_281 : vector<16xi1>, vector<16xf32>
      %select_n3A_297 = arith.select %gt3A_290, %broadcast_in_dim3A_284, %select_n3A_282 : vector<16xi1>, vector<16xi32>
      %broadcast_in_dim3A_298 = arith.constant 16 : i32
      %broadcast_in_dim3A_299 = vector.broadcast %broadcast_in_dim3A_298 : i32 to vector<16xi32>
      %get3A_300 = arith.constant 16 : i32
      %get3A_301 = arith.index_cast %get3A_300 : i32 to index
      %get3A_302 = arith.index_cast %mul3A_53 : i32 to index
      %get3A_303 = tpu.vector_load %arg5[%get3A_301, %get3A_302] {strides = array<i32>} : memref<64x256xf32, #tpu.memory_space<vmem>>, vector<1x16xf32>,
      %get3A_304 = vector.shape_cast %get3A_303 : vector<1x16xf32> to vector<16xf32>
      %gt3A_305 = arith.cmpf ogt, %get3A_304, %select_n3A_296 : vector<16xf32>
      %gt3A_306 = arith.cmpf ogt, %get3A_304, %select_n3A_293 : vector<16xf32>
      %select_n3A_307 = arith.select %gt3A_305, %select_n3A_296, %get3A_304 : vector<16xi1>, vector<16xf32>
      %select_n3A_308 = arith.select %gt3A_306, %select_n3A_307, %select_n3A_293 : vector<16xi1>, vector<16xf32>
      %select_n3A_309 = arith.select %gt3A_305, %select_n3A_297, %broadcast_in_dim3A_299 : vector<16xi1>, vector<16xi32>
      %select_n3A_310 = arith.select %gt3A_306, %select_n3A_309, %select_n3A_295 : vector<16xi1>, vector<16xi32>
      %select_n3A_311 = arith.select %gt3A_305, %get3A_304, %select_n3A_296 : vector<16xi1>, vector<16xf32>
      %select_n3A_312 = arith.select %gt3A_305, %broadcast_in_dim3A_299, %select_n3A_297 : vector<16xi1>, vector<16xi32>
      %broadcast_in_dim3A_313 = arith.constant 17 : i32
      %broadcast_in_dim3A_314 = vector.broadcast %broadcast_in_dim3A_313 : i32 to vector<16xi32>
      %get3A_315 = arith.constant 17 : i32
      %get3A_316 = arith.index_cast %get3A_315 : i32 to index
      %get3A_317 = arith.index_cast %mul3A_53 : i32 to index
      %get3A_318 = tpu.vector_load %arg5[%get3A_316, %get3A_317] {strides = array<i32>} : memref<64x256xf32, #tpu.memory_space<vmem>>, vector<1x16xf32>,
      %get3A_319 = vector.shape_cast %get3A_318 : vector<1x16xf32> to vector<16xf32>
      %gt3A_320 = arith.cmpf ogt, %get3A_319, %select_n3A_311 : vector<16xf32>
      %gt3A_321 = arith.cmpf ogt, %get3A_319, %select_n3A_308 : vector<16xf32>
      %select_n3A_322 = arith.select %gt3A_320, %select_n3A_311, %get3A_319 : vector<16xi1>, vector<16xf32>
      %select_n3A_323 = arith.select %gt3A_321, %select_n3A_322, %select_n3A_308 : vector<16xi1>, vector<16xf32>
      %select_n3A_324 = arith.select %gt3A_320, %select_n3A_312, %broadcast_in_dim3A_314 : vector<16xi1>, vector<16xi32>
      %select_n3A_325 = arith.select %gt3A_321, %select_n3A_324, %select_n3A_310 : vector<16xi1>, vector<16xi32>
      %select_n3A_326 = arith.select %gt3A_320, %get3A_319, %select_n3A_311 : vector<16xi1>, vector<16xf32>
      %select_n3A_327 = arith.select %gt3A_320, %broadcast_in_dim3A_314, %select_n3A_312 : vector<16xi1>, vector<16xi32>
      %broadcast_in_dim3A_328 = arith.constant 18 : i32
      %broadcast_in_dim3A_329 = vector.broadcast %broadcast_in_dim3A_328 : i32 to vector<16xi32>
      %get3A_330 = arith.constant 18 : i32
      %get3A_331 = arith.index_cast %get3A_330 : i32 to index
      %get3A_332 = arith.index_cast %mul3A_53 : i32 to index
      %get3A_333 = tpu.vector_load %arg5[%get3A_331, %get3A_332] {strides = array<i32>} : memref<64x256xf32, #tpu.memory_space<vmem>>, vector<1x16xf32>,
      %get3A_334 = vector.shape_cast %get3A_333 : vector<1x16xf32> to vector<16xf32>
      %gt3A_335 = arith.cmpf ogt, %get3A_334, %select_n3A_326 : vector<16xf32>
      %gt3A_336 = arith.cmpf ogt, %get3A_334, %select_n3A_323 : vector<16xf32>
      %select_n3A_337 = arith.select %gt3A_335, %select_n3A_326, %get3A_334 : vector<16xi1>, vector<16xf32>
      %select_n3A_338 = arith.select %gt3A_336, %select_n3A_337, %select_n3A_323 : vector<16xi1>, vector<16xf32>
      %select_n3A_339 = arith.select %gt3A_335, %select_n3A_327, %broadcast_in_dim3A_329 : vector<16xi1>, vector<16xi32>
      %select_n3A_340 = arith.select %gt3A_336, %select_n3A_339, %select_n3A_325 : vector<16xi1>, vector<16xi32>
      %select_n3A_341 = arith.select %gt3A_335, %get3A_334, %select_n3A_326 : vector<16xi1>, vector<16xf32>
      %select_n3A_342 = arith.select %gt3A_335, %broadcast_in_dim3A_329, %select_n3A_327 : vector<16xi1>, vector<16xi32>
      %broadcast_in_dim3A_343 = arith.constant 19 : i32
      %broadcast_in_dim3A_344 = vector.broadcast %broadcast_in_dim3A_343 : i32 to vector<16xi32>
      %get3A_345 = arith.constant 19 : i32
      %get3A_346 = arith.index_cast %get3A_345 : i32 to index
      %get3A_347 = arith.index_cast %mul3A_53 : i32 to index
      %get3A_348 = tpu.vector_load %arg5[%get3A_346, %get3A_347] {strides = array<i32>} : memref<64x256xf32, #tpu.memory_space<vmem>>, vector<1x16xf32>,
      %get3A_349 = vector.shape_cast %get3A_348 : vector<1x16xf32> to vector<16xf32>
      %gt3A_350 = arith.cmpf ogt, %get3A_349, %select_n3A_341 : vector<16xf32>
      %gt3A_351 = arith.cmpf ogt, %get3A_349, %select_n3A_338 : vector<16xf32>
      %select_n3A_352 = arith.select %gt3A_350, %select_n3A_341, %get3A_349 : vector<16xi1>, vector<16xf32>
      %select_n3A_353 = arith.select %gt3A_351, %select_n3A_352, %select_n3A_338 : vector<16xi1>, vector<16xf32>
      %select_n3A_354 = arith.select %gt3A_350, %select_n3A_342, %broadcast_in_dim3A_344 : vector<16xi1>, vector<16xi32>
      %select_n3A_355 = arith.select %gt3A_351, %select_n3A_354, %select_n3A_340 : vector<16xi1>, vector<16xi32>
      %select_n3A_356 = arith.select %gt3A_350, %get3A_349, %select_n3A_341 : vector<16xi1>, vector<16xf32>
      %select_n3A_357 = arith.select %gt3A_350, %broadcast_in_dim3A_344, %select_n3A_342 : vector<16xi1>, vector<16xi32>
      %broadcast_in_dim3A_358 = arith.constant 20 : i32
      %broadcast_in_dim3A_359 = vector.broadcast %broadcast_in_dim3A_358 : i32 to vector<16xi32>
      %get3A_360 = arith.constant 20 : i32
      %get3A_361 = arith.index_cast %get3A_360 : i32 to index
      %get3A_362 = arith.index_cast %mul3A_53 : i32 to index
      %get3A_363 = tpu.vector_load %arg5[%get3A_361, %get3A_362] {strides = array<i32>} : memref<64x256xf32, #tpu.memory_space<vmem>>, vector<1x16xf32>,
      %get3A_364 = vector.shape_cast %get3A_363 : vector<1x16xf32> to vector<16xf32>
      %gt3A_365 = arith.cmpf ogt, %get3A_364, %select_n3A_356 : vector<16xf32>
      %gt3A_366 = arith.cmpf ogt, %get3A_364, %select_n3A_353 : vector<16xf32>
      %select_n3A_367 = arith.select %gt3A_365, %select_n3A_356, %get3A_364 : vector<16xi1>, vector<16xf32>
      %select_n3A_368 = arith.select %gt3A_366, %select_n3A_367, %select_n3A_353 : vector<16xi1>, vector<16xf32>
      %select_n3A_369 = arith.select %gt3A_365, %select_n3A_357, %broadcast_in_dim3A_359 : vector<16xi1>, vector<16xi32>
      %select_n3A_370 = arith.select %gt3A_366, %select_n3A_369, %select_n3A_355 : vector<16xi1>, vector<16xi32>
      %select_n3A_371 = arith.select %gt3A_365, %get3A_364, %select_n3A_356 : vector<16xi1>, vector<16xf32>
      %select_n3A_372 = arith.select %gt3A_365, %broadcast_in_dim3A_359, %select_n3A_357 : vector<16xi1>, vector<16xi32>
      %broadcast_in_dim3A_373 = arith.constant 21 : i32
      %broadcast_in_dim3A_374 = vector.broadcast %broadcast_in_dim3A_373 : i32 to vector<16xi32>
      %get3A_375 = arith.constant 21 : i32
      %get3A_376 = arith.index_cast %get3A_375 : i32 to index
      %get3A_377 = arith.index_cast %mul3A_53 : i32 to index
      %get3A_378 = tpu.vector_load %arg5[%get3A_376, %get3A_377] {strides = array<i32>} : memref<64x256xf32, #tpu.memory_space<vmem>>, vector<1x16xf32>,
      %get3A_379 = vector.shape_cast %get3A_378 : vector<1x16xf32> to vector<16xf32>
      %gt3A_380 = arith.cmpf ogt, %get3A_379, %select_n3A_371 : vector<16xf32>
      %gt3A_381 = arith.cmpf ogt, %get3A_379, %select_n3A_368 : vector<16xf32>
      %select_n3A_382 = arith.select %gt3A_380, %select_n3A_371, %get3A_379 : vector<16xi1>, vector<16xf32>
      %select_n3A_383 = arith.select %gt3A_381, %select_n3A_382, %select_n3A_368 : vector<16xi1>, vector<16xf32>
      %select_n3A_384 = arith.select %gt3A_380, %select_n3A_372, %broadcast_in_dim3A_374 : vector<16xi1>, vector<16xi32>
      %select_n3A_385 = arith.select %gt3A_381, %select_n3A_384, %select_n3A_370 : vector<16xi1>, vector<16xi32>
      %select_n3A_386 = arith.select %gt3A_380, %get3A_379, %select_n3A_371 : vector<16xi1>, vector<16xf32>
      %select_n3A_387 = arith.select %gt3A_380, %broadcast_in_dim3A_374, %select_n3A_372 : vector<16xi1>, vector<16xi32>
      %broadcast_in_dim3A_388 = arith.constant 22 : i32
      %broadcast_in_dim3A_389 = vector.broadcast %broadcast_in_dim3A_388 : i32 to vector<16xi32>
      %get3A_390 = arith.constant 22 : i32
      %get3A_391 = arith.index_cast %get3A_390 : i32 to index
      %get3A_392 = arith.index_cast %mul3A_53 : i32 to index
      %get3A_393 = tpu.vector_load %arg5[%get3A_391, %get3A_392] {strides = array<i32>} : memref<64x256xf32, #tpu.memory_space<vmem>>, vector<1x16xf32>,
      %get3A_394 = vector.shape_cast %get3A_393 : vector<1x16xf32> to vector<16xf32>
      %gt3A_395 = arith.cmpf ogt, %get3A_394, %select_n3A_386 : vector<16xf32>
      %gt3A_396 = arith.cmpf ogt, %get3A_394, %select_n3A_383 : vector<16xf32>
      %select_n3A_397 = arith.select %gt3A_395, %select_n3A_386, %get3A_394 : vector<16xi1>, vector<16xf32>
      %select_n3A_398 = arith.select %gt3A_396, %select_n3A_397, %select_n3A_383 : vector<16xi1>, vector<16xf32>
      %select_n3A_399 = arith.select %gt3A_395, %select_n3A_387, %broadcast_in_dim3A_389 : vector<16xi1>, vector<16xi32>
      %select_n3A_400 = arith.select %gt3A_396, %select_n3A_399, %select_n3A_385 : vector<16xi1>, vector<16xi32>
      %select_n3A_401 = arith.select %gt3A_395, %get3A_394, %select_n3A_386 : vector<16xi1>, vector<16xf32>
      %select_n3A_402 = arith.select %gt3A_395, %broadcast_in_dim3A_389, %select_n3A_387 : vector<16xi1>, vector<16xi32>
      %broadcast_in_dim3A_403 = arith.constant 23 : i32
      %broadcast_in_dim3A_404 = vector.broadcast %broadcast_in_dim3A_403 : i32 to vector<16xi32>
      %get3A_405 = arith.constant 23 : i32
      %get3A_406 = arith.index_cast %get3A_405 : i32 to index
      %get3A_407 = arith.index_cast %mul3A_53 : i32 to index
      %get3A_408 = tpu.vector_load %arg5[%get3A_406, %get3A_407] {strides = array<i32>} : memref<64x256xf32, #tpu.memory_space<vmem>>, vector<1x16xf32>,
      %get3A_409 = vector.shape_cast %get3A_408 : vector<1x16xf32> to vector<16xf32>
      %gt3A_410 = arith.cmpf ogt, %get3A_409, %select_n3A_401 : vector<16xf32>
      %gt3A_411 = arith.cmpf ogt, %get3A_409, %select_n3A_398 : vector<16xf32>
      %select_n3A_412 = arith.select %gt3A_410, %select_n3A_401, %get3A_409 : vector<16xi1>, vector<16xf32>
      %select_n3A_413 = arith.select %gt3A_411, %select_n3A_412, %select_n3A_398 : vector<16xi1>, vector<16xf32>
      %select_n3A_414 = arith.select %gt3A_410, %select_n3A_402, %broadcast_in_dim3A_404 : vector<16xi1>, vector<16xi32>
      %select_n3A_415 = arith.select %gt3A_411, %select_n3A_414, %select_n3A_400 : vector<16xi1>, vector<16xi32>
      %select_n3A_416 = arith.select %gt3A_410, %get3A_409, %select_n3A_401 : vector<16xi1>, vector<16xf32>
      %select_n3A_417 = arith.select %gt3A_410, %broadcast_in_dim3A_404, %select_n3A_402 : vector<16xi1>, vector<16xi32>
      %broadcast_in_dim3A_418 = arith.constant 24 : i32
      %broadcast_in_dim3A_419 = vector.broadcast %broadcast_in_dim3A_418 : i32 to vector<16xi32>
      %get3A_420 = arith.constant 24 : i32
      %get3A_421 = arith.index_cast %get3A_420 : i32 to index
      %get3A_422 = arith.index_cast %mul3A_53 : i32 to index
      %get3A_423 = tpu.vector_load %arg5[%get3A_421, %get3A_422] {strides = array<i32>} : memref<64x256xf32, #tpu.memory_space<vmem>>, vector<1x16xf32>,
      %get3A_424 = vector.shape_cast %get3A_423 : vector<1x16xf32> to vector<16xf32>
      %gt3A_425 = arith.cmpf ogt, %get3A_424, %select_n3A_416 : vector<16xf32>
      %gt3A_426 = arith.cmpf ogt, %get3A_424, %select_n3A_413 : vector<16xf32>
      %select_n3A_427 = arith.select %gt3A_425, %select_n3A_416, %get3A_424 : vector<16xi1>, vector<16xf32>
      %select_n3A_428 = arith.select %gt3A_426, %select_n3A_427, %select_n3A_413 : vector<16xi1>, vector<16xf32>
      %select_n3A_429 = arith.select %gt3A_425, %select_n3A_417, %broadcast_in_dim3A_419 : vector<16xi1>, vector<16xi32>
      %select_n3A_430 = arith.select %gt3A_426, %select_n3A_429, %select_n3A_415 : vector<16xi1>, vector<16xi32>
      %select_n3A_431 = arith.select %gt3A_425, %get3A_424, %select_n3A_416 : vector<16xi1>, vector<16xf32>
      %select_n3A_432 = arith.select %gt3A_425, %broadcast_in_dim3A_419, %select_n3A_417 : vector<16xi1>, vector<16xi32>
      %broadcast_in_dim3A_433 = arith.constant 25 : i32
      %broadcast_in_dim3A_434 = vector.broadcast %broadcast_in_dim3A_433 : i32 to vector<16xi32>
      %get3A_435 = arith.constant 25 : i32
      %get3A_436 = arith.index_cast %get3A_435 : i32 to index
      %get3A_437 = arith.index_cast %mul3A_53 : i32 to index
      %get3A_438 = tpu.vector_load %arg5[%get3A_436, %get3A_437] {strides = array<i32>} : memref<64x256xf32, #tpu.memory_space<vmem>>, vector<1x16xf32>,
      %get3A_439 = vector.shape_cast %get3A_438 : vector<1x16xf32> to vector<16xf32>
      %gt3A_440 = arith.cmpf ogt, %get3A_439, %select_n3A_431 : vector<16xf32>
      %gt3A_441 = arith.cmpf ogt, %get3A_439, %select_n3A_428 : vector<16xf32>
      %select_n3A_442 = arith.select %gt3A_440, %select_n3A_431, %get3A_439 : vector<16xi1>, vector<16xf32>
      %select_n3A_443 = arith.select %gt3A_441, %select_n3A_442, %select_n3A_428 : vector<16xi1>, vector<16xf32>
      %select_n3A_444 = arith.select %gt3A_440, %select_n3A_432, %broadcast_in_dim3A_434 : vector<16xi1>, vector<16xi32>
      %select_n3A_445 = arith.select %gt3A_441, %select_n3A_444, %select_n3A_430 : vector<16xi1>, vector<16xi32>
      %select_n3A_446 = arith.select %gt3A_440, %get3A_439, %select_n3A_431 : vector<16xi1>, vector<16xf32>
      %select_n3A_447 = arith.select %gt3A_440, %broadcast_in_dim3A_434, %select_n3A_432 : vector<16xi1>, vector<16xi32>
      %broadcast_in_dim3A_448 = arith.constant 26 : i32
      %broadcast_in_dim3A_449 = vector.broadcast %broadcast_in_dim3A_448 : i32 to vector<16xi32>
      %get3A_450 = arith.constant 26 : i32
      %get3A_451 = arith.index_cast %get3A_450 : i32 to index
      %get3A_452 = arith.index_cast %mul3A_53 : i32 to index
      %get3A_453 = tpu.vector_load %arg5[%get3A_451, %get3A_452] {strides = array<i32>} : memref<64x256xf32, #tpu.memory_space<vmem>>, vector<1x16xf32>,
      %get3A_454 = vector.shape_cast %get3A_453 : vector<1x16xf32> to vector<16xf32>
      %gt3A_455 = arith.cmpf ogt, %get3A_454, %select_n3A_446 : vector<16xf32>
      %gt3A_456 = arith.cmpf ogt, %get3A_454, %select_n3A_443 : vector<16xf32>
      %select_n3A_457 = arith.select %gt3A_455, %select_n3A_446, %get3A_454 : vector<16xi1>, vector<16xf32>
      %select_n3A_458 = arith.select %gt3A_456, %select_n3A_457, %select_n3A_443 : vector<16xi1>, vector<16xf32>
      %select_n3A_459 = arith.select %gt3A_455, %select_n3A_447, %broadcast_in_dim3A_449 : vector<16xi1>, vector<16xi32>
      %select_n3A_460 = arith.select %gt3A_456, %select_n3A_459, %select_n3A_445 : vector<16xi1>, vector<16xi32>
      %select_n3A_461 = arith.select %gt3A_455, %get3A_454, %select_n3A_446 : vector<16xi1>, vector<16xf32>
      %select_n3A_462 = arith.select %gt3A_455, %broadcast_in_dim3A_449, %select_n3A_447 : vector<16xi1>, vector<16xi32>
      %broadcast_in_dim3A_463 = arith.constant 27 : i32
      %broadcast_in_dim3A_464 = vector.broadcast %broadcast_in_dim3A_463 : i32 to vector<16xi32>
      %get3A_465 = arith.constant 27 : i32
      %get3A_466 = arith.index_cast %get3A_465 : i32 to index
      %get3A_467 = arith.index_cast %mul3A_53 : i32 to index
      %get3A_468 = tpu.vector_load %arg5[%get3A_466, %get3A_467] {strides = array<i32>} : memref<64x256xf32, #tpu.memory_space<vmem>>, vector<1x16xf32>,
      %get3A_469 = vector.shape_cast %get3A_468 : vector<1x16xf32> to vector<16xf32>
      %gt3A_470 = arith.cmpf ogt, %get3A_469, %select_n3A_461 : vector<16xf32>
      %gt3A_471 = arith.cmpf ogt, %get3A_469, %select_n3A_458 : vector<16xf32>
      %select_n3A_472 = arith.select %gt3A_470, %select_n3A_461, %get3A_469 : vector<16xi1>, vector<16xf32>
      %select_n3A_473 = arith.select %gt3A_471, %select_n3A_472, %select_n3A_458 : vector<16xi1>, vector<16xf32>
      %select_n3A_474 = arith.select %gt3A_470, %select_n3A_462, %broadcast_in_dim3A_464 : vector<16xi1>, vector<16xi32>
      %select_n3A_475 = arith.select %gt3A_471, %select_n3A_474, %select_n3A_460 : vector<16xi1>, vector<16xi32>
      %select_n3A_476 = arith.select %gt3A_470, %get3A_469, %select_n3A_461 : vector<16xi1>, vector<16xf32>
      %select_n3A_477 = arith.select %gt3A_470, %broadcast_in_dim3A_464, %select_n3A_462 : vector<16xi1>, vector<16xi32>
      %broadcast_in_dim3A_478 = arith.constant 28 : i32
      %broadcast_in_dim3A_479 = vector.broadcast %broadcast_in_dim3A_478 : i32 to vector<16xi32>
      %get3A_480 = arith.constant 28 : i32
      %get3A_481 = arith.index_cast %get3A_480 : i32 to index
      %get3A_482 = arith.index_cast %mul3A_53 : i32 to index
      %get3A_483 = tpu.vector_load %arg5[%get3A_481, %get3A_482] {strides = array<i32>} : memref<64x256xf32, #tpu.memory_space<vmem>>, vector<1x16xf32>,
      %get3A_484 = vector.shape_cast %get3A_483 : vector<1x16xf32> to vector<16xf32>
      %gt3A_485 = arith.cmpf ogt, %get3A_484, %select_n3A_476 : vector<16xf32>
      %gt3A_486 = arith.cmpf ogt, %get3A_484, %select_n3A_473 : vector<16xf32>
      %select_n3A_487 = arith.select %gt3A_485, %select_n3A_476, %get3A_484 : vector<16xi1>, vector<16xf32>
      %select_n3A_488 = arith.select %gt3A_486, %select_n3A_487, %select_n3A_473 : vector<16xi1>, vector<16xf32>
      %select_n3A_489 = arith.select %gt3A_485, %select_n3A_477, %broadcast_in_dim3A_479 : vector<16xi1>, vector<16xi32>
      %select_n3A_490 = arith.select %gt3A_486, %select_n3A_489, %select_n3A_475 : vector<16xi1>, vector<16xi32>
      %select_n3A_491 = arith.select %gt3A_485, %get3A_484, %select_n3A_476 : vector<16xi1>, vector<16xf32>
      %select_n3A_492 = arith.select %gt3A_485, %broadcast_in_dim3A_479, %select_n3A_477 : vector<16xi1>, vector<16xi32>
      %broadcast_in_dim3A_493 = arith.constant 29 : i32
      %broadcast_in_dim3A_494 = vector.broadcast %broadcast_in_dim3A_493 : i32 to vector<16xi32>
      %get3A_495 = arith.constant 29 : i32
      %get3A_496 = arith.index_cast %get3A_495 : i32 to index
      %get3A_497 = arith.index_cast %mul3A_53 : i32 to index
      %get3A_498 = tpu.vector_load %arg5[%get3A_496, %get3A_497] {strides = array<i32>} : memref<64x256xf32, #tpu.memory_space<vmem>>, vector<1x16xf32>,
      %get3A_499 = vector.shape_cast %get3A_498 : vector<1x16xf32> to vector<16xf32>
      %gt3A_500 = arith.cmpf ogt, %get3A_499, %select_n3A_491 : vector<16xf32>
      %gt3A_501 = arith.cmpf ogt, %get3A_499, %select_n3A_488 : vector<16xf32>
      %select_n3A_502 = arith.select %gt3A_500, %select_n3A_491, %get3A_499 : vector<16xi1>, vector<16xf32>
      %select_n3A_503 = arith.select %gt3A_501, %select_n3A_502, %select_n3A_488 : vector<16xi1>, vector<16xf32>
      %select_n3A_504 = arith.select %gt3A_500, %select_n3A_492, %broadcast_in_dim3A_494 : vector<16xi1>, vector<16xi32>
      %select_n3A_505 = arith.select %gt3A_501, %select_n3A_504, %select_n3A_490 : vector<16xi1>, vector<16xi32>
      %select_n3A_506 = arith.select %gt3A_500, %get3A_499, %select_n3A_491 : vector<16xi1>, vector<16xf32>
      %select_n3A_507 = arith.select %gt3A_500, %broadcast_in_dim3A_494, %select_n3A_492 : vector<16xi1>, vector<16xi32>
      %broadcast_in_dim3A_508 = arith.constant 30 : i32
      %broadcast_in_dim3A_509 = vector.broadcast %broadcast_in_dim3A_508 : i32 to vector<16xi32>
      %get3A_510 = arith.constant 30 : i32
      %get3A_511 = arith.index_cast %get3A_510 : i32 to index
      %get3A_512 = arith.index_cast %mul3A_53 : i32 to index
      %get3A_513 = tpu.vector_load %arg5[%get3A_511, %get3A_512] {strides = array<i32>} : memref<64x256xf32, #tpu.memory_space<vmem>>, vector<1x16xf32>,
      %get3A_514 = vector.shape_cast %get3A_513 : vector<1x16xf32> to vector<16xf32>
      %gt3A_515 = arith.cmpf ogt, %get3A_514, %select_n3A_506 : vector<16xf32>
      %gt3A_516 = arith.cmpf ogt, %get3A_514, %select_n3A_503 : vector<16xf32>
      %select_n3A_517 = arith.select %gt3A_515, %select_n3A_506, %get3A_514 : vector<16xi1>, vector<16xf32>
      %select_n3A_518 = arith.select %gt3A_516, %select_n3A_517, %select_n3A_503 : vector<16xi1>, vector<16xf32>
      %select_n3A_519 = arith.select %gt3A_515, %select_n3A_507, %broadcast_in_dim3A_509 : vector<16xi1>, vector<16xi32>
      %select_n3A_520 = arith.select %gt3A_516, %select_n3A_519, %select_n3A_505 : vector<16xi1>, vector<16xi32>
      %select_n3A_521 = arith.select %gt3A_515, %get3A_514, %select_n3A_506 : vector<16xi1>, vector<16xf32>
      %select_n3A_522 = arith.select %gt3A_515, %broadcast_in_dim3A_509, %select_n3A_507 : vector<16xi1>, vector<16xi32>
      %broadcast_in_dim3A_523 = arith.constant 31 : i32
      %broadcast_in_dim3A_524 = vector.broadcast %broadcast_in_dim3A_523 : i32 to vector<16xi32>
      %get3A_525 = arith.constant 31 : i32
      %get3A_526 = arith.index_cast %get3A_525 : i32 to index
      %get3A_527 = arith.index_cast %mul3A_53 : i32 to index
      %get3A_528 = tpu.vector_load %arg5[%get3A_526, %get3A_527] {strides = array<i32>} : memref<64x256xf32, #tpu.memory_space<vmem>>, vector<1x16xf32>,
      %get3A_529 = vector.shape_cast %get3A_528 : vector<1x16xf32> to vector<16xf32>
      %gt3A_530 = arith.cmpf ogt, %get3A_529, %select_n3A_521 : vector<16xf32>
      %gt3A_531 = arith.cmpf ogt, %get3A_529, %select_n3A_518 : vector<16xf32>
      %select_n3A_532 = arith.select %gt3A_530, %select_n3A_521, %get3A_529 : vector<16xi1>, vector<16xf32>
      %select_n3A_533 = arith.select %gt3A_531, %select_n3A_532, %select_n3A_518 : vector<16xi1>, vector<16xf32>
      %select_n3A_534 = arith.select %gt3A_530, %select_n3A_522, %broadcast_in_dim3A_524 : vector<16xi1>, vector<16xi32>
      %select_n3A_535 = arith.select %gt3A_531, %select_n3A_534, %select_n3A_520 : vector<16xi1>, vector<16xi32>
      %select_n3A_536 = arith.select %gt3A_530, %get3A_529, %select_n3A_521 : vector<16xi1>, vector<16xf32>
      %select_n3A_537 = arith.select %gt3A_530, %broadcast_in_dim3A_524, %select_n3A_522 : vector<16xi1>, vector<16xi32>
      %broadcast_in_dim3A_538 = arith.constant 32 : i32
      %broadcast_in_dim3A_539 = vector.broadcast %broadcast_in_dim3A_538 : i32 to vector<16xi32>
      %get3A_540 = arith.constant 32 : i32
      %get3A_541 = arith.index_cast %get3A_540 : i32 to index
      %get3A_542 = arith.index_cast %mul3A_53 : i32 to index
      %get3A_543 = tpu.vector_load %arg5[%get3A_541, %get3A_542] {strides = array<i32>} : memref<64x256xf32, #tpu.memory_space<vmem>>, vector<1x16xf32>,
      %get3A_544 = vector.shape_cast %get3A_543 : vector<1x16xf32> to vector<16xf32>
      %gt3A_545 = arith.cmpf ogt, %get3A_544, %select_n3A_536 : vector<16xf32>
      %gt3A_546 = arith.cmpf ogt, %get3A_544, %select_n3A_533 : vector<16xf32>
      %select_n3A_547 = arith.select %gt3A_545, %select_n3A_536, %get3A_544 : vector<16xi1>, vector<16xf32>
      %select_n3A_548 = arith.select %gt3A_546, %select_n3A_547, %select_n3A_533 : vector<16xi1>, vector<16xf32>
      %select_n3A_549 = arith.select %gt3A_545, %select_n3A_537, %broadcast_in_dim3A_539 : vector<16xi1>, vector<16xi32>
      %select_n3A_550 = arith.select %gt3A_546, %select_n3A_549, %select_n3A_535 : vector<16xi1>, vector<16xi32>
      %select_n3A_551 = arith.select %gt3A_545, %get3A_544, %select_n3A_536 : vector<16xi1>, vector<16xf32>
      %select_n3A_552 = arith.select %gt3A_545, %broadcast_in_dim3A_539, %select_n3A_537 : vector<16xi1>, vector<16xi32>
      %broadcast_in_dim3A_553 = arith.constant 33 : i32
      %broadcast_in_dim3A_554 = vector.broadcast %broadcast_in_dim3A_553 : i32 to vector<16xi32>
      %get3A_555 = arith.constant 33 : i32
      %get3A_556 = arith.index_cast %get3A_555 : i32 to index
      %get3A_557 = arith.index_cast %mul3A_53 : i32 to index
      %get3A_558 = tpu.vector_load %arg5[%get3A_556, %get3A_557] {strides = array<i32>} : memref<64x256xf32, #tpu.memory_space<vmem>>, vector<1x16xf32>,
      %get3A_559 = vector.shape_cast %get3A_558 : vector<1x16xf32> to vector<16xf32>
      %gt3A_560 = arith.cmpf ogt, %get3A_559, %select_n3A_551 : vector<16xf32>
      %gt3A_561 = arith.cmpf ogt, %get3A_559, %select_n3A_548 : vector<16xf32>
      %select_n3A_562 = arith.select %gt3A_560, %select_n3A_551, %get3A_559 : vector<16xi1>, vector<16xf32>
      %select_n3A_563 = arith.select %gt3A_561, %select_n3A_562, %select_n3A_548 : vector<16xi1>, vector<16xf32>
      %select_n3A_564 = arith.select %gt3A_560, %select_n3A_552, %broadcast_in_dim3A_554 : vector<16xi1>, vector<16xi32>
      %select_n3A_565 = arith.select %gt3A_561, %select_n3A_564, %select_n3A_550 : vector<16xi1>, vector<16xi32>
      %select_n3A_566 = arith.select %gt3A_560, %get3A_559, %select_n3A_551 : vector<16xi1>, vector<16xf32>
      %select_n3A_567 = arith.select %gt3A_560, %broadcast_in_dim3A_554, %select_n3A_552 : vector<16xi1>, vector<16xi32>
      %broadcast_in_dim3A_568 = arith.constant 34 : i32
      %broadcast_in_dim3A_569 = vector.broadcast %broadcast_in_dim3A_568 : i32 to vector<16xi32>
      %get3A_570 = arith.constant 34 : i32
      %get3A_571 = arith.index_cast %get3A_570 : i32 to index
      %get3A_572 = arith.index_cast %mul3A_53 : i32 to index
      %get3A_573 = tpu.vector_load %arg5[%get3A_571, %get3A_572] {strides = array<i32>} : memref<64x256xf32, #tpu.memory_space<vmem>>, vector<1x16xf32>,
      %get3A_574 = vector.shape_cast %get3A_573 : vector<1x16xf32> to vector<16xf32>
      %gt3A_575 = arith.cmpf ogt, %get3A_574, %select_n3A_566 : vector<16xf32>
      %gt3A_576 = arith.cmpf ogt, %get3A_574, %select_n3A_563 : vector<16xf32>
      %select_n3A_577 = arith.select %gt3A_575, %select_n3A_566, %get3A_574 : vector<16xi1>, vector<16xf32>
      %select_n3A_578 = arith.select %gt3A_576, %select_n3A_577, %select_n3A_563 : vector<16xi1>, vector<16xf32>
      %select_n3A_579 = arith.select %gt3A_575, %select_n3A_567, %broadcast_in_dim3A_569 : vector<16xi1>, vector<16xi32>
      %select_n3A_580 = arith.select %gt3A_576, %select_n3A_579, %select_n3A_565 : vector<16xi1>, vector<16xi32>
      %select_n3A_581 = arith.select %gt3A_575, %get3A_574, %select_n3A_566 : vector<16xi1>, vector<16xf32>
      %select_n3A_582 = arith.select %gt3A_575, %broadcast_in_dim3A_569, %select_n3A_567 : vector<16xi1>, vector<16xi32>
      %broadcast_in_dim3A_583 = arith.constant 35 : i32
      %broadcast_in_dim3A_584 = vector.broadcast %broadcast_in_dim3A_583 : i32 to vector<16xi32>
      %get3A_585 = arith.constant 35 : i32
      %get3A_586 = arith.index_cast %get3A_585 : i32 to index
      %get3A_587 = arith.index_cast %mul3A_53 : i32 to index
      %get3A_588 = tpu.vector_load %arg5[%get3A_586, %get3A_587] {strides = array<i32>} : memref<64x256xf32, #tpu.memory_space<vmem>>, vector<1x16xf32>,
      %get3A_589 = vector.shape_cast %get3A_588 : vector<1x16xf32> to vector<16xf32>
      %gt3A_590 = arith.cmpf ogt, %get3A_589, %select_n3A_581 : vector<16xf32>
      %gt3A_591 = arith.cmpf ogt, %get3A_589, %select_n3A_578 : vector<16xf32>
      %select_n3A_592 = arith.select %gt3A_590, %select_n3A_581, %get3A_589 : vector<16xi1>, vector<16xf32>
      %select_n3A_593 = arith.select %gt3A_591, %select_n3A_592, %select_n3A_578 : vector<16xi1>, vector<16xf32>
      %select_n3A_594 = arith.select %gt3A_590, %select_n3A_582, %broadcast_in_dim3A_584 : vector<16xi1>, vector<16xi32>
      %select_n3A_595 = arith.select %gt3A_591, %select_n3A_594, %select_n3A_580 : vector<16xi1>, vector<16xi32>
      %select_n3A_596 = arith.select %gt3A_590, %get3A_589, %select_n3A_581 : vector<16xi1>, vector<16xf32>
      %select_n3A_597 = arith.select %gt3A_590, %broadcast_in_dim3A_584, %select_n3A_582 : vector<16xi1>, vector<16xi32>
      %broadcast_in_dim3A_598 = arith.constant 36 : i32
      %broadcast_in_dim3A_599 = vector.broadcast %broadcast_in_dim3A_598 : i32 to vector<16xi32>
      %get3A_600 = arith.constant 36 : i32
      %get3A_601 = arith.index_cast %get3A_600 : i32 to index
      %get3A_602 = arith.index_cast %mul3A_53 : i32 to index
      %get3A_603 = tpu.vector_load %arg5[%get3A_601, %get3A_602] {strides = array<i32>} : memref<64x256xf32, #tpu.memory_space<vmem>>, vector<1x16xf32>,
      %get3A_604 = vector.shape_cast %get3A_603 : vector<1x16xf32> to vector<16xf32>
      %gt3A_605 = arith.cmpf ogt, %get3A_604, %select_n3A_596 : vector<16xf32>
      %gt3A_606 = arith.cmpf ogt, %get3A_604, %select_n3A_593 : vector<16xf32>
      %select_n3A_607 = arith.select %gt3A_605, %select_n3A_596, %get3A_604 : vector<16xi1>, vector<16xf32>
      %select_n3A_608 = arith.select %gt3A_606, %select_n3A_607, %select_n3A_593 : vector<16xi1>, vector<16xf32>
      %select_n3A_609 = arith.select %gt3A_605, %select_n3A_597, %broadcast_in_dim3A_599 : vector<16xi1>, vector<16xi32>
      %select_n3A_610 = arith.select %gt3A_606, %select_n3A_609, %select_n3A_595 : vector<16xi1>, vector<16xi32>
      %select_n3A_611 = arith.select %gt3A_605, %get3A_604, %select_n3A_596 : vector<16xi1>, vector<16xf32>
      %select_n3A_612 = arith.select %gt3A_605, %broadcast_in_dim3A_599, %select_n3A_597 : vector<16xi1>, vector<16xi32>
      %broadcast_in_dim3A_613 = arith.constant 37 : i32
      %broadcast_in_dim3A_614 = vector.broadcast %broadcast_in_dim3A_613 : i32 to vector<16xi32>
      %get3A_615 = arith.constant 37 : i32
      %get3A_616 = arith.index_cast %get3A_615 : i32 to index
      %get3A_617 = arith.index_cast %mul3A_53 : i32 to index
      %get3A_618 = tpu.vector_load %arg5[%get3A_616, %get3A_617] {strides = array<i32>} : memref<64x256xf32, #tpu.memory_space<vmem>>, vector<1x16xf32>,
      %get3A_619 = vector.shape_cast %get3A_618 : vector<1x16xf32> to vector<16xf32>
      %gt3A_620 = arith.cmpf ogt, %get3A_619, %select_n3A_611 : vector<16xf32>
      %gt3A_621 = arith.cmpf ogt, %get3A_619, %select_n3A_608 : vector<16xf32>
      %select_n3A_622 = arith.select %gt3A_620, %select_n3A_611, %get3A_619 : vector<16xi1>, vector<16xf32>
      %select_n3A_623 = arith.select %gt3A_621, %select_n3A_622, %select_n3A_608 : vector<16xi1>, vector<16xf32>
      %select_n3A_624 = arith.select %gt3A_620, %select_n3A_612, %broadcast_in_dim3A_614 : vector<16xi1>, vector<16xi32>
      %select_n3A_625 = arith.select %gt3A_621, %select_n3A_624, %select_n3A_610 : vector<16xi1>, vector<16xi32>
      %select_n3A_626 = arith.select %gt3A_620, %get3A_619, %select_n3A_611 : vector<16xi1>, vector<16xf32>
      %select_n3A_627 = arith.select %gt3A_620, %broadcast_in_dim3A_614, %select_n3A_612 : vector<16xi1>, vector<16xi32>
      %broadcast_in_dim3A_628 = arith.constant 38 : i32
      %broadcast_in_dim3A_629 = vector.broadcast %broadcast_in_dim3A_628 : i32 to vector<16xi32>
      %get3A_630 = arith.constant 38 : i32
      %get3A_631 = arith.index_cast %get3A_630 : i32 to index
      %get3A_632 = arith.index_cast %mul3A_53 : i32 to index
      %get3A_633 = tpu.vector_load %arg5[%get3A_631, %get3A_632] {strides = array<i32>} : memref<64x256xf32, #tpu.memory_space<vmem>>, vector<1x16xf32>,
      %get3A_634 = vector.shape_cast %get3A_633 : vector<1x16xf32> to vector<16xf32>
      %gt3A_635 = arith.cmpf ogt, %get3A_634, %select_n3A_626 : vector<16xf32>
      %gt3A_636 = arith.cmpf ogt, %get3A_634, %select_n3A_623 : vector<16xf32>
      %select_n3A_637 = arith.select %gt3A_635, %select_n3A_626, %get3A_634 : vector<16xi1>, vector<16xf32>
      %select_n3A_638 = arith.select %gt3A_636, %select_n3A_637, %select_n3A_623 : vector<16xi1>, vector<16xf32>
      %select_n3A_639 = arith.select %gt3A_635, %select_n3A_627, %broadcast_in_dim3A_629 : vector<16xi1>, vector<16xi32>
      %select_n3A_640 = arith.select %gt3A_636, %select_n3A_639, %select_n3A_625 : vector<16xi1>, vector<16xi32>
      %select_n3A_641 = arith.select %gt3A_635, %get3A_634, %select_n3A_626 : vector<16xi1>, vector<16xf32>
      %select_n3A_642 = arith.select %gt3A_635, %broadcast_in_dim3A_629, %select_n3A_627 : vector<16xi1>, vector<16xi32>
      %broadcast_in_dim3A_643 = arith.constant 39 : i32
      %broadcast_in_dim3A_644 = vector.broadcast %broadcast_in_dim3A_643 : i32 to vector<16xi32>
      %get3A_645 = arith.constant 39 : i32
      %get3A_646 = arith.index_cast %get3A_645 : i32 to index
      %get3A_647 = arith.index_cast %mul3A_53 : i32 to index
      %get3A_648 = tpu.vector_load %arg5[%get3A_646, %get3A_647] {strides = array<i32>} : memref<64x256xf32, #tpu.memory_space<vmem>>, vector<1x16xf32>,
      %get3A_649 = vector.shape_cast %get3A_648 : vector<1x16xf32> to vector<16xf32>
      %gt3A_650 = arith.cmpf ogt, %get3A_649, %select_n3A_641 : vector<16xf32>
      %gt3A_651 = arith.cmpf ogt, %get3A_649, %select_n3A_638 : vector<16xf32>
      %select_n3A_652 = arith.select %gt3A_650, %select_n3A_641, %get3A_649 : vector<16xi1>, vector<16xf32>
      %select_n3A_653 = arith.select %gt3A_651, %select_n3A_652, %select_n3A_638 : vector<16xi1>, vector<16xf32>
      %select_n3A_654 = arith.select %gt3A_650, %select_n3A_642, %broadcast_in_dim3A_644 : vector<16xi1>, vector<16xi32>
      %select_n3A_655 = arith.select %gt3A_651, %select_n3A_654, %select_n3A_640 : vector<16xi1>, vector<16xi32>
      %select_n3A_656 = arith.select %gt3A_650, %get3A_649, %select_n3A_641 : vector<16xi1>, vector<16xf32>
      %select_n3A_657 = arith.select %gt3A_650, %broadcast_in_dim3A_644, %select_n3A_642 : vector<16xi1>, vector<16xi32>
      %broadcast_in_dim3A_658 = arith.constant 40 : i32
      %broadcast_in_dim3A_659 = vector.broadcast %broadcast_in_dim3A_658 : i32 to vector<16xi32>
      %get3A_660 = arith.constant 40 : i32
      %get3A_661 = arith.index_cast %get3A_660 : i32 to index
      %get3A_662 = arith.index_cast %mul3A_53 : i32 to index
      %get3A_663 = tpu.vector_load %arg5[%get3A_661, %get3A_662] {strides = array<i32>} : memref<64x256xf32, #tpu.memory_space<vmem>>, vector<1x16xf32>,
      %get3A_664 = vector.shape_cast %get3A_663 : vector<1x16xf32> to vector<16xf32>
      %gt3A_665 = arith.cmpf ogt, %get3A_664, %select_n3A_656 : vector<16xf32>
      %gt3A_666 = arith.cmpf ogt, %get3A_664, %select_n3A_653 : vector<16xf32>
      %select_n3A_667 = arith.select %gt3A_665, %select_n3A_656, %get3A_664 : vector<16xi1>, vector<16xf32>
      %select_n3A_668 = arith.select %gt3A_666, %select_n3A_667, %select_n3A_653 : vector<16xi1>, vector<16xf32>
      %select_n3A_669 = arith.select %gt3A_665, %select_n3A_657, %broadcast_in_dim3A_659 : vector<16xi1>, vector<16xi32>
      %select_n3A_670 = arith.select %gt3A_666, %select_n3A_669, %select_n3A_655 : vector<16xi1>, vector<16xi32>
      %select_n3A_671 = arith.select %gt3A_665, %get3A_664, %select_n3A_656 : vector<16xi1>, vector<16xf32>
      %select_n3A_672 = arith.select %gt3A_665, %broadcast_in_dim3A_659, %select_n3A_657 : vector<16xi1>, vector<16xi32>
      %broadcast_in_dim3A_673 = arith.constant 41 : i32
      %broadcast_in_dim3A_674 = vector.broadcast %broadcast_in_dim3A_673 : i32 to vector<16xi32>
      %get3A_675 = arith.constant 41 : i32
      %get3A_676 = arith.index_cast %get3A_675 : i32 to index
      %get3A_677 = arith.index_cast %mul3A_53 : i32 to index
      %get3A_678 = tpu.vector_load %arg5[%get3A_676, %get3A_677] {strides = array<i32>} : memref<64x256xf32, #tpu.memory_space<vmem>>, vector<1x16xf32>,
      %get3A_679 = vector.shape_cast %get3A_678 : vector<1x16xf32> to vector<16xf32>
      %gt3A_680 = arith.cmpf ogt, %get3A_679, %select_n3A_671 : vector<16xf32>
      %gt3A_681 = arith.cmpf ogt, %get3A_679, %select_n3A_668 : vector<16xf32>
      %select_n3A_682 = arith.select %gt3A_680, %select_n3A_671, %get3A_679 : vector<16xi1>, vector<16xf32>
      %select_n3A_683 = arith.select %gt3A_681, %select_n3A_682, %select_n3A_668 : vector<16xi1>, vector<16xf32>
      %select_n3A_684 = arith.select %gt3A_680, %select_n3A_672, %broadcast_in_dim3A_674 : vector<16xi1>, vector<16xi32>
      %select_n3A_685 = arith.select %gt3A_681, %select_n3A_684, %select_n3A_670 : vector<16xi1>, vector<16xi32>
      %select_n3A_686 = arith.select %gt3A_680, %get3A_679, %select_n3A_671 : vector<16xi1>, vector<16xf32>
      %select_n3A_687 = arith.select %gt3A_680, %broadcast_in_dim3A_674, %select_n3A_672 : vector<16xi1>, vector<16xi32>
      %broadcast_in_dim3A_688 = arith.constant 42 : i32
      %broadcast_in_dim3A_689 = vector.broadcast %broadcast_in_dim3A_688 : i32 to vector<16xi32>
      %get3A_690 = arith.constant 42 : i32
      %get3A_691 = arith.index_cast %get3A_690 : i32 to index
      %get3A_692 = arith.index_cast %mul3A_53 : i32 to index
      %get3A_693 = tpu.vector_load %arg5[%get3A_691, %get3A_692] {strides = array<i32>} : memref<64x256xf32, #tpu.memory_space<vmem>>, vector<1x16xf32>,
      %get3A_694 = vector.shape_cast %get3A_693 : vector<1x16xf32> to vector<16xf32>
      %gt3A_695 = arith.cmpf ogt, %get3A_694, %select_n3A_686 : vector<16xf32>
      %gt3A_696 = arith.cmpf ogt, %get3A_694, %select_n3A_683 : vector<16xf32>
      %select_n3A_697 = arith.select %gt3A_695, %select_n3A_686, %get3A_694 : vector<16xi1>, vector<16xf32>
      %select_n3A_698 = arith.select %gt3A_696, %select_n3A_697, %select_n3A_683 : vector<16xi1>, vector<16xf32>
      %select_n3A_699 = arith.select %gt3A_695, %select_n3A_687, %broadcast_in_dim3A_689 : vector<16xi1>, vector<16xi32>
      %select_n3A_700 = arith.select %gt3A_696, %select_n3A_699, %select_n3A_685 : vector<16xi1>, vector<16xi32>
      %select_n3A_701 = arith.select %gt3A_695, %get3A_694, %select_n3A_686 : vector<16xi1>, vector<16xf32>
      %select_n3A_702 = arith.select %gt3A_695, %broadcast_in_dim3A_689, %select_n3A_687 : vector<16xi1>, vector<16xi32>
      %broadcast_in_dim3A_703 = arith.constant 43 : i32
      %broadcast_in_dim3A_704 = vector.broadcast %broadcast_in_dim3A_703 : i32 to vector<16xi32>
      %get3A_705 = arith.constant 43 : i32
      %get3A_706 = arith.index_cast %get3A_705 : i32 to index
      %get3A_707 = arith.index_cast %mul3A_53 : i32 to index
      %get3A_708 = tpu.vector_load %arg5[%get3A_706, %get3A_707] {strides = array<i32>} : memref<64x256xf32, #tpu.memory_space<vmem>>, vector<1x16xf32>,
      %get3A_709 = vector.shape_cast %get3A_708 : vector<1x16xf32> to vector<16xf32>
      %gt3A_710 = arith.cmpf ogt, %get3A_709, %select_n3A_701 : vector<16xf32>
      %gt3A_711 = arith.cmpf ogt, %get3A_709, %select_n3A_698 : vector<16xf32>
      %select_n3A_712 = arith.select %gt3A_710, %select_n3A_701, %get3A_709 : vector<16xi1>, vector<16xf32>
      %select_n3A_713 = arith.select %gt3A_711, %select_n3A_712, %select_n3A_698 : vector<16xi1>, vector<16xf32>
      %select_n3A_714 = arith.select %gt3A_710, %select_n3A_702, %broadcast_in_dim3A_704 : vector<16xi1>, vector<16xi32>
      %select_n3A_715 = arith.select %gt3A_711, %select_n3A_714, %select_n3A_700 : vector<16xi1>, vector<16xi32>
      %select_n3A_716 = arith.select %gt3A_710, %get3A_709, %select_n3A_701 : vector<16xi1>, vector<16xf32>
      %select_n3A_717 = arith.select %gt3A_710, %broadcast_in_dim3A_704, %select_n3A_702 : vector<16xi1>, vector<16xi32>
      %broadcast_in_dim3A_718 = arith.constant 44 : i32
      %broadcast_in_dim3A_719 = vector.broadcast %broadcast_in_dim3A_718 : i32 to vector<16xi32>
      %get3A_720 = arith.constant 44 : i32
      %get3A_721 = arith.index_cast %get3A_720 : i32 to index
      %get3A_722 = arith.index_cast %mul3A_53 : i32 to index
      %get3A_723 = tpu.vector_load %arg5[%get3A_721, %get3A_722] {strides = array<i32>} : memref<64x256xf32, #tpu.memory_space<vmem>>, vector<1x16xf32>,
      %get3A_724 = vector.shape_cast %get3A_723 : vector<1x16xf32> to vector<16xf32>
      %gt3A_725 = arith.cmpf ogt, %get3A_724, %select_n3A_716 : vector<16xf32>
      %gt3A_726 = arith.cmpf ogt, %get3A_724, %select_n3A_713 : vector<16xf32>
      %select_n3A_727 = arith.select %gt3A_725, %select_n3A_716, %get3A_724 : vector<16xi1>, vector<16xf32>
      %select_n3A_728 = arith.select %gt3A_726, %select_n3A_727, %select_n3A_713 : vector<16xi1>, vector<16xf32>
      %select_n3A_729 = arith.select %gt3A_725, %select_n3A_717, %broadcast_in_dim3A_719 : vector<16xi1>, vector<16xi32>
      %select_n3A_730 = arith.select %gt3A_726, %select_n3A_729, %select_n3A_715 : vector<16xi1>, vector<16xi32>
      %select_n3A_731 = arith.select %gt3A_725, %get3A_724, %select_n3A_716 : vector<16xi1>, vector<16xf32>
      %select_n3A_732 = arith.select %gt3A_725, %broadcast_in_dim3A_719, %select_n3A_717 : vector<16xi1>, vector<16xi32>
      %broadcast_in_dim3A_733 = arith.constant 45 : i32
      %broadcast_in_dim3A_734 = vector.broadcast %broadcast_in_dim3A_733 : i32 to vector<16xi32>
      %get3A_735 = arith.constant 45 : i32
      %get3A_736 = arith.index_cast %get3A_735 : i32 to index
      %get3A_737 = arith.index_cast %mul3A_53 : i32 to index
      %get3A_738 = tpu.vector_load %arg5[%get3A_736, %get3A_737] {strides = array<i32>} : memref<64x256xf32, #tpu.memory_space<vmem>>, vector<1x16xf32>,
      %get3A_739 = vector.shape_cast %get3A_738 : vector<1x16xf32> to vector<16xf32>
      %gt3A_740 = arith.cmpf ogt, %get3A_739, %select_n3A_731 : vector<16xf32>
      %gt3A_741 = arith.cmpf ogt, %get3A_739, %select_n3A_728 : vector<16xf32>
      %select_n3A_742 = arith.select %gt3A_740, %select_n3A_731, %get3A_739 : vector<16xi1>, vector<16xf32>
      %select_n3A_743 = arith.select %gt3A_741, %select_n3A_742, %select_n3A_728 : vector<16xi1>, vector<16xf32>
      %select_n3A_744 = arith.select %gt3A_740, %select_n3A_732, %broadcast_in_dim3A_734 : vector<16xi1>, vector<16xi32>
      %select_n3A_745 = arith.select %gt3A_741, %select_n3A_744, %select_n3A_730 : vector<16xi1>, vector<16xi32>
      %select_n3A_746 = arith.select %gt3A_740, %get3A_739, %select_n3A_731 : vector<16xi1>, vector<16xf32>
      %select_n3A_747 = arith.select %gt3A_740, %broadcast_in_dim3A_734, %select_n3A_732 : vector<16xi1>, vector<16xi32>
      %broadcast_in_dim3A_748 = arith.constant 46 : i32
      %broadcast_in_dim3A_749 = vector.broadcast %broadcast_in_dim3A_748 : i32 to vector<16xi32>
      %get3A_750 = arith.constant 46 : i32
      %get3A_751 = arith.index_cast %get3A_750 : i32 to index
      %get3A_752 = arith.index_cast %mul3A_53 : i32 to index
      %get3A_753 = tpu.vector_load %arg5[%get3A_751, %get3A_752] {strides = array<i32>} : memref<64x256xf32, #tpu.memory_space<vmem>>, vector<1x16xf32>,
      %get3A_754 = vector.shape_cast %get3A_753 : vector<1x16xf32> to vector<16xf32>
      %gt3A_755 = arith.cmpf ogt, %get3A_754, %select_n3A_746 : vector<16xf32>
      %gt3A_756 = arith.cmpf ogt, %get3A_754, %select_n3A_743 : vector<16xf32>
      %select_n3A_757 = arith.select %gt3A_755, %select_n3A_746, %get3A_754 : vector<16xi1>, vector<16xf32>
      %select_n3A_758 = arith.select %gt3A_756, %select_n3A_757, %select_n3A_743 : vector<16xi1>, vector<16xf32>
      %select_n3A_759 = arith.select %gt3A_755, %select_n3A_747, %broadcast_in_dim3A_749 : vector<16xi1>, vector<16xi32>
      %select_n3A_760 = arith.select %gt3A_756, %select_n3A_759, %select_n3A_745 : vector<16xi1>, vector<16xi32>
      %select_n3A_761 = arith.select %gt3A_755, %get3A_754, %select_n3A_746 : vector<16xi1>, vector<16xf32>
      %select_n3A_762 = arith.select %gt3A_755, %broadcast_in_dim3A_749, %select_n3A_747 : vector<16xi1>, vector<16xi32>
      %broadcast_in_dim3A_763 = arith.constant 47 : i32
      %broadcast_in_dim3A_764 = vector.broadcast %broadcast_in_dim3A_763 : i32 to vector<16xi32>
      %get3A_765 = arith.constant 47 : i32
      %get3A_766 = arith.index_cast %get3A_765 : i32 to index
      %get3A_767 = arith.index_cast %mul3A_53 : i32 to index
      %get3A_768 = tpu.vector_load %arg5[%get3A_766, %get3A_767] {strides = array<i32>} : memref<64x256xf32, #tpu.memory_space<vmem>>, vector<1x16xf32>,
      %get3A_769 = vector.shape_cast %get3A_768 : vector<1x16xf32> to vector<16xf32>
      %gt3A_770 = arith.cmpf ogt, %get3A_769, %select_n3A_761 : vector<16xf32>
      %gt3A_771 = arith.cmpf ogt, %get3A_769, %select_n3A_758 : vector<16xf32>
      %select_n3A_772 = arith.select %gt3A_770, %select_n3A_761, %get3A_769 : vector<16xi1>, vector<16xf32>
      %select_n3A_773 = arith.select %gt3A_771, %select_n3A_772, %select_n3A_758 : vector<16xi1>, vector<16xf32>
      %select_n3A_774 = arith.select %gt3A_770, %select_n3A_762, %broadcast_in_dim3A_764 : vector<16xi1>, vector<16xi32>
      %select_n3A_775 = arith.select %gt3A_771, %select_n3A_774, %select_n3A_760 : vector<16xi1>, vector<16xi32>
      %select_n3A_776 = arith.select %gt3A_770, %get3A_769, %select_n3A_761 : vector<16xi1>, vector<16xf32>
      %select_n3A_777 = arith.select %gt3A_770, %broadcast_in_dim3A_764, %select_n3A_762 : vector<16xi1>, vector<16xi32>
      %broadcast_in_dim3A_778 = arith.constant 48 : i32
      %broadcast_in_dim3A_779 = vector.broadcast %broadcast_in_dim3A_778 : i32 to vector<16xi32>
      %get3A_780 = arith.constant 48 : i32
      %get3A_781 = arith.index_cast %get3A_780 : i32 to index
      %get3A_782 = arith.index_cast %mul3A_53 : i32 to index
      %get3A_783 = tpu.vector_load %arg5[%get3A_781, %get3A_782] {strides = array<i32>} : memref<64x256xf32, #tpu.memory_space<vmem>>, vector<1x16xf32>,
      %get3A_784 = vector.shape_cast %get3A_783 : vector<1x16xf32> to vector<16xf32>
      %gt3A_785 = arith.cmpf ogt, %get3A_784, %select_n3A_776 : vector<16xf32>
      %gt3A_786 = arith.cmpf ogt, %get3A_784, %select_n3A_773 : vector<16xf32>
      %select_n3A_787 = arith.select %gt3A_785, %select_n3A_776, %get3A_784 : vector<16xi1>, vector<16xf32>
      %select_n3A_788 = arith.select %gt3A_786, %select_n3A_787, %select_n3A_773 : vector<16xi1>, vector<16xf32>
      %select_n3A_789 = arith.select %gt3A_785, %select_n3A_777, %broadcast_in_dim3A_779 : vector<16xi1>, vector<16xi32>
      %select_n3A_790 = arith.select %gt3A_786, %select_n3A_789, %select_n3A_775 : vector<16xi1>, vector<16xi32>
      %select_n3A_791 = arith.select %gt3A_785, %get3A_784, %select_n3A_776 : vector<16xi1>, vector<16xf32>
      %select_n3A_792 = arith.select %gt3A_785, %broadcast_in_dim3A_779, %select_n3A_777 : vector<16xi1>, vector<16xi32>
      %broadcast_in_dim3A_793 = arith.constant 49 : i32
      %broadcast_in_dim3A_794 = vector.broadcast %broadcast_in_dim3A_793 : i32 to vector<16xi32>
      %get3A_795 = arith.constant 49 : i32
      %get3A_796 = arith.index_cast %get3A_795 : i32 to index
      %get3A_797 = arith.index_cast %mul3A_53 : i32 to index
      %get3A_798 = tpu.vector_load %arg5[%get3A_796, %get3A_797] {strides = array<i32>} : memref<64x256xf32, #tpu.memory_space<vmem>>, vector<1x16xf32>,
      %get3A_799 = vector.shape_cast %get3A_798 : vector<1x16xf32> to vector<16xf32>
      %gt3A_800 = arith.cmpf ogt, %get3A_799, %select_n3A_791 : vector<16xf32>
      %gt3A_801 = arith.cmpf ogt, %get3A_799, %select_n3A_788 : vector<16xf32>
      %select_n3A_802 = arith.select %gt3A_800, %select_n3A_791, %get3A_799 : vector<16xi1>, vector<16xf32>
      %select_n3A_803 = arith.select %gt3A_801, %select_n3A_802, %select_n3A_788 : vector<16xi1>, vector<16xf32>
      %select_n3A_804 = arith.select %gt3A_800, %select_n3A_792, %broadcast_in_dim3A_794 : vector<16xi1>, vector<16xi32>
      %select_n3A_805 = arith.select %gt3A_801, %select_n3A_804, %select_n3A_790 : vector<16xi1>, vector<16xi32>
      %select_n3A_806 = arith.select %gt3A_800, %get3A_799, %select_n3A_791 : vector<16xi1>, vector<16xf32>
      %select_n3A_807 = arith.select %gt3A_800, %broadcast_in_dim3A_794, %select_n3A_792 : vector<16xi1>, vector<16xi32>
      %broadcast_in_dim3A_808 = arith.constant 50 : i32
      %broadcast_in_dim3A_809 = vector.broadcast %broadcast_in_dim3A_808 : i32 to vector<16xi32>
      %get3A_810 = arith.constant 50 : i32
      %get3A_811 = arith.index_cast %get3A_810 : i32 to index
      %get3A_812 = arith.index_cast %mul3A_53 : i32 to index
      %get3A_813 = tpu.vector_load %arg5[%get3A_811, %get3A_812] {strides = array<i32>} : memref<64x256xf32, #tpu.memory_space<vmem>>, vector<1x16xf32>,
      %get3A_814 = vector.shape_cast %get3A_813 : vector<1x16xf32> to vector<16xf32>
      %gt3A_815 = arith.cmpf ogt, %get3A_814, %select_n3A_806 : vector<16xf32>
      %gt3A_816 = arith.cmpf ogt, %get3A_814, %select_n3A_803 : vector<16xf32>
      %select_n3A_817 = arith.select %gt3A_815, %select_n3A_806, %get3A_814 : vector<16xi1>, vector<16xf32>
      %select_n3A_818 = arith.select %gt3A_816, %select_n3A_817, %select_n3A_803 : vector<16xi1>, vector<16xf32>
      %select_n3A_819 = arith.select %gt3A_815, %select_n3A_807, %broadcast_in_dim3A_809 : vector<16xi1>, vector<16xi32>
      %select_n3A_820 = arith.select %gt3A_816, %select_n3A_819, %select_n3A_805 : vector<16xi1>, vector<16xi32>
      %select_n3A_821 = arith.select %gt3A_815, %get3A_814, %select_n3A_806 : vector<16xi1>, vector<16xf32>
      %select_n3A_822 = arith.select %gt3A_815, %broadcast_in_dim3A_809, %select_n3A_807 : vector<16xi1>, vector<16xi32>
      %broadcast_in_dim3A_823 = arith.constant 51 : i32
      %broadcast_in_dim3A_824 = vector.broadcast %broadcast_in_dim3A_823 : i32 to vector<16xi32>
      %get3A_825 = arith.constant 51 : i32
      %get3A_826 = arith.index_cast %get3A_825 : i32 to index
      %get3A_827 = arith.index_cast %mul3A_53 : i32 to index
      %get3A_828 = tpu.vector_load %arg5[%get3A_826, %get3A_827] {strides = array<i32>} : memref<64x256xf32, #tpu.memory_space<vmem>>, vector<1x16xf32>,
      %get3A_829 = vector.shape_cast %get3A_828 : vector<1x16xf32> to vector<16xf32>
      %gt3A_830 = arith.cmpf ogt, %get3A_829, %select_n3A_821 : vector<16xf32>
      %gt3A_831 = arith.cmpf ogt, %get3A_829, %select_n3A_818 : vector<16xf32>
      %select_n3A_832 = arith.select %gt3A_830, %select_n3A_821, %get3A_829 : vector<16xi1>, vector<16xf32>
      %select_n3A_833 = arith.select %gt3A_831, %select_n3A_832, %select_n3A_818 : vector<16xi1>, vector<16xf32>
      %select_n3A_834 = arith.select %gt3A_830, %select_n3A_822, %broadcast_in_dim3A_824 : vector<16xi1>, vector<16xi32>
      %select_n3A_835 = arith.select %gt3A_831, %select_n3A_834, %select_n3A_820 : vector<16xi1>, vector<16xi32>
      %select_n3A_836 = arith.select %gt3A_830, %get3A_829, %select_n3A_821 : vector<16xi1>, vector<16xf32>
      %select_n3A_837 = arith.select %gt3A_830, %broadcast_in_dim3A_824, %select_n3A_822 : vector<16xi1>, vector<16xi32>
      %broadcast_in_dim3A_838 = arith.constant 52 : i32
      %broadcast_in_dim3A_839 = vector.broadcast %broadcast_in_dim3A_838 : i32 to vector<16xi32>
      %get3A_840 = arith.constant 52 : i32
      %get3A_841 = arith.index_cast %get3A_840 : i32 to index
      %get3A_842 = arith.index_cast %mul3A_53 : i32 to index
      %get3A_843 = tpu.vector_load %arg5[%get3A_841, %get3A_842] {strides = array<i32>} : memref<64x256xf32, #tpu.memory_space<vmem>>, vector<1x16xf32>,
      %get3A_844 = vector.shape_cast %get3A_843 : vector<1x16xf32> to vector<16xf32>
      %gt3A_845 = arith.cmpf ogt, %get3A_844, %select_n3A_836 : vector<16xf32>
      %gt3A_846 = arith.cmpf ogt, %get3A_844, %select_n3A_833 : vector<16xf32>
      %select_n3A_847 = arith.select %gt3A_845, %select_n3A_836, %get3A_844 : vector<16xi1>, vector<16xf32>
      %select_n3A_848 = arith.select %gt3A_846, %select_n3A_847, %select_n3A_833 : vector<16xi1>, vector<16xf32>
      %select_n3A_849 = arith.select %gt3A_845, %select_n3A_837, %broadcast_in_dim3A_839 : vector<16xi1>, vector<16xi32>
      %select_n3A_850 = arith.select %gt3A_846, %select_n3A_849, %select_n3A_835 : vector<16xi1>, vector<16xi32>
      %select_n3A_851 = arith.select %gt3A_845, %get3A_844, %select_n3A_836 : vector<16xi1>, vector<16xf32>
      %select_n3A_852 = arith.select %gt3A_845, %broadcast_in_dim3A_839, %select_n3A_837 : vector<16xi1>, vector<16xi32>
      %broadcast_in_dim3A_853 = arith.constant 53 : i32
      %broadcast_in_dim3A_854 = vector.broadcast %broadcast_in_dim3A_853 : i32 to vector<16xi32>
      %get3A_855 = arith.constant 53 : i32
      %get3A_856 = arith.index_cast %get3A_855 : i32 to index
      %get3A_857 = arith.index_cast %mul3A_53 : i32 to index
      %get3A_858 = tpu.vector_load %arg5[%get3A_856, %get3A_857] {strides = array<i32>} : memref<64x256xf32, #tpu.memory_space<vmem>>, vector<1x16xf32>,
      %get3A_859 = vector.shape_cast %get3A_858 : vector<1x16xf32> to vector<16xf32>
      %gt3A_860 = arith.cmpf ogt, %get3A_859, %select_n3A_851 : vector<16xf32>
      %gt3A_861 = arith.cmpf ogt, %get3A_859, %select_n3A_848 : vector<16xf32>
      %select_n3A_862 = arith.select %gt3A_860, %select_n3A_851, %get3A_859 : vector<16xi1>, vector<16xf32>
      %select_n3A_863 = arith.select %gt3A_861, %select_n3A_862, %select_n3A_848 : vector<16xi1>, vector<16xf32>
      %select_n3A_864 = arith.select %gt3A_860, %select_n3A_852, %broadcast_in_dim3A_854 : vector<16xi1>, vector<16xi32>
      %select_n3A_865 = arith.select %gt3A_861, %select_n3A_864, %select_n3A_850 : vector<16xi1>, vector<16xi32>
      %select_n3A_866 = arith.select %gt3A_860, %get3A_859, %select_n3A_851 : vector<16xi1>, vector<16xf32>
      %select_n3A_867 = arith.select %gt3A_860, %broadcast_in_dim3A_854, %select_n3A_852 : vector<16xi1>, vector<16xi32>
      %broadcast_in_dim3A_868 = arith.constant 54 : i32
      %broadcast_in_dim3A_869 = vector.broadcast %broadcast_in_dim3A_868 : i32 to vector<16xi32>
      %get3A_870 = arith.constant 54 : i32
      %get3A_871 = arith.index_cast %get3A_870 : i32 to index
      %get3A_872 = arith.index_cast %mul3A_53 : i32 to index
      %get3A_873 = tpu.vector_load %arg5[%get3A_871, %get3A_872] {strides = array<i32>} : memref<64x256xf32, #tpu.memory_space<vmem>>, vector<1x16xf32>,
      %get3A_874 = vector.shape_cast %get3A_873 : vector<1x16xf32> to vector<16xf32>
      %gt3A_875 = arith.cmpf ogt, %get3A_874, %select_n3A_866 : vector<16xf32>
      %gt3A_876 = arith.cmpf ogt, %get3A_874, %select_n3A_863 : vector<16xf32>
      %select_n3A_877 = arith.select %gt3A_875, %select_n3A_866, %get3A_874 : vector<16xi1>, vector<16xf32>
      %select_n3A_878 = arith.select %gt3A_876, %select_n3A_877, %select_n3A_863 : vector<16xi1>, vector<16xf32>
      %select_n3A_879 = arith.select %gt3A_875, %select_n3A_867, %broadcast_in_dim3A_869 : vector<16xi1>, vector<16xi32>
      %select_n3A_880 = arith.select %gt3A_876, %select_n3A_879, %select_n3A_865 : vector<16xi1>, vector<16xi32>
      %select_n3A_881 = arith.select %gt3A_875, %get3A_874, %select_n3A_866 : vector<16xi1>, vector<16xf32>
      %select_n3A_882 = arith.select %gt3A_875, %broadcast_in_dim3A_869, %select_n3A_867 : vector<16xi1>, vector<16xi32>
      %broadcast_in_dim3A_883 = arith.constant 55 : i32
      %broadcast_in_dim3A_884 = vector.broadcast %broadcast_in_dim3A_883 : i32 to vector<16xi32>
      %get3A_885 = arith.constant 55 : i32
      %get3A_886 = arith.index_cast %get3A_885 : i32 to index
      %get3A_887 = arith.index_cast %mul3A_53 : i32 to index
      %get3A_888 = tpu.vector_load %arg5[%get3A_886, %get3A_887] {strides = array<i32>} : memref<64x256xf32, #tpu.memory_space<vmem>>, vector<1x16xf32>,
      %get3A_889 = vector.shape_cast %get3A_888 : vector<1x16xf32> to vector<16xf32>
      %gt3A_890 = arith.cmpf ogt, %get3A_889, %select_n3A_881 : vector<16xf32>
      %gt3A_891 = arith.cmpf ogt, %get3A_889, %select_n3A_878 : vector<16xf32>
      %select_n3A_892 = arith.select %gt3A_890, %select_n3A_881, %get3A_889 : vector<16xi1>, vector<16xf32>
      %select_n3A_893 = arith.select %gt3A_891, %select_n3A_892, %select_n3A_878 : vector<16xi1>, vector<16xf32>
      %select_n3A_894 = arith.select %gt3A_890, %select_n3A_882, %broadcast_in_dim3A_884 : vector<16xi1>, vector<16xi32>
      %select_n3A_895 = arith.select %gt3A_891, %select_n3A_894, %select_n3A_880 : vector<16xi1>, vector<16xi32>
      %select_n3A_896 = arith.select %gt3A_890, %get3A_889, %select_n3A_881 : vector<16xi1>, vector<16xf32>
      %select_n3A_897 = arith.select %gt3A_890, %broadcast_in_dim3A_884, %select_n3A_882 : vector<16xi1>, vector<16xi32>
      %broadcast_in_dim3A_898 = arith.constant 56 : i32
      %broadcast_in_dim3A_899 = vector.broadcast %broadcast_in_dim3A_898 : i32 to vector<16xi32>
      %get3A_900 = arith.constant 56 : i32
      %get3A_901 = arith.index_cast %get3A_900 : i32 to index
      %get3A_902 = arith.index_cast %mul3A_53 : i32 to index
      %get3A_903 = tpu.vector_load %arg5[%get3A_901, %get3A_902] {strides = array<i32>} : memref<64x256xf32, #tpu.memory_space<vmem>>, vector<1x16xf32>,
      %get3A_904 = vector.shape_cast %get3A_903 : vector<1x16xf32> to vector<16xf32>
      %gt3A_905 = arith.cmpf ogt, %get3A_904, %select_n3A_896 : vector<16xf32>
      %gt3A_906 = arith.cmpf ogt, %get3A_904, %select_n3A_893 : vector<16xf32>
      %select_n3A_907 = arith.select %gt3A_905, %select_n3A_896, %get3A_904 : vector<16xi1>, vector<16xf32>
      %select_n3A_908 = arith.select %gt3A_906, %select_n3A_907, %select_n3A_893 : vector<16xi1>, vector<16xf32>
      %select_n3A_909 = arith.select %gt3A_905, %select_n3A_897, %broadcast_in_dim3A_899 : vector<16xi1>, vector<16xi32>
      %select_n3A_910 = arith.select %gt3A_906, %select_n3A_909, %select_n3A_895 : vector<16xi1>, vector<16xi32>
      %select_n3A_911 = arith.select %gt3A_905, %get3A_904, %select_n3A_896 : vector<16xi1>, vector<16xf32>
      %select_n3A_912 = arith.select %gt3A_905, %broadcast_in_dim3A_899, %select_n3A_897 : vector<16xi1>, vector<16xi32>
      %broadcast_in_dim3A_913 = arith.constant 57 : i32
      %broadcast_in_dim3A_914 = vector.broadcast %broadcast_in_dim3A_913 : i32 to vector<16xi32>
      %get3A_915 = arith.constant 57 : i32
      %get3A_916 = arith.index_cast %get3A_915 : i32 to index
      %get3A_917 = arith.index_cast %mul3A_53 : i32 to index
      %get3A_918 = tpu.vector_load %arg5[%get3A_916, %get3A_917] {strides = array<i32>} : memref<64x256xf32, #tpu.memory_space<vmem>>, vector<1x16xf32>,
      %get3A_919 = vector.shape_cast %get3A_918 : vector<1x16xf32> to vector<16xf32>
      %gt3A_920 = arith.cmpf ogt, %get3A_919, %select_n3A_911 : vector<16xf32>
      %gt3A_921 = arith.cmpf ogt, %get3A_919, %select_n3A_908 : vector<16xf32>
      %select_n3A_922 = arith.select %gt3A_920, %select_n3A_911, %get3A_919 : vector<16xi1>, vector<16xf32>
      %select_n3A_923 = arith.select %gt3A_921, %select_n3A_922, %select_n3A_908 : vector<16xi1>, vector<16xf32>
      %select_n3A_924 = arith.select %gt3A_920, %select_n3A_912, %broadcast_in_dim3A_914 : vector<16xi1>, vector<16xi32>
      %select_n3A_925 = arith.select %gt3A_921, %select_n3A_924, %select_n3A_910 : vector<16xi1>, vector<16xi32>
      %select_n3A_926 = arith.select %gt3A_920, %get3A_919, %select_n3A_911 : vector<16xi1>, vector<16xf32>
      %select_n3A_927 = arith.select %gt3A_920, %broadcast_in_dim3A_914, %select_n3A_912 : vector<16xi1>, vector<16xi32>
      %broadcast_in_dim3A_928 = arith.constant 58 : i32
      %broadcast_in_dim3A_929 = vector.broadcast %broadcast_in_dim3A_928 : i32 to vector<16xi32>
      %get3A_930 = arith.constant 58 : i32
      %get3A_931 = arith.index_cast %get3A_930 : i32 to index
      %get3A_932 = arith.index_cast %mul3A_53 : i32 to index
      %get3A_933 = tpu.vector_load %arg5[%get3A_931, %get3A_932] {strides = array<i32>} : memref<64x256xf32, #tpu.memory_space<vmem>>, vector<1x16xf32>,
      %get3A_934 = vector.shape_cast %get3A_933 : vector<1x16xf32> to vector<16xf32>
      %gt3A_935 = arith.cmpf ogt, %get3A_934, %select_n3A_926 : vector<16xf32>
      %gt3A_936 = arith.cmpf ogt, %get3A_934, %select_n3A_923 : vector<16xf32>
      %select_n3A_937 = arith.select %gt3A_935, %select_n3A_926, %get3A_934 : vector<16xi1>, vector<16xf32>
      %select_n3A_938 = arith.select %gt3A_936, %select_n3A_937, %select_n3A_923 : vector<16xi1>, vector<16xf32>
      %select_n3A_939 = arith.select %gt3A_935, %select_n3A_927, %broadcast_in_dim3A_929 : vector<16xi1>, vector<16xi32>
      %select_n3A_940 = arith.select %gt3A_936, %select_n3A_939, %select_n3A_925 : vector<16xi1>, vector<16xi32>
      %select_n3A_941 = arith.select %gt3A_935, %get3A_934, %select_n3A_926 : vector<16xi1>, vector<16xf32>
      %select_n3A_942 = arith.select %gt3A_935, %broadcast_in_dim3A_929, %select_n3A_927 : vector<16xi1>, vector<16xi32>
      %broadcast_in_dim3A_943 = arith.constant 59 : i32
      %broadcast_in_dim3A_944 = vector.broadcast %broadcast_in_dim3A_943 : i32 to vector<16xi32>
      %get3A_945 = arith.constant 59 : i32
      %get3A_946 = arith.index_cast %get3A_945 : i32 to index
      %get3A_947 = arith.index_cast %mul3A_53 : i32 to index
      %get3A_948 = tpu.vector_load %arg5[%get3A_946, %get3A_947] {strides = array<i32>} : memref<64x256xf32, #tpu.memory_space<vmem>>, vector<1x16xf32>,
      %get3A_949 = vector.shape_cast %get3A_948 : vector<1x16xf32> to vector<16xf32>
      %gt3A_950 = arith.cmpf ogt, %get3A_949, %select_n3A_941 : vector<16xf32>
      %gt3A_951 = arith.cmpf ogt, %get3A_949, %select_n3A_938 : vector<16xf32>
      %select_n3A_952 = arith.select %gt3A_950, %select_n3A_941, %get3A_949 : vector<16xi1>, vector<16xf32>
      %select_n3A_953 = arith.select %gt3A_951, %select_n3A_952, %select_n3A_938 : vector<16xi1>, vector<16xf32>
      %select_n3A_954 = arith.select %gt3A_950, %select_n3A_942, %broadcast_in_dim3A_944 : vector<16xi1>, vector<16xi32>
      %select_n3A_955 = arith.select %gt3A_951, %select_n3A_954, %select_n3A_940 : vector<16xi1>, vector<16xi32>
      %select_n3A_956 = arith.select %gt3A_950, %get3A_949, %select_n3A_941 : vector<16xi1>, vector<16xf32>
      %select_n3A_957 = arith.select %gt3A_950, %broadcast_in_dim3A_944, %select_n3A_942 : vector<16xi1>, vector<16xi32>
      %broadcast_in_dim3A_958 = arith.constant 60 : i32
      %broadcast_in_dim3A_959 = vector.broadcast %broadcast_in_dim3A_958 : i32 to vector<16xi32>
      %get3A_960 = arith.constant 60 : i32
      %get3A_961 = arith.index_cast %get3A_960 : i32 to index
      %get3A_962 = arith.index_cast %mul3A_53 : i32 to index
      %get3A_963 = tpu.vector_load %arg5[%get3A_961, %get3A_962] {strides = array<i32>} : memref<64x256xf32, #tpu.memory_space<vmem>>, vector<1x16xf32>,
      %get3A_964 = vector.shape_cast %get3A_963 : vector<1x16xf32> to vector<16xf32>
      %gt3A_965 = arith.cmpf ogt, %get3A_964, %select_n3A_956 : vector<16xf32>
      %gt3A_966 = arith.cmpf ogt, %get3A_964, %select_n3A_953 : vector<16xf32>
      %select_n3A_967 = arith.select %gt3A_965, %select_n3A_956, %get3A_964 : vector<16xi1>, vector<16xf32>
      %select_n3A_968 = arith.select %gt3A_966, %select_n3A_967, %select_n3A_953 : vector<16xi1>, vector<16xf32>
      %select_n3A_969 = arith.select %gt3A_965, %select_n3A_957, %broadcast_in_dim3A_959 : vector<16xi1>, vector<16xi32>
      %select_n3A_970 = arith.select %gt3A_966, %select_n3A_969, %select_n3A_955 : vector<16xi1>, vector<16xi32>
      %select_n3A_971 = arith.select %gt3A_965, %get3A_964, %select_n3A_956 : vector<16xi1>, vector<16xf32>
      %select_n3A_972 = arith.select %gt3A_965, %broadcast_in_dim3A_959, %select_n3A_957 : vector<16xi1>, vector<16xi32>
      %broadcast_in_dim3A_973 = arith.constant 61 : i32
      %broadcast_in_dim3A_974 = vector.broadcast %broadcast_in_dim3A_973 : i32 to vector<16xi32>
      %get3A_975 = arith.constant 61 : i32
      %get3A_976 = arith.index_cast %get3A_975 : i32 to index
      %get3A_977 = arith.index_cast %mul3A_53 : i32 to index
      %get3A_978 = tpu.vector_load %arg5[%get3A_976, %get3A_977] {strides = array<i32>} : memref<64x256xf32, #tpu.memory_space<vmem>>, vector<1x16xf32>,
      %get3A_979 = vector.shape_cast %get3A_978 : vector<1x16xf32> to vector<16xf32>
      %gt3A_980 = arith.cmpf ogt, %get3A_979, %select_n3A_971 : vector<16xf32>
      %gt3A_981 = arith.cmpf ogt, %get3A_979, %select_n3A_968 : vector<16xf32>
      %select_n3A_982 = arith.select %gt3A_980, %select_n3A_971, %get3A_979 : vector<16xi1>, vector<16xf32>
      %select_n3A_983 = arith.select %gt3A_981, %select_n3A_982, %select_n3A_968 : vector<16xi1>, vector<16xf32>
      %select_n3A_984 = arith.select %gt3A_980, %select_n3A_972, %broadcast_in_dim3A_974 : vector<16xi1>, vector<16xi32>
      %select_n3A_985 = arith.select %gt3A_981, %select_n3A_984, %select_n3A_970 : vector<16xi1>, vector<16xi32>
      %select_n3A_986 = arith.select %gt3A_980, %get3A_979, %select_n3A_971 : vector<16xi1>, vector<16xf32>
      %select_n3A_987 = arith.select %gt3A_980, %broadcast_in_dim3A_974, %select_n3A_972 : vector<16xi1>, vector<16xi32>
      %broadcast_in_dim3A_988 = arith.constant 62 : i32
      %broadcast_in_dim3A_989 = vector.broadcast %broadcast_in_dim3A_988 : i32 to vector<16xi32>
      %get3A_990 = arith.constant 62 : i32
      %get3A_991 = arith.index_cast %get3A_990 : i32 to index
      %get3A_992 = arith.index_cast %mul3A_53 : i32 to index
      %get3A_993 = tpu.vector_load %arg5[%get3A_991, %get3A_992] {strides = array<i32>} : memref<64x256xf32, #tpu.memory_space<vmem>>, vector<1x16xf32>,
      %get3A_994 = vector.shape_cast %get3A_993 : vector<1x16xf32> to vector<16xf32>
      %gt3A_995 = arith.cmpf ogt, %get3A_994, %select_n3A_986 : vector<16xf32>
      %gt3A_996 = arith.cmpf ogt, %get3A_994, %select_n3A_983 : vector<16xf32>
      %select_n3A_997 = arith.select %gt3A_995, %select_n3A_986, %get3A_994 : vector<16xi1>, vector<16xf32>
      %select_n3A_998 = arith.select %gt3A_996, %select_n3A_997, %select_n3A_983 : vector<16xi1>, vector<16xf32>
      %select_n3A_999 = arith.select %gt3A_995, %select_n3A_987, %broadcast_in_dim3A_989 : vector<16xi1>, vector<16xi32>
      %select_n3A_1000 = arith.select %gt3A_996, %select_n3A_999, %select_n3A_985 : vector<16xi1>, vector<16xi32>
      %select_n3A_1001 = arith.select %gt3A_995, %get3A_994, %select_n3A_986 : vector<16xi1>, vector<16xf32>
      %select_n3A_1002 = arith.select %gt3A_995, %broadcast_in_dim3A_989, %select_n3A_987 : vector<16xi1>, vector<16xi32>
      %broadcast_in_dim3A_1003 = arith.constant 63 : i32
      %broadcast_in_dim3A_1004 = vector.broadcast %broadcast_in_dim3A_1003 : i32 to vector<16xi32>
      %get3A_1005 = arith.constant 63 : i32
      %get3A_1006 = arith.index_cast %get3A_1005 : i32 to index
      %get3A_1007 = arith.index_cast %mul3A_53 : i32 to index
      %get3A_1008 = tpu.vector_load %arg5[%get3A_1006, %get3A_1007] {strides = array<i32>} : memref<64x256xf32, #tpu.memory_space<vmem>>, vector<1x16xf32>,
      %get3A_1009 = vector.shape_cast %get3A_1008 : vector<1x16xf32> to vector<16xf32>
      %gt3A_1010 = arith.cmpf ogt, %get3A_1009, %select_n3A_1001 : vector<16xf32>
      %gt3A_1011 = arith.cmpf ogt, %get3A_1009, %select_n3A_998 : vector<16xf32>
      %select_n3A_1012 = arith.select %gt3A_1010, %select_n3A_1001, %get3A_1009 : vector<16xi1>, vector<16xf32>
      %select_n3A_1013 = arith.select %gt3A_1011, %select_n3A_1012, %select_n3A_998 : vector<16xi1>, vector<16xf32>
      %select_n3A_1014 = arith.select %gt3A_1010, %select_n3A_1002, %broadcast_in_dim3A_1004 : vector<16xi1>, vector<16xi32>
      %select_n3A_1015 = arith.select %gt3A_1011, %select_n3A_1014, %select_n3A_1000 : vector<16xi1>, vector<16xi32>
      %select_n3A_1016 = arith.select %gt3A_1010, %get3A_1009, %select_n3A_1001 : vector<16xi1>, vector<16xf32>
      %select_n3A_1017 = arith.select %gt3A_1010, %broadcast_in_dim3A_1004, %select_n3A_1002 : vector<16xi1>, vector<16xi32>
      %sub3A = arith.subf %select_n3A_1013, %select_n3A_1016 : vector<16xf32>
      %exp3A = math.exp %sub3A : vector<16xf32>
      %add3A_1018 = arith.constant 1.000000e+00 : f32
      %add3A_1019 = vector.broadcast %add3A_1018 : f32 to vector<16xf32>
      %add3A_1020 = arith.addf %add3A_1019, %exp3A : vector<16xf32>
      %add3A_1021 = arith.constant 0 : i32
      %add3A_1022 = arith.addi %add3A_1021, %mul3A_53 : i32
      %div3A = arith.constant 1.000000e+00 : f32
      %div3A_1023 = vector.broadcast %div3A : f32 to vector<16xf32>
      %div3A_1024 = arith.divf %div3A_1023, %add3A_1020 : vector<16xf32>
      %swap3A = arith.index_cast %add3A_1022 : i32 to index
      %swap3A_1025 = tpu.vector_load %arg7[%swap3A] {strides = array<i32>} : memref<512xf32, #tpu.memory_space<vmem>>, vector<16xf32>,
      %swap3A_1026 = vector.shape_cast %swap3A_1025 : vector<16xf32> to vector<16xf32>
      %swap3A_1027 = vector.shape_cast %div3A_1024 : vector<16xf32> to vector<16xf32>
      tpu.vector_store %arg7[%swap3A], %swap3A_1027 {strides = array<i32>} : memref<512xf32, #tpu.memory_space<vmem>>, vector<16xf32>,
      %div3A_1028 = arith.divf %exp3A, %add3A_1020 : vector<16xf32>
      %swap3A_1029 = arith.index_cast %add3A_1022 : i32 to index
      %swap3A_1030 = tpu.vector_load %arg8[%swap3A_1029] {strides = array<i32>} : memref<512xf32, #tpu.memory_space<vmem>>, vector<16xf32>,
      %swap3A_1031 = vector.shape_cast %swap3A_1030 : vector<16xf32> to vector<16xf32>
      %swap3A_1032 = vector.shape_cast %div3A_1028 : vector<16xf32> to vector<16xf32>
      tpu.vector_store %arg8[%swap3A_1029], %swap3A_1032 {strides = array<i32>} : memref<512xf32, #tpu.memory_space<vmem>>, vector<16xf32>,
      %swap3A_1033 = arith.index_cast %add3A_1022 : i32 to index
      %swap3A_1034 = tpu.vector_load %arg9[%swap3A_1033] {strides = array<i32>} : memref<512xi32, #tpu.memory_space<vmem>>, vector<16xi32>,
      %swap3A_1035 = vector.shape_cast %swap3A_1034 : vector<16xi32> to vector<16xi32>
      %swap3A_1036 = vector.shape_cast %select_n3A_1017 : vector<16xi32> to vector<16xi32>
      tpu.vector_store %arg9[%swap3A_1033], %swap3A_1036 {strides = array<i32>} : memref<512xi32, #tpu.memory_space<vmem>>, vector<16xi32>,
      %swap3A_1037 = arith.index_cast %add3A_1022 : i32 to index
      %swap3A_1038 = tpu.vector_load %arg10[%swap3A_1037] {strides = array<i32>} : memref<512xi32, #tpu.memory_space<vmem>>, vector<16xi32>,
      %swap3A_1039 = vector.shape_cast %swap3A_1038 : vector<16xi32> to vector<16xi32>
      %swap3A_1040 = vector.shape_cast %select_n3A_1015 : vector<16xi32> to vector<16xi32>
      tpu.vector_store %arg10[%swap3A_1037], %swap3A_1040 {strides = array<i32>} : memref<512xi32, #tpu.memory_space<vmem>>, vector<16xi32>,
    }
    %scan3A_32 = arith.constant 16 : i32
    %dma_wait3A_33 = arith.constant 1 : i32
    %dma_wait3A_34 = arith.constant 0 : i32
    %dma_wait3A_35 = arith.constant 0 : i32
    %dma_wait3A_36 = tpu.memref_slice %arg2[%add3A, %dma_wait3A_33, %dma_wait3A_34, %dma_wait3A_35] : memref<32x2x64x256xf32, #tpu.memory_space<hbm>> -> memref<1x1x64x256xf32, #tpu.memory_space<hbm>>
    %dma_wait3A_37 = tpu.memref_squeeze %dma_wait3A_36 : memref<1x1x64x256xf32, #tpu.memory_space<hbm>> -> memref<64x256xf32, #tpu.memory_space<hbm>>
    %dma_wait3A_38 = arith.constant 0 : i32
    %dma_wait3A_39 = arith.constant 0 : i32
    %dma_wait3A_40 = tpu.memref_slice %arg2[%add3A, %dma_wait3A_33, %dma_wait3A_38, %dma_wait3A_39] : memref<32x2x64x256xf32, #tpu.memory_space<hbm>> -> memref<1x1x64x256xf32, #tpu.memory_space<hbm>>
    %dma_wait3A_41 = tpu.memref_squeeze %dma_wait3A_40 : memref<1x1x64x256xf32, #tpu.memory_space<hbm>> -> memref<64x256xf32, #tpu.memory_space<hbm>>
    tpu.wait_dma2 semaphore(%arg12 : memref<!tpu.dma_semaphore, #tpu.memory_space<semaphore_mem>>) src(%dma_wait3A_41 : memref<64x256xf32, #tpu.memory_space<hbm>>) dst(%arg6 : memref<64x256xf32, #tpu.memory_space<vmem>>)
    %scan3A_42 = arith.constant 0 : i32
    %scan3A_43 = arith.constant 0 : i32
    %scan3A_44 = arith.constant 16 : i32
    %scan3A_45 = arith.addi %scan3A_43, %scan3A_44 : i32
    %scan3A_46 = arith.constant 1 : i32
    scf.for %scan3A_51 = %scan3A_43 to %scan3A_45 step %scan3A_46  : i32 {
      %mul3A_52 = arith.constant 16 : i32
      %mul3A_53 = arith.muli %scan3A_51, %mul3A_52 : i32
      %broadcast_in_dim3A = arith.constant 0xFF800000 : f32
      %broadcast_in_dim3A_54 = vector.broadcast %broadcast_in_dim3A : f32 to vector<16xf32>
      %broadcast_in_dim3A_55 = arith.constant 0xFF800000 : f32
      %broadcast_in_dim3A_56 = vector.broadcast %broadcast_in_dim3A_55 : f32 to vector<16xf32>
      %broadcast_in_dim3A_57 = arith.constant 0 : i32
      %broadcast_in_dim3A_58 = vector.broadcast %broadcast_in_dim3A_57 : i32 to vector<16xi32>
      %broadcast_in_dim3A_59 = arith.constant 0 : i32
      %broadcast_in_dim3A_60 = vector.broadcast %broadcast_in_dim3A_59 : i32 to vector<16xi32>
      %broadcast_in_dim3A_61 = arith.constant 0 : i32
      %broadcast_in_dim3A_62 = vector.broadcast %broadcast_in_dim3A_61 : i32 to vector<16xi32>
      %get3A = arith.constant 0 : i32
      %get3A_63 = arith.index_cast %get3A : i32 to index
      %get3A_64 = arith.index_cast %mul3A_53 : i32 to index
      %get3A_65 = tpu.vector_load %arg6[%get3A_63, %get3A_64] {strides = array<i32>} : memref<64x256xf32, #tpu.memory_space<vmem>>, vector<1x16xf32>,
      %get3A_66 = vector.shape_cast %get3A_65 : vector<1x16xf32> to vector<16xf32>
      %gt3A = arith.cmpf ogt, %get3A_66, %broadcast_in_dim3A_54 : vector<16xf32>
      %gt3A_67 = arith.cmpf ogt, %get3A_66, %broadcast_in_dim3A_56 : vector<16xf32>
      %select_n3A = arith.select %gt3A, %broadcast_in_dim3A_54, %get3A_66 : vector<16xi1>, vector<16xf32>
      %select_n3A_68 = arith.select %gt3A_67, %select_n3A, %broadcast_in_dim3A_56 : vector<16xi1>, vector<16xf32>
      %select_n3A_69 = arith.select %gt3A, %broadcast_in_dim3A_58, %broadcast_in_dim3A_62 : vector<16xi1>, vector<16xi32>
      %select_n3A_70 = arith.select %gt3A_67, %select_n3A_69, %broadcast_in_dim3A_60 : vector<16xi1>, vector<16xi32>
      %select_n3A_71 = arith.select %gt3A, %get3A_66, %broadcast_in_dim3A_54 : vector<16xi1>, vector<16xf32>
      %select_n3A_72 = arith.select %gt3A, %broadcast_in_dim3A_62, %broadcast_in_dim3A_58 : vector<16xi1>, vector<16xi32>
      %broadcast_in_dim3A_73 = arith.constant 1 : i32
      %broadcast_in_dim3A_74 = vector.broadcast %broadcast_in_dim3A_73 : i32 to vector<16xi32>
      %get3A_75 = arith.constant 1 : i32
      %get3A_76 = arith.index_cast %get3A_75 : i32 to index
      %get3A_77 = arith.index_cast %mul3A_53 : i32 to index
      %get3A_78 = tpu.vector_load %arg6[%get3A_76, %get3A_77] {strides = array<i32>} : memref<64x256xf32, #tpu.memory_space<vmem>>, vector<1x16xf32>,
      %get3A_79 = vector.shape_cast %get3A_78 : vector<1x16xf32> to vector<16xf32>
      %gt3A_80 = arith.cmpf ogt, %get3A_79, %select_n3A_71 : vector<16xf32>
      %gt3A_81 = arith.cmpf ogt, %get3A_79, %select_n3A_68 : vector<16xf32>
      %select_n3A_82 = arith.select %gt3A_80, %select_n3A_71, %get3A_79 : vector<16xi1>, vector<16xf32>
      %select_n3A_83 = arith.select %gt3A_81, %select_n3A_82, %select_n3A_68 : vector<16xi1>, vector<16xf32>
      %select_n3A_84 = arith.select %gt3A_80, %select_n3A_72, %broadcast_in_dim3A_74 : vector<16xi1>, vector<16xi32>
      %select_n3A_85 = arith.select %gt3A_81, %select_n3A_84, %select_n3A_70 : vector<16xi1>, vector<16xi32>
      %select_n3A_86 = arith.select %gt3A_80, %get3A_79, %select_n3A_71 : vector<16xi1>, vector<16xf32>
      %select_n3A_87 = arith.select %gt3A_80, %broadcast_in_dim3A_74, %select_n3A_72 : vector<16xi1>, vector<16xi32>
      %broadcast_in_dim3A_88 = arith.constant 2 : i32
      %broadcast_in_dim3A_89 = vector.broadcast %broadcast_in_dim3A_88 : i32 to vector<16xi32>
      %get3A_90 = arith.constant 2 : i32
      %get3A_91 = arith.index_cast %get3A_90 : i32 to index
      %get3A_92 = arith.index_cast %mul3A_53 : i32 to index
      %get3A_93 = tpu.vector_load %arg6[%get3A_91, %get3A_92] {strides = array<i32>} : memref<64x256xf32, #tpu.memory_space<vmem>>, vector<1x16xf32>,
      %get3A_94 = vector.shape_cast %get3A_93 : vector<1x16xf32> to vector<16xf32>
      %gt3A_95 = arith.cmpf ogt, %get3A_94, %select_n3A_86 : vector<16xf32>
      %gt3A_96 = arith.cmpf ogt, %get3A_94, %select_n3A_83 : vector<16xf32>
      %select_n3A_97 = arith.select %gt3A_95, %select_n3A_86, %get3A_94 : vector<16xi1>, vector<16xf32>
      %select_n3A_98 = arith.select %gt3A_96, %select_n3A_97, %select_n3A_83 : vector<16xi1>, vector<16xf32>
      %select_n3A_99 = arith.select %gt3A_95, %select_n3A_87, %broadcast_in_dim3A_89 : vector<16xi1>, vector<16xi32>
      %select_n3A_100 = arith.select %gt3A_96, %select_n3A_99, %select_n3A_85 : vector<16xi1>, vector<16xi32>
      %select_n3A_101 = arith.select %gt3A_95, %get3A_94, %select_n3A_86 : vector<16xi1>, vector<16xf32>
      %select_n3A_102 = arith.select %gt3A_95, %broadcast_in_dim3A_89, %select_n3A_87 : vector<16xi1>, vector<16xi32>
      %broadcast_in_dim3A_103 = arith.constant 3 : i32
      %broadcast_in_dim3A_104 = vector.broadcast %broadcast_in_dim3A_103 : i32 to vector<16xi32>
      %get3A_105 = arith.constant 3 : i32
      %get3A_106 = arith.index_cast %get3A_105 : i32 to index
      %get3A_107 = arith.index_cast %mul3A_53 : i32 to index
      %get3A_108 = tpu.vector_load %arg6[%get3A_106, %get3A_107] {strides = array<i32>} : memref<64x256xf32, #tpu.memory_space<vmem>>, vector<1x16xf32>,
      %get3A_109 = vector.shape_cast %get3A_108 : vector<1x16xf32> to vector<16xf32>
      %gt3A_110 = arith.cmpf ogt, %get3A_109, %select_n3A_101 : vector<16xf32>
      %gt3A_111 = arith.cmpf ogt, %get3A_109, %select_n3A_98 : vector<16xf32>
      %select_n3A_112 = arith.select %gt3A_110, %select_n3A_101, %get3A_109 : vector<16xi1>, vector<16xf32>
      %select_n3A_113 = arith.select %gt3A_111, %select_n3A_112, %select_n3A_98 : vector<16xi1>, vector<16xf32>
      %select_n3A_114 = arith.select %gt3A_110, %select_n3A_102, %broadcast_in_dim3A_104 : vector<16xi1>, vector<16xi32>
      %select_n3A_115 = arith.select %gt3A_111, %select_n3A_114, %select_n3A_100 : vector<16xi1>, vector<16xi32>
      %select_n3A_116 = arith.select %gt3A_110, %get3A_109, %select_n3A_101 : vector<16xi1>, vector<16xf32>
      %select_n3A_117 = arith.select %gt3A_110, %broadcast_in_dim3A_104, %select_n3A_102 : vector<16xi1>, vector<16xi32>
      %broadcast_in_dim3A_118 = arith.constant 4 : i32
      %broadcast_in_dim3A_119 = vector.broadcast %broadcast_in_dim3A_118 : i32 to vector<16xi32>
      %get3A_120 = arith.constant 4 : i32
      %get3A_121 = arith.index_cast %get3A_120 : i32 to index
      %get3A_122 = arith.index_cast %mul3A_53 : i32 to index
      %get3A_123 = tpu.vector_load %arg6[%get3A_121, %get3A_122] {strides = array<i32>} : memref<64x256xf32, #tpu.memory_space<vmem>>, vector<1x16xf32>,
      %get3A_124 = vector.shape_cast %get3A_123 : vector<1x16xf32> to vector<16xf32>
      %gt3A_125 = arith.cmpf ogt, %get3A_124, %select_n3A_116 : vector<16xf32>
      %gt3A_126 = arith.cmpf ogt, %get3A_124, %select_n3A_113 : vector<16xf32>
      %select_n3A_127 = arith.select %gt3A_125, %select_n3A_116, %get3A_124 : vector<16xi1>, vector<16xf32>
      %select_n3A_128 = arith.select %gt3A_126, %select_n3A_127, %select_n3A_113 : vector<16xi1>, vector<16xf32>
      %select_n3A_129 = arith.select %gt3A_125, %select_n3A_117, %broadcast_in_dim3A_119 : vector<16xi1>, vector<16xi32>
      %select_n3A_130 = arith.select %gt3A_126, %select_n3A_129, %select_n3A_115 : vector<16xi1>, vector<16xi32>
      %select_n3A_131 = arith.select %gt3A_125, %get3A_124, %select_n3A_116 : vector<16xi1>, vector<16xf32>
      %select_n3A_132 = arith.select %gt3A_125, %broadcast_in_dim3A_119, %select_n3A_117 : vector<16xi1>, vector<16xi32>
      %broadcast_in_dim3A_133 = arith.constant 5 : i32
      %broadcast_in_dim3A_134 = vector.broadcast %broadcast_in_dim3A_133 : i32 to vector<16xi32>
      %get3A_135 = arith.constant 5 : i32
      %get3A_136 = arith.index_cast %get3A_135 : i32 to index
      %get3A_137 = arith.index_cast %mul3A_53 : i32 to index
      %get3A_138 = tpu.vector_load %arg6[%get3A_136, %get3A_137] {strides = array<i32>} : memref<64x256xf32, #tpu.memory_space<vmem>>, vector<1x16xf32>,
      %get3A_139 = vector.shape_cast %get3A_138 : vector<1x16xf32> to vector<16xf32>
      %gt3A_140 = arith.cmpf ogt, %get3A_139, %select_n3A_131 : vector<16xf32>
      %gt3A_141 = arith.cmpf ogt, %get3A_139, %select_n3A_128 : vector<16xf32>
      %select_n3A_142 = arith.select %gt3A_140, %select_n3A_131, %get3A_139 : vector<16xi1>, vector<16xf32>
      %select_n3A_143 = arith.select %gt3A_141, %select_n3A_142, %select_n3A_128 : vector<16xi1>, vector<16xf32>
      %select_n3A_144 = arith.select %gt3A_140, %select_n3A_132, %broadcast_in_dim3A_134 : vector<16xi1>, vector<16xi32>
      %select_n3A_145 = arith.select %gt3A_141, %select_n3A_144, %select_n3A_130 : vector<16xi1>, vector<16xi32>
      %select_n3A_146 = arith.select %gt3A_140, %get3A_139, %select_n3A_131 : vector<16xi1>, vector<16xf32>
      %select_n3A_147 = arith.select %gt3A_140, %broadcast_in_dim3A_134, %select_n3A_132 : vector<16xi1>, vector<16xi32>
      %broadcast_in_dim3A_148 = arith.constant 6 : i32
      %broadcast_in_dim3A_149 = vector.broadcast %broadcast_in_dim3A_148 : i32 to vector<16xi32>
      %get3A_150 = arith.constant 6 : i32
      %get3A_151 = arith.index_cast %get3A_150 : i32 to index
      %get3A_152 = arith.index_cast %mul3A_53 : i32 to index
      %get3A_153 = tpu.vector_load %arg6[%get3A_151, %get3A_152] {strides = array<i32>} : memref<64x256xf32, #tpu.memory_space<vmem>>, vector<1x16xf32>,
      %get3A_154 = vector.shape_cast %get3A_153 : vector<1x16xf32> to vector<16xf32>
      %gt3A_155 = arith.cmpf ogt, %get3A_154, %select_n3A_146 : vector<16xf32>
      %gt3A_156 = arith.cmpf ogt, %get3A_154, %select_n3A_143 : vector<16xf32>
      %select_n3A_157 = arith.select %gt3A_155, %select_n3A_146, %get3A_154 : vector<16xi1>, vector<16xf32>
      %select_n3A_158 = arith.select %gt3A_156, %select_n3A_157, %select_n3A_143 : vector<16xi1>, vector<16xf32>
      %select_n3A_159 = arith.select %gt3A_155, %select_n3A_147, %broadcast_in_dim3A_149 : vector<16xi1>, vector<16xi32>
      %select_n3A_160 = arith.select %gt3A_156, %select_n3A_159, %select_n3A_145 : vector<16xi1>, vector<16xi32>
      %select_n3A_161 = arith.select %gt3A_155, %get3A_154, %select_n3A_146 : vector<16xi1>, vector<16xf32>
      %select_n3A_162 = arith.select %gt3A_155, %broadcast_in_dim3A_149, %select_n3A_147 : vector<16xi1>, vector<16xi32>
      %broadcast_in_dim3A_163 = arith.constant 7 : i32
      %broadcast_in_dim3A_164 = vector.broadcast %broadcast_in_dim3A_163 : i32 to vector<16xi32>
      %get3A_165 = arith.constant 7 : i32
      %get3A_166 = arith.index_cast %get3A_165 : i32 to index
      %get3A_167 = arith.index_cast %mul3A_53 : i32 to index
      %get3A_168 = tpu.vector_load %arg6[%get3A_166, %get3A_167] {strides = array<i32>} : memref<64x256xf32, #tpu.memory_space<vmem>>, vector<1x16xf32>,
      %get3A_169 = vector.shape_cast %get3A_168 : vector<1x16xf32> to vector<16xf32>
      %gt3A_170 = arith.cmpf ogt, %get3A_169, %select_n3A_161 : vector<16xf32>
      %gt3A_171 = arith.cmpf ogt, %get3A_169, %select_n3A_158 : vector<16xf32>
      %select_n3A_172 = arith.select %gt3A_170, %select_n3A_161, %get3A_169 : vector<16xi1>, vector<16xf32>
      %select_n3A_173 = arith.select %gt3A_171, %select_n3A_172, %select_n3A_158 : vector<16xi1>, vector<16xf32>
      %select_n3A_174 = arith.select %gt3A_170, %select_n3A_162, %broadcast_in_dim3A_164 : vector<16xi1>, vector<16xi32>
      %select_n3A_175 = arith.select %gt3A_171, %select_n3A_174, %select_n3A_160 : vector<16xi1>, vector<16xi32>
      %select_n3A_176 = arith.select %gt3A_170, %get3A_169, %select_n3A_161 : vector<16xi1>, vector<16xf32>
      %select_n3A_177 = arith.select %gt3A_170, %broadcast_in_dim3A_164, %select_n3A_162 : vector<16xi1>, vector<16xi32>
      %broadcast_in_dim3A_178 = arith.constant 8 : i32
      %broadcast_in_dim3A_179 = vector.broadcast %broadcast_in_dim3A_178 : i32 to vector<16xi32>
      %get3A_180 = arith.constant 8 : i32
      %get3A_181 = arith.index_cast %get3A_180 : i32 to index
      %get3A_182 = arith.index_cast %mul3A_53 : i32 to index
      %get3A_183 = tpu.vector_load %arg6[%get3A_181, %get3A_182] {strides = array<i32>} : memref<64x256xf32, #tpu.memory_space<vmem>>, vector<1x16xf32>,
      %get3A_184 = vector.shape_cast %get3A_183 : vector<1x16xf32> to vector<16xf32>
      %gt3A_185 = arith.cmpf ogt, %get3A_184, %select_n3A_176 : vector<16xf32>
      %gt3A_186 = arith.cmpf ogt, %get3A_184, %select_n3A_173 : vector<16xf32>
      %select_n3A_187 = arith.select %gt3A_185, %select_n3A_176, %get3A_184 : vector<16xi1>, vector<16xf32>
      %select_n3A_188 = arith.select %gt3A_186, %select_n3A_187, %select_n3A_173 : vector<16xi1>, vector<16xf32>
      %select_n3A_189 = arith.select %gt3A_185, %select_n3A_177, %broadcast_in_dim3A_179 : vector<16xi1>, vector<16xi32>
      %select_n3A_190 = arith.select %gt3A_186, %select_n3A_189, %select_n3A_175 : vector<16xi1>, vector<16xi32>
      %select_n3A_191 = arith.select %gt3A_185, %get3A_184, %select_n3A_176 : vector<16xi1>, vector<16xf32>
      %select_n3A_192 = arith.select %gt3A_185, %broadcast_in_dim3A_179, %select_n3A_177 : vector<16xi1>, vector<16xi32>
      %broadcast_in_dim3A_193 = arith.constant 9 : i32
      %broadcast_in_dim3A_194 = vector.broadcast %broadcast_in_dim3A_193 : i32 to vector<16xi32>
      %get3A_195 = arith.constant 9 : i32
      %get3A_196 = arith.index_cast %get3A_195 : i32 to index
      %get3A_197 = arith.index_cast %mul3A_53 : i32 to index
      %get3A_198 = tpu.vector_load %arg6[%get3A_196, %get3A_197] {strides = array<i32>} : memref<64x256xf32, #tpu.memory_space<vmem>>, vector<1x16xf32>,
      %get3A_199 = vector.shape_cast %get3A_198 : vector<1x16xf32> to vector<16xf32>
      %gt3A_200 = arith.cmpf ogt, %get3A_199, %select_n3A_191 : vector<16xf32>
      %gt3A_201 = arith.cmpf ogt, %get3A_199, %select_n3A_188 : vector<16xf32>
      %select_n3A_202 = arith.select %gt3A_200, %select_n3A_191, %get3A_199 : vector<16xi1>, vector<16xf32>
      %select_n3A_203 = arith.select %gt3A_201, %select_n3A_202, %select_n3A_188 : vector<16xi1>, vector<16xf32>
      %select_n3A_204 = arith.select %gt3A_200, %select_n3A_192, %broadcast_in_dim3A_194 : vector<16xi1>, vector<16xi32>
      %select_n3A_205 = arith.select %gt3A_201, %select_n3A_204, %select_n3A_190 : vector<16xi1>, vector<16xi32>
      %select_n3A_206 = arith.select %gt3A_200, %get3A_199, %select_n3A_191 : vector<16xi1>, vector<16xf32>
      %select_n3A_207 = arith.select %gt3A_200, %broadcast_in_dim3A_194, %select_n3A_192 : vector<16xi1>, vector<16xi32>
      %broadcast_in_dim3A_208 = arith.constant 10 : i32
      %broadcast_in_dim3A_209 = vector.broadcast %broadcast_in_dim3A_208 : i32 to vector<16xi32>
      %get3A_210 = arith.constant 10 : i32
      %get3A_211 = arith.index_cast %get3A_210 : i32 to index
      %get3A_212 = arith.index_cast %mul3A_53 : i32 to index
      %get3A_213 = tpu.vector_load %arg6[%get3A_211, %get3A_212] {strides = array<i32>} : memref<64x256xf32, #tpu.memory_space<vmem>>, vector<1x16xf32>,
      %get3A_214 = vector.shape_cast %get3A_213 : vector<1x16xf32> to vector<16xf32>
      %gt3A_215 = arith.cmpf ogt, %get3A_214, %select_n3A_206 : vector<16xf32>
      %gt3A_216 = arith.cmpf ogt, %get3A_214, %select_n3A_203 : vector<16xf32>
      %select_n3A_217 = arith.select %gt3A_215, %select_n3A_206, %get3A_214 : vector<16xi1>, vector<16xf32>
      %select_n3A_218 = arith.select %gt3A_216, %select_n3A_217, %select_n3A_203 : vector<16xi1>, vector<16xf32>
      %select_n3A_219 = arith.select %gt3A_215, %select_n3A_207, %broadcast_in_dim3A_209 : vector<16xi1>, vector<16xi32>
      %select_n3A_220 = arith.select %gt3A_216, %select_n3A_219, %select_n3A_205 : vector<16xi1>, vector<16xi32>
      %select_n3A_221 = arith.select %gt3A_215, %get3A_214, %select_n3A_206 : vector<16xi1>, vector<16xf32>
      %select_n3A_222 = arith.select %gt3A_215, %broadcast_in_dim3A_209, %select_n3A_207 : vector<16xi1>, vector<16xi32>
      %broadcast_in_dim3A_223 = arith.constant 11 : i32
      %broadcast_in_dim3A_224 = vector.broadcast %broadcast_in_dim3A_223 : i32 to vector<16xi32>
      %get3A_225 = arith.constant 11 : i32
      %get3A_226 = arith.index_cast %get3A_225 : i32 to index
      %get3A_227 = arith.index_cast %mul3A_53 : i32 to index
      %get3A_228 = tpu.vector_load %arg6[%get3A_226, %get3A_227] {strides = array<i32>} : memref<64x256xf32, #tpu.memory_space<vmem>>, vector<1x16xf32>,
      %get3A_229 = vector.shape_cast %get3A_228 : vector<1x16xf32> to vector<16xf32>
      %gt3A_230 = arith.cmpf ogt, %get3A_229, %select_n3A_221 : vector<16xf32>
      %gt3A_231 = arith.cmpf ogt, %get3A_229, %select_n3A_218 : vector<16xf32>
      %select_n3A_232 = arith.select %gt3A_230, %select_n3A_221, %get3A_229 : vector<16xi1>, vector<16xf32>
      %select_n3A_233 = arith.select %gt3A_231, %select_n3A_232, %select_n3A_218 : vector<16xi1>, vector<16xf32>
      %select_n3A_234 = arith.select %gt3A_230, %select_n3A_222, %broadcast_in_dim3A_224 : vector<16xi1>, vector<16xi32>
      %select_n3A_235 = arith.select %gt3A_231, %select_n3A_234, %select_n3A_220 : vector<16xi1>, vector<16xi32>
      %select_n3A_236 = arith.select %gt3A_230, %get3A_229, %select_n3A_221 : vector<16xi1>, vector<16xf32>
      %select_n3A_237 = arith.select %gt3A_230, %broadcast_in_dim3A_224, %select_n3A_222 : vector<16xi1>, vector<16xi32>
      %broadcast_in_dim3A_238 = arith.constant 12 : i32
      %broadcast_in_dim3A_239 = vector.broadcast %broadcast_in_dim3A_238 : i32 to vector<16xi32>
      %get3A_240 = arith.constant 12 : i32
      %get3A_241 = arith.index_cast %get3A_240 : i32 to index
      %get3A_242 = arith.index_cast %mul3A_53 : i32 to index
      %get3A_243 = tpu.vector_load %arg6[%get3A_241, %get3A_242] {strides = array<i32>} : memref<64x256xf32, #tpu.memory_space<vmem>>, vector<1x16xf32>,
      %get3A_244 = vector.shape_cast %get3A_243 : vector<1x16xf32> to vector<16xf32>
      %gt3A_245 = arith.cmpf ogt, %get3A_244, %select_n3A_236 : vector<16xf32>
      %gt3A_246 = arith.cmpf ogt, %get3A_244, %select_n3A_233 : vector<16xf32>
      %select_n3A_247 = arith.select %gt3A_245, %select_n3A_236, %get3A_244 : vector<16xi1>, vector<16xf32>
      %select_n3A_248 = arith.select %gt3A_246, %select_n3A_247, %select_n3A_233 : vector<16xi1>, vector<16xf32>
      %select_n3A_249 = arith.select %gt3A_245, %select_n3A_237, %broadcast_in_dim3A_239 : vector<16xi1>, vector<16xi32>
      %select_n3A_250 = arith.select %gt3A_246, %select_n3A_249, %select_n3A_235 : vector<16xi1>, vector<16xi32>
      %select_n3A_251 = arith.select %gt3A_245, %get3A_244, %select_n3A_236 : vector<16xi1>, vector<16xf32>
      %select_n3A_252 = arith.select %gt3A_245, %broadcast_in_dim3A_239, %select_n3A_237 : vector<16xi1>, vector<16xi32>
      %broadcast_in_dim3A_253 = arith.constant 13 : i32
      %broadcast_in_dim3A_254 = vector.broadcast %broadcast_in_dim3A_253 : i32 to vector<16xi32>
      %get3A_255 = arith.constant 13 : i32
      %get3A_256 = arith.index_cast %get3A_255 : i32 to index
      %get3A_257 = arith.index_cast %mul3A_53 : i32 to index
      %get3A_258 = tpu.vector_load %arg6[%get3A_256, %get3A_257] {strides = array<i32>} : memref<64x256xf32, #tpu.memory_space<vmem>>, vector<1x16xf32>,
      %get3A_259 = vector.shape_cast %get3A_258 : vector<1x16xf32> to vector<16xf32>
      %gt3A_260 = arith.cmpf ogt, %get3A_259, %select_n3A_251 : vector<16xf32>
      %gt3A_261 = arith.cmpf ogt, %get3A_259, %select_n3A_248 : vector<16xf32>
      %select_n3A_262 = arith.select %gt3A_260, %select_n3A_251, %get3A_259 : vector<16xi1>, vector<16xf32>
      %select_n3A_263 = arith.select %gt3A_261, %select_n3A_262, %select_n3A_248 : vector<16xi1>, vector<16xf32>
      %select_n3A_264 = arith.select %gt3A_260, %select_n3A_252, %broadcast_in_dim3A_254 : vector<16xi1>, vector<16xi32>
      %select_n3A_265 = arith.select %gt3A_261, %select_n3A_264, %select_n3A_250 : vector<16xi1>, vector<16xi32>
      %select_n3A_266 = arith.select %gt3A_260, %get3A_259, %select_n3A_251 : vector<16xi1>, vector<16xf32>
      %select_n3A_267 = arith.select %gt3A_260, %broadcast_in_dim3A_254, %select_n3A_252 : vector<16xi1>, vector<16xi32>
      %broadcast_in_dim3A_268 = arith.constant 14 : i32
      %broadcast_in_dim3A_269 = vector.broadcast %broadcast_in_dim3A_268 : i32 to vector<16xi32>
      %get3A_270 = arith.constant 14 : i32
      %get3A_271 = arith.index_cast %get3A_270 : i32 to index
      %get3A_272 = arith.index_cast %mul3A_53 : i32 to index
      %get3A_273 = tpu.vector_load %arg6[%get3A_271, %get3A_272] {strides = array<i32>} : memref<64x256xf32, #tpu.memory_space<vmem>>, vector<1x16xf32>,
      %get3A_274 = vector.shape_cast %get3A_273 : vector<1x16xf32> to vector<16xf32>
      %gt3A_275 = arith.cmpf ogt, %get3A_274, %select_n3A_266 : vector<16xf32>
      %gt3A_276 = arith.cmpf ogt, %get3A_274, %select_n3A_263 : vector<16xf32>
      %select_n3A_277 = arith.select %gt3A_275, %select_n3A_266, %get3A_274 : vector<16xi1>, vector<16xf32>
      %select_n3A_278 = arith.select %gt3A_276, %select_n3A_277, %select_n3A_263 : vector<16xi1>, vector<16xf32>
      %select_n3A_279 = arith.select %gt3A_275, %select_n3A_267, %broadcast_in_dim3A_269 : vector<16xi1>, vector<16xi32>
      %select_n3A_280 = arith.select %gt3A_276, %select_n3A_279, %select_n3A_265 : vector<16xi1>, vector<16xi32>
      %select_n3A_281 = arith.select %gt3A_275, %get3A_274, %select_n3A_266 : vector<16xi1>, vector<16xf32>
      %select_n3A_282 = arith.select %gt3A_275, %broadcast_in_dim3A_269, %select_n3A_267 : vector<16xi1>, vector<16xi32>
      %broadcast_in_dim3A_283 = arith.constant 15 : i32
      %broadcast_in_dim3A_284 = vector.broadcast %broadcast_in_dim3A_283 : i32 to vector<16xi32>
      %get3A_285 = arith.constant 15 : i32
      %get3A_286 = arith.index_cast %get3A_285 : i32 to index
      %get3A_287 = arith.index_cast %mul3A_53 : i32 to index
      %get3A_288 = tpu.vector_load %arg6[%get3A_286, %get3A_287] {strides = array<i32>} : memref<64x256xf32, #tpu.memory_space<vmem>>, vector<1x16xf32>,
      %get3A_289 = vector.shape_cast %get3A_288 : vector<1x16xf32> to vector<16xf32>
      %gt3A_290 = arith.cmpf ogt, %get3A_289, %select_n3A_281 : vector<16xf32>
      %gt3A_291 = arith.cmpf ogt, %get3A_289, %select_n3A_278 : vector<16xf32>
      %select_n3A_292 = arith.select %gt3A_290, %select_n3A_281, %get3A_289 : vector<16xi1>, vector<16xf32>
      %select_n3A_293 = arith.select %gt3A_291, %select_n3A_292, %select_n3A_278 : vector<16xi1>, vector<16xf32>
      %select_n3A_294 = arith.select %gt3A_290, %select_n3A_282, %broadcast_in_dim3A_284 : vector<16xi1>, vector<16xi32>
      %select_n3A_295 = arith.select %gt3A_291, %select_n3A_294, %select_n3A_280 : vector<16xi1>, vector<16xi32>
      %select_n3A_296 = arith.select %gt3A_290, %get3A_289, %select_n3A_281 : vector<16xi1>, vector<16xf32>
      %select_n3A_297 = arith.select %gt3A_290, %broadcast_in_dim3A_284, %select_n3A_282 : vector<16xi1>, vector<16xi32>
      %broadcast_in_dim3A_298 = arith.constant 16 : i32
      %broadcast_in_dim3A_299 = vector.broadcast %broadcast_in_dim3A_298 : i32 to vector<16xi32>
      %get3A_300 = arith.constant 16 : i32
      %get3A_301 = arith.index_cast %get3A_300 : i32 to index
      %get3A_302 = arith.index_cast %mul3A_53 : i32 to index
      %get3A_303 = tpu.vector_load %arg6[%get3A_301, %get3A_302] {strides = array<i32>} : memref<64x256xf32, #tpu.memory_space<vmem>>, vector<1x16xf32>,
      %get3A_304 = vector.shape_cast %get3A_303 : vector<1x16xf32> to vector<16xf32>
      %gt3A_305 = arith.cmpf ogt, %get3A_304, %select_n3A_296 : vector<16xf32>
      %gt3A_306 = arith.cmpf ogt, %get3A_304, %select_n3A_293 : vector<16xf32>
      %select_n3A_307 = arith.select %gt3A_305, %select_n3A_296, %get3A_304 : vector<16xi1>, vector<16xf32>
      %select_n3A_308 = arith.select %gt3A_306, %select_n3A_307, %select_n3A_293 : vector<16xi1>, vector<16xf32>
      %select_n3A_309 = arith.select %gt3A_305, %select_n3A_297, %broadcast_in_dim3A_299 : vector<16xi1>, vector<16xi32>
      %select_n3A_310 = arith.select %gt3A_306, %select_n3A_309, %select_n3A_295 : vector<16xi1>, vector<16xi32>
      %select_n3A_311 = arith.select %gt3A_305, %get3A_304, %select_n3A_296 : vector<16xi1>, vector<16xf32>
      %select_n3A_312 = arith.select %gt3A_305, %broadcast_in_dim3A_299, %select_n3A_297 : vector<16xi1>, vector<16xi32>
      %broadcast_in_dim3A_313 = arith.constant 17 : i32
      %broadcast_in_dim3A_314 = vector.broadcast %broadcast_in_dim3A_313 : i32 to vector<16xi32>
      %get3A_315 = arith.constant 17 : i32
      %get3A_316 = arith.index_cast %get3A_315 : i32 to index
      %get3A_317 = arith.index_cast %mul3A_53 : i32 to index
      %get3A_318 = tpu.vector_load %arg6[%get3A_316, %get3A_317] {strides = array<i32>} : memref<64x256xf32, #tpu.memory_space<vmem>>, vector<1x16xf32>,
      %get3A_319 = vector.shape_cast %get3A_318 : vector<1x16xf32> to vector<16xf32>
      %gt3A_320 = arith.cmpf ogt, %get3A_319, %select_n3A_311 : vector<16xf32>
      %gt3A_321 = arith.cmpf ogt, %get3A_319, %select_n3A_308 : vector<16xf32>
      %select_n3A_322 = arith.select %gt3A_320, %select_n3A_311, %get3A_319 : vector<16xi1>, vector<16xf32>
      %select_n3A_323 = arith.select %gt3A_321, %select_n3A_322, %select_n3A_308 : vector<16xi1>, vector<16xf32>
      %select_n3A_324 = arith.select %gt3A_320, %select_n3A_312, %broadcast_in_dim3A_314 : vector<16xi1>, vector<16xi32>
      %select_n3A_325 = arith.select %gt3A_321, %select_n3A_324, %select_n3A_310 : vector<16xi1>, vector<16xi32>
      %select_n3A_326 = arith.select %gt3A_320, %get3A_319, %select_n3A_311 : vector<16xi1>, vector<16xf32>
      %select_n3A_327 = arith.select %gt3A_320, %broadcast_in_dim3A_314, %select_n3A_312 : vector<16xi1>, vector<16xi32>
      %broadcast_in_dim3A_328 = arith.constant 18 : i32
      %broadcast_in_dim3A_329 = vector.broadcast %broadcast_in_dim3A_328 : i32 to vector<16xi32>
      %get3A_330 = arith.constant 18 : i32
      %get3A_331 = arith.index_cast %get3A_330 : i32 to index
      %get3A_332 = arith.index_cast %mul3A_53 : i32 to index
      %get3A_333 = tpu.vector_load %arg6[%get3A_331, %get3A_332] {strides = array<i32>} : memref<64x256xf32, #tpu.memory_space<vmem>>, vector<1x16xf32>,
      %get3A_334 = vector.shape_cast %get3A_333 : vector<1x16xf32> to vector<16xf32>
      %gt3A_335 = arith.cmpf ogt, %get3A_334, %select_n3A_326 : vector<16xf32>
      %gt3A_336 = arith.cmpf ogt, %get3A_334, %select_n3A_323 : vector<16xf32>
      %select_n3A_337 = arith.select %gt3A_335, %select_n3A_326, %get3A_334 : vector<16xi1>, vector<16xf32>
      %select_n3A_338 = arith.select %gt3A_336, %select_n3A_337, %select_n3A_323 : vector<16xi1>, vector<16xf32>
      %select_n3A_339 = arith.select %gt3A_335, %select_n3A_327, %broadcast_in_dim3A_329 : vector<16xi1>, vector<16xi32>
      %select_n3A_340 = arith.select %gt3A_336, %select_n3A_339, %select_n3A_325 : vector<16xi1>, vector<16xi32>
      %select_n3A_341 = arith.select %gt3A_335, %get3A_334, %select_n3A_326 : vector<16xi1>, vector<16xf32>
      %select_n3A_342 = arith.select %gt3A_335, %broadcast_in_dim3A_329, %select_n3A_327 : vector<16xi1>, vector<16xi32>
      %broadcast_in_dim3A_343 = arith.constant 19 : i32
      %broadcast_in_dim3A_344 = vector.broadcast %broadcast_in_dim3A_343 : i32 to vector<16xi32>
      %get3A_345 = arith.constant 19 : i32
      %get3A_346 = arith.index_cast %get3A_345 : i32 to index
      %get3A_347 = arith.index_cast %mul3A_53 : i32 to index
      %get3A_348 = tpu.vector_load %arg6[%get3A_346, %get3A_347] {strides = array<i32>} : memref<64x256xf32, #tpu.memory_space<vmem>>, vector<1x16xf32>,
      %get3A_349 = vector.shape_cast %get3A_348 : vector<1x16xf32> to vector<16xf32>
      %gt3A_350 = arith.cmpf ogt, %get3A_349, %select_n3A_341 : vector<16xf32>
      %gt3A_351 = arith.cmpf ogt, %get3A_349, %select_n3A_338 : vector<16xf32>
      %select_n3A_352 = arith.select %gt3A_350, %select_n3A_341, %get3A_349 : vector<16xi1>, vector<16xf32>
      %select_n3A_353 = arith.select %gt3A_351, %select_n3A_352, %select_n3A_338 : vector<16xi1>, vector<16xf32>
      %select_n3A_354 = arith.select %gt3A_350, %select_n3A_342, %broadcast_in_dim3A_344 : vector<16xi1>, vector<16xi32>
      %select_n3A_355 = arith.select %gt3A_351, %select_n3A_354, %select_n3A_340 : vector<16xi1>, vector<16xi32>
      %select_n3A_356 = arith.select %gt3A_350, %get3A_349, %select_n3A_341 : vector<16xi1>, vector<16xf32>
      %select_n3A_357 = arith.select %gt3A_350, %broadcast_in_dim3A_344, %select_n3A_342 : vector<16xi1>, vector<16xi32>
      %broadcast_in_dim3A_358 = arith.constant 20 : i32
      %broadcast_in_dim3A_359 = vector.broadcast %broadcast_in_dim3A_358 : i32 to vector<16xi32>
      %get3A_360 = arith.constant 20 : i32
      %get3A_361 = arith.index_cast %get3A_360 : i32 to index
      %get3A_362 = arith.index_cast %mul3A_53 : i32 to index
      %get3A_363 = tpu.vector_load %arg6[%get3A_361, %get3A_362] {strides = array<i32>} : memref<64x256xf32, #tpu.memory_space<vmem>>, vector<1x16xf32>,
      %get3A_364 = vector.shape_cast %get3A_363 : vector<1x16xf32> to vector<16xf32>
      %gt3A_365 = arith.cmpf ogt, %get3A_364, %select_n3A_356 : vector<16xf32>
      %gt3A_366 = arith.cmpf ogt, %get3A_364, %select_n3A_353 : vector<16xf32>
      %select_n3A_367 = arith.select %gt3A_365, %select_n3A_356, %get3A_364 : vector<16xi1>, vector<16xf32>
      %select_n3A_368 = arith.select %gt3A_366, %select_n3A_367, %select_n3A_353 : vector<16xi1>, vector<16xf32>
      %select_n3A_369 = arith.select %gt3A_365, %select_n3A_357, %broadcast_in_dim3A_359 : vector<16xi1>, vector<16xi32>
      %select_n3A_370 = arith.select %gt3A_366, %select_n3A_369, %select_n3A_355 : vector<16xi1>, vector<16xi32>
      %select_n3A_371 = arith.select %gt3A_365, %get3A_364, %select_n3A_356 : vector<16xi1>, vector<16xf32>
      %select_n3A_372 = arith.select %gt3A_365, %broadcast_in_dim3A_359, %select_n3A_357 : vector<16xi1>, vector<16xi32>
      %broadcast_in_dim3A_373 = arith.constant 21 : i32
      %broadcast_in_dim3A_374 = vector.broadcast %broadcast_in_dim3A_373 : i32 to vector<16xi32>
      %get3A_375 = arith.constant 21 : i32
      %get3A_376 = arith.index_cast %get3A_375 : i32 to index
      %get3A_377 = arith.index_cast %mul3A_53 : i32 to index
      %get3A_378 = tpu.vector_load %arg6[%get3A_376, %get3A_377] {strides = array<i32>} : memref<64x256xf32, #tpu.memory_space<vmem>>, vector<1x16xf32>,
      %get3A_379 = vector.shape_cast %get3A_378 : vector<1x16xf32> to vector<16xf32>
      %gt3A_380 = arith.cmpf ogt, %get3A_379, %select_n3A_371 : vector<16xf32>
      %gt3A_381 = arith.cmpf ogt, %get3A_379, %select_n3A_368 : vector<16xf32>
      %select_n3A_382 = arith.select %gt3A_380, %select_n3A_371, %get3A_379 : vector<16xi1>, vector<16xf32>
      %select_n3A_383 = arith.select %gt3A_381, %select_n3A_382, %select_n3A_368 : vector<16xi1>, vector<16xf32>
      %select_n3A_384 = arith.select %gt3A_380, %select_n3A_372, %broadcast_in_dim3A_374 : vector<16xi1>, vector<16xi32>
      %select_n3A_385 = arith.select %gt3A_381, %select_n3A_384, %select_n3A_370 : vector<16xi1>, vector<16xi32>
      %select_n3A_386 = arith.select %gt3A_380, %get3A_379, %select_n3A_371 : vector<16xi1>, vector<16xf32>
      %select_n3A_387 = arith.select %gt3A_380, %broadcast_in_dim3A_374, %select_n3A_372 : vector<16xi1>, vector<16xi32>
      %broadcast_in_dim3A_388 = arith.constant 22 : i32
      %broadcast_in_dim3A_389 = vector.broadcast %broadcast_in_dim3A_388 : i32 to vector<16xi32>
      %get3A_390 = arith.constant 22 : i32
      %get3A_391 = arith.index_cast %get3A_390 : i32 to index
      %get3A_392 = arith.index_cast %mul3A_53 : i32 to index
      %get3A_393 = tpu.vector_load %arg6[%get3A_391, %get3A_392] {strides = array<i32>} : memref<64x256xf32, #tpu.memory_space<vmem>>, vector<1x16xf32>,
      %get3A_394 = vector.shape_cast %get3A_393 : vector<1x16xf32> to vector<16xf32>
      %gt3A_395 = arith.cmpf ogt, %get3A_394, %select_n3A_386 : vector<16xf32>
      %gt3A_396 = arith.cmpf ogt, %get3A_394, %select_n3A_383 : vector<16xf32>
      %select_n3A_397 = arith.select %gt3A_395, %select_n3A_386, %get3A_394 : vector<16xi1>, vector<16xf32>
      %select_n3A_398 = arith.select %gt3A_396, %select_n3A_397, %select_n3A_383 : vector<16xi1>, vector<16xf32>
      %select_n3A_399 = arith.select %gt3A_395, %select_n3A_387, %broadcast_in_dim3A_389 : vector<16xi1>, vector<16xi32>
      %select_n3A_400 = arith.select %gt3A_396, %select_n3A_399, %select_n3A_385 : vector<16xi1>, vector<16xi32>
      %select_n3A_401 = arith.select %gt3A_395, %get3A_394, %select_n3A_386 : vector<16xi1>, vector<16xf32>
      %select_n3A_402 = arith.select %gt3A_395, %broadcast_in_dim3A_389, %select_n3A_387 : vector<16xi1>, vector<16xi32>
      %broadcast_in_dim3A_403 = arith.constant 23 : i32
      %broadcast_in_dim3A_404 = vector.broadcast %broadcast_in_dim3A_403 : i32 to vector<16xi32>
      %get3A_405 = arith.constant 23 : i32
      %get3A_406 = arith.index_cast %get3A_405 : i32 to index
      %get3A_407 = arith.index_cast %mul3A_53 : i32 to index
      %get3A_408 = tpu.vector_load %arg6[%get3A_406, %get3A_407] {strides = array<i32>} : memref<64x256xf32, #tpu.memory_space<vmem>>, vector<1x16xf32>,
      %get3A_409 = vector.shape_cast %get3A_408 : vector<1x16xf32> to vector<16xf32>
      %gt3A_410 = arith.cmpf ogt, %get3A_409, %select_n3A_401 : vector<16xf32>
      %gt3A_411 = arith.cmpf ogt, %get3A_409, %select_n3A_398 : vector<16xf32>
      %select_n3A_412 = arith.select %gt3A_410, %select_n3A_401, %get3A_409 : vector<16xi1>, vector<16xf32>
      %select_n3A_413 = arith.select %gt3A_411, %select_n3A_412, %select_n3A_398 : vector<16xi1>, vector<16xf32>
      %select_n3A_414 = arith.select %gt3A_410, %select_n3A_402, %broadcast_in_dim3A_404 : vector<16xi1>, vector<16xi32>
      %select_n3A_415 = arith.select %gt3A_411, %select_n3A_414, %select_n3A_400 : vector<16xi1>, vector<16xi32>
      %select_n3A_416 = arith.select %gt3A_410, %get3A_409, %select_n3A_401 : vector<16xi1>, vector<16xf32>
      %select_n3A_417 = arith.select %gt3A_410, %broadcast_in_dim3A_404, %select_n3A_402 : vector<16xi1>, vector<16xi32>
      %broadcast_in_dim3A_418 = arith.constant 24 : i32
      %broadcast_in_dim3A_419 = vector.broadcast %broadcast_in_dim3A_418 : i32 to vector<16xi32>
      %get3A_420 = arith.constant 24 : i32
      %get3A_421 = arith.index_cast %get3A_420 : i32 to index
      %get3A_422 = arith.index_cast %mul3A_53 : i32 to index
      %get3A_423 = tpu.vector_load %arg6[%get3A_421, %get3A_422] {strides = array<i32>} : memref<64x256xf32, #tpu.memory_space<vmem>>, vector<1x16xf32>,
      %get3A_424 = vector.shape_cast %get3A_423 : vector<1x16xf32> to vector<16xf32>
      %gt3A_425 = arith.cmpf ogt, %get3A_424, %select_n3A_416 : vector<16xf32>
      %gt3A_426 = arith.cmpf ogt, %get3A_424, %select_n3A_413 : vector<16xf32>
      %select_n3A_427 = arith.select %gt3A_425, %select_n3A_416, %get3A_424 : vector<16xi1>, vector<16xf32>
      %select_n3A_428 = arith.select %gt3A_426, %select_n3A_427, %select_n3A_413 : vector<16xi1>, vector<16xf32>
      %select_n3A_429 = arith.select %gt3A_425, %select_n3A_417, %broadcast_in_dim3A_419 : vector<16xi1>, vector<16xi32>
      %select_n3A_430 = arith.select %gt3A_426, %select_n3A_429, %select_n3A_415 : vector<16xi1>, vector<16xi32>
      %select_n3A_431 = arith.select %gt3A_425, %get3A_424, %select_n3A_416 : vector<16xi1>, vector<16xf32>
      %select_n3A_432 = arith.select %gt3A_425, %broadcast_in_dim3A_419, %select_n3A_417 : vector<16xi1>, vector<16xi32>
      %broadcast_in_dim3A_433 = arith.constant 25 : i32
      %broadcast_in_dim3A_434 = vector.broadcast %broadcast_in_dim3A_433 : i32 to vector<16xi32>
      %get3A_435 = arith.constant 25 : i32
      %get3A_436 = arith.index_cast %get3A_435 : i32 to index
      %get3A_437 = arith.index_cast %mul3A_53 : i32 to index
      %get3A_438 = tpu.vector_load %arg6[%get3A_436, %get3A_437] {strides = array<i32>} : memref<64x256xf32, #tpu.memory_space<vmem>>, vector<1x16xf32>,
      %get3A_439 = vector.shape_cast %get3A_438 : vector<1x16xf32> to vector<16xf32>
      %gt3A_440 = arith.cmpf ogt, %get3A_439, %select_n3A_431 : vector<16xf32>
      %gt3A_441 = arith.cmpf ogt, %get3A_439, %select_n3A_428 : vector<16xf32>
      %select_n3A_442 = arith.select %gt3A_440, %select_n3A_431, %get3A_439 : vector<16xi1>, vector<16xf32>
      %select_n3A_443 = arith.select %gt3A_441, %select_n3A_442, %select_n3A_428 : vector<16xi1>, vector<16xf32>
      %select_n3A_444 = arith.select %gt3A_440, %select_n3A_432, %broadcast_in_dim3A_434 : vector<16xi1>, vector<16xi32>
      %select_n3A_445 = arith.select %gt3A_441, %select_n3A_444, %select_n3A_430 : vector<16xi1>, vector<16xi32>
      %select_n3A_446 = arith.select %gt3A_440, %get3A_439, %select_n3A_431 : vector<16xi1>, vector<16xf32>
      %select_n3A_447 = arith.select %gt3A_440, %broadcast_in_dim3A_434, %select_n3A_432 : vector<16xi1>, vector<16xi32>
      %broadcast_in_dim3A_448 = arith.constant 26 : i32
      %broadcast_in_dim3A_449 = vector.broadcast %broadcast_in_dim3A_448 : i32 to vector<16xi32>
      %get3A_450 = arith.constant 26 : i32
      %get3A_451 = arith.index_cast %get3A_450 : i32 to index
      %get3A_452 = arith.index_cast %mul3A_53 : i32 to index
      %get3A_453 = tpu.vector_load %arg6[%get3A_451, %get3A_452] {strides = array<i32>} : memref<64x256xf32, #tpu.memory_space<vmem>>, vector<1x16xf32>,
      %get3A_454 = vector.shape_cast %get3A_453 : vector<1x16xf32> to vector<16xf32>
      %gt3A_455 = arith.cmpf ogt, %get3A_454, %select_n3A_446 : vector<16xf32>
      %gt3A_456 = arith.cmpf ogt, %get3A_454, %select_n3A_443 : vector<16xf32>
      %select_n3A_457 = arith.select %gt3A_455, %select_n3A_446, %get3A_454 : vector<16xi1>, vector<16xf32>
      %select_n3A_458 = arith.select %gt3A_456, %select_n3A_457, %select_n3A_443 : vector<16xi1>, vector<16xf32>
      %select_n3A_459 = arith.select %gt3A_455, %select_n3A_447, %broadcast_in_dim3A_449 : vector<16xi1>, vector<16xi32>
      %select_n3A_460 = arith.select %gt3A_456, %select_n3A_459, %select_n3A_445 : vector<16xi1>, vector<16xi32>
      %select_n3A_461 = arith.select %gt3A_455, %get3A_454, %select_n3A_446 : vector<16xi1>, vector<16xf32>
      %select_n3A_462 = arith.select %gt3A_455, %broadcast_in_dim3A_449, %select_n3A_447 : vector<16xi1>, vector<16xi32>
      %broadcast_in_dim3A_463 = arith.constant 27 : i32
      %broadcast_in_dim3A_464 = vector.broadcast %broadcast_in_dim3A_463 : i32 to vector<16xi32>
      %get3A_465 = arith.constant 27 : i32
      %get3A_466 = arith.index_cast %get3A_465 : i32 to index
      %get3A_467 = arith.index_cast %mul3A_53 : i32 to index
      %get3A_468 = tpu.vector_load %arg6[%get3A_466, %get3A_467] {strides = array<i32>} : memref<64x256xf32, #tpu.memory_space<vmem>>, vector<1x16xf32>,
      %get3A_469 = vector.shape_cast %get3A_468 : vector<1x16xf32> to vector<16xf32>
      %gt3A_470 = arith.cmpf ogt, %get3A_469, %select_n3A_461 : vector<16xf32>
      %gt3A_471 = arith.cmpf ogt, %get3A_469, %select_n3A_458 : vector<16xf32>
      %select_n3A_472 = arith.select %gt3A_470, %select_n3A_461, %get3A_469 : vector<16xi1>, vector<16xf32>
      %select_n3A_473 = arith.select %gt3A_471, %select_n3A_472, %select_n3A_458 : vector<16xi1>, vector<16xf32>
      %select_n3A_474 = arith.select %gt3A_470, %select_n3A_462, %broadcast_in_dim3A_464 : vector<16xi1>, vector<16xi32>
      %select_n3A_475 = arith.select %gt3A_471, %select_n3A_474, %select_n3A_460 : vector<16xi1>, vector<16xi32>
      %select_n3A_476 = arith.select %gt3A_470, %get3A_469, %select_n3A_461 : vector<16xi1>, vector<16xf32>
      %select_n3A_477 = arith.select %gt3A_470, %broadcast_in_dim3A_464, %select_n3A_462 : vector<16xi1>, vector<16xi32>
      %broadcast_in_dim3A_478 = arith.constant 28 : i32
      %broadcast_in_dim3A_479 = vector.broadcast %broadcast_in_dim3A_478 : i32 to vector<16xi32>
      %get3A_480 = arith.constant 28 : i32
      %get3A_481 = arith.index_cast %get3A_480 : i32 to index
      %get3A_482 = arith.index_cast %mul3A_53 : i32 to index
      %get3A_483 = tpu.vector_load %arg6[%get3A_481, %get3A_482] {strides = array<i32>} : memref<64x256xf32, #tpu.memory_space<vmem>>, vector<1x16xf32>,
      %get3A_484 = vector.shape_cast %get3A_483 : vector<1x16xf32> to vector<16xf32>
      %gt3A_485 = arith.cmpf ogt, %get3A_484, %select_n3A_476 : vector<16xf32>
      %gt3A_486 = arith.cmpf ogt, %get3A_484, %select_n3A_473 : vector<16xf32>
      %select_n3A_487 = arith.select %gt3A_485, %select_n3A_476, %get3A_484 : vector<16xi1>, vector<16xf32>
      %select_n3A_488 = arith.select %gt3A_486, %select_n3A_487, %select_n3A_473 : vector<16xi1>, vector<16xf32>
      %select_n3A_489 = arith.select %gt3A_485, %select_n3A_477, %broadcast_in_dim3A_479 : vector<16xi1>, vector<16xi32>
      %select_n3A_490 = arith.select %gt3A_486, %select_n3A_489, %select_n3A_475 : vector<16xi1>, vector<16xi32>
      %select_n3A_491 = arith.select %gt3A_485, %get3A_484, %select_n3A_476 : vector<16xi1>, vector<16xf32>
      %select_n3A_492 = arith.select %gt3A_485, %broadcast_in_dim3A_479, %select_n3A_477 : vector<16xi1>, vector<16xi32>
      %broadcast_in_dim3A_493 = arith.constant 29 : i32
      %broadcast_in_dim3A_494 = vector.broadcast %broadcast_in_dim3A_493 : i32 to vector<16xi32>
      %get3A_495 = arith.constant 29 : i32
      %get3A_496 = arith.index_cast %get3A_495 : i32 to index
      %get3A_497 = arith.index_cast %mul3A_53 : i32 to index
      %get3A_498 = tpu.vector_load %arg6[%get3A_496, %get3A_497] {strides = array<i32>} : memref<64x256xf32, #tpu.memory_space<vmem>>, vector<1x16xf32>,
      %get3A_499 = vector.shape_cast %get3A_498 : vector<1x16xf32> to vector<16xf32>
      %gt3A_500 = arith.cmpf ogt, %get3A_499, %select_n3A_491 : vector<16xf32>
      %gt3A_501 = arith.cmpf ogt, %get3A_499, %select_n3A_488 : vector<16xf32>
      %select_n3A_502 = arith.select %gt3A_500, %select_n3A_491, %get3A_499 : vector<16xi1>, vector<16xf32>
      %select_n3A_503 = arith.select %gt3A_501, %select_n3A_502, %select_n3A_488 : vector<16xi1>, vector<16xf32>
      %select_n3A_504 = arith.select %gt3A_500, %select_n3A_492, %broadcast_in_dim3A_494 : vector<16xi1>, vector<16xi32>
      %select_n3A_505 = arith.select %gt3A_501, %select_n3A_504, %select_n3A_490 : vector<16xi1>, vector<16xi32>
      %select_n3A_506 = arith.select %gt3A_500, %get3A_499, %select_n3A_491 : vector<16xi1>, vector<16xf32>
      %select_n3A_507 = arith.select %gt3A_500, %broadcast_in_dim3A_494, %select_n3A_492 : vector<16xi1>, vector<16xi32>
      %broadcast_in_dim3A_508 = arith.constant 30 : i32
      %broadcast_in_dim3A_509 = vector.broadcast %broadcast_in_dim3A_508 : i32 to vector<16xi32>
      %get3A_510 = arith.constant 30 : i32
      %get3A_511 = arith.index_cast %get3A_510 : i32 to index
      %get3A_512 = arith.index_cast %mul3A_53 : i32 to index
      %get3A_513 = tpu.vector_load %arg6[%get3A_511, %get3A_512] {strides = array<i32>} : memref<64x256xf32, #tpu.memory_space<vmem>>, vector<1x16xf32>,
      %get3A_514 = vector.shape_cast %get3A_513 : vector<1x16xf32> to vector<16xf32>
      %gt3A_515 = arith.cmpf ogt, %get3A_514, %select_n3A_506 : vector<16xf32>
      %gt3A_516 = arith.cmpf ogt, %get3A_514, %select_n3A_503 : vector<16xf32>
      %select_n3A_517 = arith.select %gt3A_515, %select_n3A_506, %get3A_514 : vector<16xi1>, vector<16xf32>
      %select_n3A_518 = arith.select %gt3A_516, %select_n3A_517, %select_n3A_503 : vector<16xi1>, vector<16xf32>
      %select_n3A_519 = arith.select %gt3A_515, %select_n3A_507, %broadcast_in_dim3A_509 : vector<16xi1>, vector<16xi32>
      %select_n3A_520 = arith.select %gt3A_516, %select_n3A_519, %select_n3A_505 : vector<16xi1>, vector<16xi32>
      %select_n3A_521 = arith.select %gt3A_515, %get3A_514, %select_n3A_506 : vector<16xi1>, vector<16xf32>
      %select_n3A_522 = arith.select %gt3A_515, %broadcast_in_dim3A_509, %select_n3A_507 : vector<16xi1>, vector<16xi32>
      %broadcast_in_dim3A_523 = arith.constant 31 : i32
      %broadcast_in_dim3A_524 = vector.broadcast %broadcast_in_dim3A_523 : i32 to vector<16xi32>
      %get3A_525 = arith.constant 31 : i32
      %get3A_526 = arith.index_cast %get3A_525 : i32 to index
      %get3A_527 = arith.index_cast %mul3A_53 : i32 to index
      %get3A_528 = tpu.vector_load %arg6[%get3A_526, %get3A_527] {strides = array<i32>} : memref<64x256xf32, #tpu.memory_space<vmem>>, vector<1x16xf32>,
      %get3A_529 = vector.shape_cast %get3A_528 : vector<1x16xf32> to vector<16xf32>
      %gt3A_530 = arith.cmpf ogt, %get3A_529, %select_n3A_521 : vector<16xf32>
      %gt3A_531 = arith.cmpf ogt, %get3A_529, %select_n3A_518 : vector<16xf32>
      %select_n3A_532 = arith.select %gt3A_530, %select_n3A_521, %get3A_529 : vector<16xi1>, vector<16xf32>
      %select_n3A_533 = arith.select %gt3A_531, %select_n3A_532, %select_n3A_518 : vector<16xi1>, vector<16xf32>
      %select_n3A_534 = arith.select %gt3A_530, %select_n3A_522, %broadcast_in_dim3A_524 : vector<16xi1>, vector<16xi32>
      %select_n3A_535 = arith.select %gt3A_531, %select_n3A_534, %select_n3A_520 : vector<16xi1>, vector<16xi32>
      %select_n3A_536 = arith.select %gt3A_530, %get3A_529, %select_n3A_521 : vector<16xi1>, vector<16xf32>
      %select_n3A_537 = arith.select %gt3A_530, %broadcast_in_dim3A_524, %select_n3A_522 : vector<16xi1>, vector<16xi32>
      %broadcast_in_dim3A_538 = arith.constant 32 : i32
      %broadcast_in_dim3A_539 = vector.broadcast %broadcast_in_dim3A_538 : i32 to vector<16xi32>
      %get3A_540 = arith.constant 32 : i32
      %get3A_541 = arith.index_cast %get3A_540 : i32 to index
      %get3A_542 = arith.index_cast %mul3A_53 : i32 to index
      %get3A_543 = tpu.vector_load %arg6[%get3A_541, %get3A_542] {strides = array<i32>} : memref<64x256xf32, #tpu.memory_space<vmem>>, vector<1x16xf32>,
      %get3A_544 = vector.shape_cast %get3A_543 : vector<1x16xf32> to vector<16xf32>
      %gt3A_545 = arith.cmpf ogt, %get3A_544, %select_n3A_536 : vector<16xf32>
      %gt3A_546 = arith.cmpf ogt, %get3A_544, %select_n3A_533 : vector<16xf32>
      %select_n3A_547 = arith.select %gt3A_545, %select_n3A_536, %get3A_544 : vector<16xi1>, vector<16xf32>
      %select_n3A_548 = arith.select %gt3A_546, %select_n3A_547, %select_n3A_533 : vector<16xi1>, vector<16xf32>
      %select_n3A_549 = arith.select %gt3A_545, %select_n3A_537, %broadcast_in_dim3A_539 : vector<16xi1>, vector<16xi32>
      %select_n3A_550 = arith.select %gt3A_546, %select_n3A_549, %select_n3A_535 : vector<16xi1>, vector<16xi32>
      %select_n3A_551 = arith.select %gt3A_545, %get3A_544, %select_n3A_536 : vector<16xi1>, vector<16xf32>
      %select_n3A_552 = arith.select %gt3A_545, %broadcast_in_dim3A_539, %select_n3A_537 : vector<16xi1>, vector<16xi32>
      %broadcast_in_dim3A_553 = arith.constant 33 : i32
      %broadcast_in_dim3A_554 = vector.broadcast %broadcast_in_dim3A_553 : i32 to vector<16xi32>
      %get3A_555 = arith.constant 33 : i32
      %get3A_556 = arith.index_cast %get3A_555 : i32 to index
      %get3A_557 = arith.index_cast %mul3A_53 : i32 to index
      %get3A_558 = tpu.vector_load %arg6[%get3A_556, %get3A_557] {strides = array<i32>} : memref<64x256xf32, #tpu.memory_space<vmem>>, vector<1x16xf32>,
      %get3A_559 = vector.shape_cast %get3A_558 : vector<1x16xf32> to vector<16xf32>
      %gt3A_560 = arith.cmpf ogt, %get3A_559, %select_n3A_551 : vector<16xf32>
      %gt3A_561 = arith.cmpf ogt, %get3A_559, %select_n3A_548 : vector<16xf32>
      %select_n3A_562 = arith.select %gt3A_560, %select_n3A_551, %get3A_559 : vector<16xi1>, vector<16xf32>
      %select_n3A_563 = arith.select %gt3A_561, %select_n3A_562, %select_n3A_548 : vector<16xi1>, vector<16xf32>
      %select_n3A_564 = arith.select %gt3A_560, %select_n3A_552, %broadcast_in_dim3A_554 : vector<16xi1>, vector<16xi32>
      %select_n3A_565 = arith.select %gt3A_561, %select_n3A_564, %select_n3A_550 : vector<16xi1>, vector<16xi32>
      %select_n3A_566 = arith.select %gt3A_560, %get3A_559, %select_n3A_551 : vector<16xi1>, vector<16xf32>
      %select_n3A_567 = arith.select %gt3A_560, %broadcast_in_dim3A_554, %select_n3A_552 : vector<16xi1>, vector<16xi32>
      %broadcast_in_dim3A_568 = arith.constant 34 : i32
      %broadcast_in_dim3A_569 = vector.broadcast %broadcast_in_dim3A_568 : i32 to vector<16xi32>
      %get3A_570 = arith.constant 34 : i32
      %get3A_571 = arith.index_cast %get3A_570 : i32 to index
      %get3A_572 = arith.index_cast %mul3A_53 : i32 to index
      %get3A_573 = tpu.vector_load %arg6[%get3A_571, %get3A_572] {strides = array<i32>} : memref<64x256xf32, #tpu.memory_space<vmem>>, vector<1x16xf32>,
      %get3A_574 = vector.shape_cast %get3A_573 : vector<1x16xf32> to vector<16xf32>
      %gt3A_575 = arith.cmpf ogt, %get3A_574, %select_n3A_566 : vector<16xf32>
      %gt3A_576 = arith.cmpf ogt, %get3A_574, %select_n3A_563 : vector<16xf32>
      %select_n3A_577 = arith.select %gt3A_575, %select_n3A_566, %get3A_574 : vector<16xi1>, vector<16xf32>
      %select_n3A_578 = arith.select %gt3A_576, %select_n3A_577, %select_n3A_563 : vector<16xi1>, vector<16xf32>
      %select_n3A_579 = arith.select %gt3A_575, %select_n3A_567, %broadcast_in_dim3A_569 : vector<16xi1>, vector<16xi32>
      %select_n3A_580 = arith.select %gt3A_576, %select_n3A_579, %select_n3A_565 : vector<16xi1>, vector<16xi32>
      %select_n3A_581 = arith.select %gt3A_575, %get3A_574, %select_n3A_566 : vector<16xi1>, vector<16xf32>
      %select_n3A_582 = arith.select %gt3A_575, %broadcast_in_dim3A_569, %select_n3A_567 : vector<16xi1>, vector<16xi32>
      %broadcast_in_dim3A_583 = arith.constant 35 : i32
      %broadcast_in_dim3A_584 = vector.broadcast %broadcast_in_dim3A_583 : i32 to vector<16xi32>
      %get3A_585 = arith.constant 35 : i32
      %get3A_586 = arith.index_cast %get3A_585 : i32 to index
      %get3A_587 = arith.index_cast %mul3A_53 : i32 to index
      %get3A_588 = tpu.vector_load %arg6[%get3A_586, %get3A_587] {strides = array<i32>} : memref<64x256xf32, #tpu.memory_space<vmem>>, vector<1x16xf32>,
      %get3A_589 = vector.shape_cast %get3A_588 : vector<1x16xf32> to vector<16xf32>
      %gt3A_590 = arith.cmpf ogt, %get3A_589, %select_n3A_581 : vector<16xf32>
      %gt3A_591 = arith.cmpf ogt, %get3A_589, %select_n3A_578 : vector<16xf32>
      %select_n3A_592 = arith.select %gt3A_590, %select_n3A_581, %get3A_589 : vector<16xi1>, vector<16xf32>
      %select_n3A_593 = arith.select %gt3A_591, %select_n3A_592, %select_n3A_578 : vector<16xi1>, vector<16xf32>
      %select_n3A_594 = arith.select %gt3A_590, %select_n3A_582, %broadcast_in_dim3A_584 : vector<16xi1>, vector<16xi32>
      %select_n3A_595 = arith.select %gt3A_591, %select_n3A_594, %select_n3A_580 : vector<16xi1>, vector<16xi32>
      %select_n3A_596 = arith.select %gt3A_590, %get3A_589, %select_n3A_581 : vector<16xi1>, vector<16xf32>
      %select_n3A_597 = arith.select %gt3A_590, %broadcast_in_dim3A_584, %select_n3A_582 : vector<16xi1>, vector<16xi32>
      %broadcast_in_dim3A_598 = arith.constant 36 : i32
      %broadcast_in_dim3A_599 = vector.broadcast %broadcast_in_dim3A_598 : i32 to vector<16xi32>
      %get3A_600 = arith.constant 36 : i32
      %get3A_601 = arith.index_cast %get3A_600 : i32 to index
      %get3A_602 = arith.index_cast %mul3A_53 : i32 to index
      %get3A_603 = tpu.vector_load %arg6[%get3A_601, %get3A_602] {strides = array<i32>} : memref<64x256xf32, #tpu.memory_space<vmem>>, vector<1x16xf32>,
      %get3A_604 = vector.shape_cast %get3A_603 : vector<1x16xf32> to vector<16xf32>
      %gt3A_605 = arith.cmpf ogt, %get3A_604, %select_n3A_596 : vector<16xf32>
      %gt3A_606 = arith.cmpf ogt, %get3A_604, %select_n3A_593 : vector<16xf32>
      %select_n3A_607 = arith.select %gt3A_605, %select_n3A_596, %get3A_604 : vector<16xi1>, vector<16xf32>
      %select_n3A_608 = arith.select %gt3A_606, %select_n3A_607, %select_n3A_593 : vector<16xi1>, vector<16xf32>
      %select_n3A_609 = arith.select %gt3A_605, %select_n3A_597, %broadcast_in_dim3A_599 : vector<16xi1>, vector<16xi32>
      %select_n3A_610 = arith.select %gt3A_606, %select_n3A_609, %select_n3A_595 : vector<16xi1>, vector<16xi32>
      %select_n3A_611 = arith.select %gt3A_605, %get3A_604, %select_n3A_596 : vector<16xi1>, vector<16xf32>
      %select_n3A_612 = arith.select %gt3A_605, %broadcast_in_dim3A_599, %select_n3A_597 : vector<16xi1>, vector<16xi32>
      %broadcast_in_dim3A_613 = arith.constant 37 : i32
      %broadcast_in_dim3A_614 = vector.broadcast %broadcast_in_dim3A_613 : i32 to vector<16xi32>
      %get3A_615 = arith.constant 37 : i32
      %get3A_616 = arith.index_cast %get3A_615 : i32 to index
      %get3A_617 = arith.index_cast %mul3A_53 : i32 to index
      %get3A_618 = tpu.vector_load %arg6[%get3A_616, %get3A_617] {strides = array<i32>} : memref<64x256xf32, #tpu.memory_space<vmem>>, vector<1x16xf32>,
      %get3A_619 = vector.shape_cast %get3A_618 : vector<1x16xf32> to vector<16xf32>
      %gt3A_620 = arith.cmpf ogt, %get3A_619, %select_n3A_611 : vector<16xf32>
      %gt3A_621 = arith.cmpf ogt, %get3A_619, %select_n3A_608 : vector<16xf32>
      %select_n3A_622 = arith.select %gt3A_620, %select_n3A_611, %get3A_619 : vector<16xi1>, vector<16xf32>
      %select_n3A_623 = arith.select %gt3A_621, %select_n3A_622, %select_n3A_608 : vector<16xi1>, vector<16xf32>
      %select_n3A_624 = arith.select %gt3A_620, %select_n3A_612, %broadcast_in_dim3A_614 : vector<16xi1>, vector<16xi32>
      %select_n3A_625 = arith.select %gt3A_621, %select_n3A_624, %select_n3A_610 : vector<16xi1>, vector<16xi32>
      %select_n3A_626 = arith.select %gt3A_620, %get3A_619, %select_n3A_611 : vector<16xi1>, vector<16xf32>
      %select_n3A_627 = arith.select %gt3A_620, %broadcast_in_dim3A_614, %select_n3A_612 : vector<16xi1>, vector<16xi32>
      %broadcast_in_dim3A_628 = arith.constant 38 : i32
      %broadcast_in_dim3A_629 = vector.broadcast %broadcast_in_dim3A_628 : i32 to vector<16xi32>
      %get3A_630 = arith.constant 38 : i32
      %get3A_631 = arith.index_cast %get3A_630 : i32 to index
      %get3A_632 = arith.index_cast %mul3A_53 : i32 to index
      %get3A_633 = tpu.vector_load %arg6[%get3A_631, %get3A_632] {strides = array<i32>} : memref<64x256xf32, #tpu.memory_space<vmem>>, vector<1x16xf32>,
      %get3A_634 = vector.shape_cast %get3A_633 : vector<1x16xf32> to vector<16xf32>
      %gt3A_635 = arith.cmpf ogt, %get3A_634, %select_n3A_626 : vector<16xf32>
      %gt3A_636 = arith.cmpf ogt, %get3A_634, %select_n3A_623 : vector<16xf32>
      %select_n3A_637 = arith.select %gt3A_635, %select_n3A_626, %get3A_634 : vector<16xi1>, vector<16xf32>
      %select_n3A_638 = arith.select %gt3A_636, %select_n3A_637, %select_n3A_623 : vector<16xi1>, vector<16xf32>
      %select_n3A_639 = arith.select %gt3A_635, %select_n3A_627, %broadcast_in_dim3A_629 : vector<16xi1>, vector<16xi32>
      %select_n3A_640 = arith.select %gt3A_636, %select_n3A_639, %select_n3A_625 : vector<16xi1>, vector<16xi32>
      %select_n3A_641 = arith.select %gt3A_635, %get3A_634, %select_n3A_626 : vector<16xi1>, vector<16xf32>
      %select_n3A_642 = arith.select %gt3A_635, %broadcast_in_dim3A_629, %select_n3A_627 : vector<16xi1>, vector<16xi32>
      %broadcast_in_dim3A_643 = arith.constant 39 : i32
      %broadcast_in_dim3A_644 = vector.broadcast %broadcast_in_dim3A_643 : i32 to vector<16xi32>
      %get3A_645 = arith.constant 39 : i32
      %get3A_646 = arith.index_cast %get3A_645 : i32 to index
      %get3A_647 = arith.index_cast %mul3A_53 : i32 to index
      %get3A_648 = tpu.vector_load %arg6[%get3A_646, %get3A_647] {strides = array<i32>} : memref<64x256xf32, #tpu.memory_space<vmem>>, vector<1x16xf32>,
      %get3A_649 = vector.shape_cast %get3A_648 : vector<1x16xf32> to vector<16xf32>
      %gt3A_650 = arith.cmpf ogt, %get3A_649, %select_n3A_641 : vector<16xf32>
      %gt3A_651 = arith.cmpf ogt, %get3A_649, %select_n3A_638 : vector<16xf32>
      %select_n3A_652 = arith.select %gt3A_650, %select_n3A_641, %get3A_649 : vector<16xi1>, vector<16xf32>
      %select_n3A_653 = arith.select %gt3A_651, %select_n3A_652, %select_n3A_638 : vector<16xi1>, vector<16xf32>
      %select_n3A_654 = arith.select %gt3A_650, %select_n3A_642, %broadcast_in_dim3A_644 : vector<16xi1>, vector<16xi32>
      %select_n3A_655 = arith.select %gt3A_651, %select_n3A_654, %select_n3A_640 : vector<16xi1>, vector<16xi32>
      %select_n3A_656 = arith.select %gt3A_650, %get3A_649, %select_n3A_641 : vector<16xi1>, vector<16xf32>
      %select_n3A_657 = arith.select %gt3A_650, %broadcast_in_dim3A_644, %select_n3A_642 : vector<16xi1>, vector<16xi32>
      %broadcast_in_dim3A_658 = arith.constant 40 : i32
      %broadcast_in_dim3A_659 = vector.broadcast %broadcast_in_dim3A_658 : i32 to vector<16xi32>
      %get3A_660 = arith.constant 40 : i32
      %get3A_661 = arith.index_cast %get3A_660 : i32 to index
      %get3A_662 = arith.index_cast %mul3A_53 : i32 to index
      %get3A_663 = tpu.vector_load %arg6[%get3A_661, %get3A_662] {strides = array<i32>} : memref<64x256xf32, #tpu.memory_space<vmem>>, vector<1x16xf32>,
      %get3A_664 = vector.shape_cast %get3A_663 : vector<1x16xf32> to vector<16xf32>
      %gt3A_665 = arith.cmpf ogt, %get3A_664, %select_n3A_656 : vector<16xf32>
      %gt3A_666 = arith.cmpf ogt, %get3A_664, %select_n3A_653 : vector<16xf32>
      %select_n3A_667 = arith.select %gt3A_665, %select_n3A_656, %get3A_664 : vector<16xi1>, vector<16xf32>
      %select_n3A_668 = arith.select %gt3A_666, %select_n3A_667, %select_n3A_653 : vector<16xi1>, vector<16xf32>
      %select_n3A_669 = arith.select %gt3A_665, %select_n3A_657, %broadcast_in_dim3A_659 : vector<16xi1>, vector<16xi32>
      %select_n3A_670 = arith.select %gt3A_666, %select_n3A_669, %select_n3A_655 : vector<16xi1>, vector<16xi32>
      %select_n3A_671 = arith.select %gt3A_665, %get3A_664, %select_n3A_656 : vector<16xi1>, vector<16xf32>
      %select_n3A_672 = arith.select %gt3A_665, %broadcast_in_dim3A_659, %select_n3A_657 : vector<16xi1>, vector<16xi32>
      %broadcast_in_dim3A_673 = arith.constant 41 : i32
      %broadcast_in_dim3A_674 = vector.broadcast %broadcast_in_dim3A_673 : i32 to vector<16xi32>
      %get3A_675 = arith.constant 41 : i32
      %get3A_676 = arith.index_cast %get3A_675 : i32 to index
      %get3A_677 = arith.index_cast %mul3A_53 : i32 to index
      %get3A_678 = tpu.vector_load %arg6[%get3A_676, %get3A_677] {strides = array<i32>} : memref<64x256xf32, #tpu.memory_space<vmem>>, vector<1x16xf32>,
      %get3A_679 = vector.shape_cast %get3A_678 : vector<1x16xf32> to vector<16xf32>
      %gt3A_680 = arith.cmpf ogt, %get3A_679, %select_n3A_671 : vector<16xf32>
      %gt3A_681 = arith.cmpf ogt, %get3A_679, %select_n3A_668 : vector<16xf32>
      %select_n3A_682 = arith.select %gt3A_680, %select_n3A_671, %get3A_679 : vector<16xi1>, vector<16xf32>
      %select_n3A_683 = arith.select %gt3A_681, %select_n3A_682, %select_n3A_668 : vector<16xi1>, vector<16xf32>
      %select_n3A_684 = arith.select %gt3A_680, %select_n3A_672, %broadcast_in_dim3A_674 : vector<16xi1>, vector<16xi32>
      %select_n3A_685 = arith.select %gt3A_681, %select_n3A_684, %select_n3A_670 : vector<16xi1>, vector<16xi32>
      %select_n3A_686 = arith.select %gt3A_680, %get3A_679, %select_n3A_671 : vector<16xi1>, vector<16xf32>
      %select_n3A_687 = arith.select %gt3A_680, %broadcast_in_dim3A_674, %select_n3A_672 : vector<16xi1>, vector<16xi32>
      %broadcast_in_dim3A_688 = arith.constant 42 : i32
      %broadcast_in_dim3A_689 = vector.broadcast %broadcast_in_dim3A_688 : i32 to vector<16xi32>
      %get3A_690 = arith.constant 42 : i32
      %get3A_691 = arith.index_cast %get3A_690 : i32 to index
      %get3A_692 = arith.index_cast %mul3A_53 : i32 to index
      %get3A_693 = tpu.vector_load %arg6[%get3A_691, %get3A_692] {strides = array<i32>} : memref<64x256xf32, #tpu.memory_space<vmem>>, vector<1x16xf32>,
      %get3A_694 = vector.shape_cast %get3A_693 : vector<1x16xf32> to vector<16xf32>
      %gt3A_695 = arith.cmpf ogt, %get3A_694, %select_n3A_686 : vector<16xf32>
      %gt3A_696 = arith.cmpf ogt, %get3A_694, %select_n3A_683 : vector<16xf32>
      %select_n3A_697 = arith.select %gt3A_695, %select_n3A_686, %get3A_694 : vector<16xi1>, vector<16xf32>
      %select_n3A_698 = arith.select %gt3A_696, %select_n3A_697, %select_n3A_683 : vector<16xi1>, vector<16xf32>
      %select_n3A_699 = arith.select %gt3A_695, %select_n3A_687, %broadcast_in_dim3A_689 : vector<16xi1>, vector<16xi32>
      %select_n3A_700 = arith.select %gt3A_696, %select_n3A_699, %select_n3A_685 : vector<16xi1>, vector<16xi32>
      %select_n3A_701 = arith.select %gt3A_695, %get3A_694, %select_n3A_686 : vector<16xi1>, vector<16xf32>
      %select_n3A_702 = arith.select %gt3A_695, %broadcast_in_dim3A_689, %select_n3A_687 : vector<16xi1>, vector<16xi32>
      %broadcast_in_dim3A_703 = arith.constant 43 : i32
      %broadcast_in_dim3A_704 = vector.broadcast %broadcast_in_dim3A_703 : i32 to vector<16xi32>
      %get3A_705 = arith.constant 43 : i32
      %get3A_706 = arith.index_cast %get3A_705 : i32 to index
      %get3A_707 = arith.index_cast %mul3A_53 : i32 to index
      %get3A_708 = tpu.vector_load %arg6[%get3A_706, %get3A_707] {strides = array<i32>} : memref<64x256xf32, #tpu.memory_space<vmem>>, vector<1x16xf32>,
      %get3A_709 = vector.shape_cast %get3A_708 : vector<1x16xf32> to vector<16xf32>
      %gt3A_710 = arith.cmpf ogt, %get3A_709, %select_n3A_701 : vector<16xf32>
      %gt3A_711 = arith.cmpf ogt, %get3A_709, %select_n3A_698 : vector<16xf32>
      %select_n3A_712 = arith.select %gt3A_710, %select_n3A_701, %get3A_709 : vector<16xi1>, vector<16xf32>
      %select_n3A_713 = arith.select %gt3A_711, %select_n3A_712, %select_n3A_698 : vector<16xi1>, vector<16xf32>
      %select_n3A_714 = arith.select %gt3A_710, %select_n3A_702, %broadcast_in_dim3A_704 : vector<16xi1>, vector<16xi32>
      %select_n3A_715 = arith.select %gt3A_711, %select_n3A_714, %select_n3A_700 : vector<16xi1>, vector<16xi32>
      %select_n3A_716 = arith.select %gt3A_710, %get3A_709, %select_n3A_701 : vector<16xi1>, vector<16xf32>
      %select_n3A_717 = arith.select %gt3A_710, %broadcast_in_dim3A_704, %select_n3A_702 : vector<16xi1>, vector<16xi32>
      %broadcast_in_dim3A_718 = arith.constant 44 : i32
      %broadcast_in_dim3A_719 = vector.broadcast %broadcast_in_dim3A_718 : i32 to vector<16xi32>
      %get3A_720 = arith.constant 44 : i32
      %get3A_721 = arith.index_cast %get3A_720 : i32 to index
      %get3A_722 = arith.index_cast %mul3A_53 : i32 to index
      %get3A_723 = tpu.vector_load %arg6[%get3A_721, %get3A_722] {strides = array<i32>} : memref<64x256xf32, #tpu.memory_space<vmem>>, vector<1x16xf32>,
      %get3A_724 = vector.shape_cast %get3A_723 : vector<1x16xf32> to vector<16xf32>
      %gt3A_725 = arith.cmpf ogt, %get3A_724, %select_n3A_716 : vector<16xf32>
      %gt3A_726 = arith.cmpf ogt, %get3A_724, %select_n3A_713 : vector<16xf32>
      %select_n3A_727 = arith.select %gt3A_725, %select_n3A_716, %get3A_724 : vector<16xi1>, vector<16xf32>
      %select_n3A_728 = arith.select %gt3A_726, %select_n3A_727, %select_n3A_713 : vector<16xi1>, vector<16xf32>
      %select_n3A_729 = arith.select %gt3A_725, %select_n3A_717, %broadcast_in_dim3A_719 : vector<16xi1>, vector<16xi32>
      %select_n3A_730 = arith.select %gt3A_726, %select_n3A_729, %select_n3A_715 : vector<16xi1>, vector<16xi32>
      %select_n3A_731 = arith.select %gt3A_725, %get3A_724, %select_n3A_716 : vector<16xi1>, vector<16xf32>
      %select_n3A_732 = arith.select %gt3A_725, %broadcast_in_dim3A_719, %select_n3A_717 : vector<16xi1>, vector<16xi32>
      %broadcast_in_dim3A_733 = arith.constant 45 : i32
      %broadcast_in_dim3A_734 = vector.broadcast %broadcast_in_dim3A_733 : i32 to vector<16xi32>
      %get3A_735 = arith.constant 45 : i32
      %get3A_736 = arith.index_cast %get3A_735 : i32 to index
      %get3A_737 = arith.index_cast %mul3A_53 : i32 to index
      %get3A_738 = tpu.vector_load %arg6[%get3A_736, %get3A_737] {strides = array<i32>} : memref<64x256xf32, #tpu.memory_space<vmem>>, vector<1x16xf32>,
      %get3A_739 = vector.shape_cast %get3A_738 : vector<1x16xf32> to vector<16xf32>
      %gt3A_740 = arith.cmpf ogt, %get3A_739, %select_n3A_731 : vector<16xf32>
      %gt3A_741 = arith.cmpf ogt, %get3A_739, %select_n3A_728 : vector<16xf32>
      %select_n3A_742 = arith.select %gt3A_740, %select_n3A_731, %get3A_739 : vector<16xi1>, vector<16xf32>
      %select_n3A_743 = arith.select %gt3A_741, %select_n3A_742, %select_n3A_728 : vector<16xi1>, vector<16xf32>
      %select_n3A_744 = arith.select %gt3A_740, %select_n3A_732, %broadcast_in_dim3A_734 : vector<16xi1>, vector<16xi32>
      %select_n3A_745 = arith.select %gt3A_741, %select_n3A_744, %select_n3A_730 : vector<16xi1>, vector<16xi32>
      %select_n3A_746 = arith.select %gt3A_740, %get3A_739, %select_n3A_731 : vector<16xi1>, vector<16xf32>
      %select_n3A_747 = arith.select %gt3A_740, %broadcast_in_dim3A_734, %select_n3A_732 : vector<16xi1>, vector<16xi32>
      %broadcast_in_dim3A_748 = arith.constant 46 : i32
      %broadcast_in_dim3A_749 = vector.broadcast %broadcast_in_dim3A_748 : i32 to vector<16xi32>
      %get3A_750 = arith.constant 46 : i32
      %get3A_751 = arith.index_cast %get3A_750 : i32 to index
      %get3A_752 = arith.index_cast %mul3A_53 : i32 to index
      %get3A_753 = tpu.vector_load %arg6[%get3A_751, %get3A_752] {strides = array<i32>} : memref<64x256xf32, #tpu.memory_space<vmem>>, vector<1x16xf32>,
      %get3A_754 = vector.shape_cast %get3A_753 : vector<1x16xf32> to vector<16xf32>
      %gt3A_755 = arith.cmpf ogt, %get3A_754, %select_n3A_746 : vector<16xf32>
      %gt3A_756 = arith.cmpf ogt, %get3A_754, %select_n3A_743 : vector<16xf32>
      %select_n3A_757 = arith.select %gt3A_755, %select_n3A_746, %get3A_754 : vector<16xi1>, vector<16xf32>
      %select_n3A_758 = arith.select %gt3A_756, %select_n3A_757, %select_n3A_743 : vector<16xi1>, vector<16xf32>
      %select_n3A_759 = arith.select %gt3A_755, %select_n3A_747, %broadcast_in_dim3A_749 : vector<16xi1>, vector<16xi32>
      %select_n3A_760 = arith.select %gt3A_756, %select_n3A_759, %select_n3A_745 : vector<16xi1>, vector<16xi32>
      %select_n3A_761 = arith.select %gt3A_755, %get3A_754, %select_n3A_746 : vector<16xi1>, vector<16xf32>
      %select_n3A_762 = arith.select %gt3A_755, %broadcast_in_dim3A_749, %select_n3A_747 : vector<16xi1>, vector<16xi32>
      %broadcast_in_dim3A_763 = arith.constant 47 : i32
      %broadcast_in_dim3A_764 = vector.broadcast %broadcast_in_dim3A_763 : i32 to vector<16xi32>
      %get3A_765 = arith.constant 47 : i32
      %get3A_766 = arith.index_cast %get3A_765 : i32 to index
      %get3A_767 = arith.index_cast %mul3A_53 : i32 to index
      %get3A_768 = tpu.vector_load %arg6[%get3A_766, %get3A_767] {strides = array<i32>} : memref<64x256xf32, #tpu.memory_space<vmem>>, vector<1x16xf32>,
      %get3A_769 = vector.shape_cast %get3A_768 : vector<1x16xf32> to vector<16xf32>
      %gt3A_770 = arith.cmpf ogt, %get3A_769, %select_n3A_761 : vector<16xf32>
      %gt3A_771 = arith.cmpf ogt, %get3A_769, %select_n3A_758 : vector<16xf32>
      %select_n3A_772 = arith.select %gt3A_770, %select_n3A_761, %get3A_769 : vector<16xi1>, vector<16xf32>
      %select_n3A_773 = arith.select %gt3A_771, %select_n3A_772, %select_n3A_758 : vector<16xi1>, vector<16xf32>
      %select_n3A_774 = arith.select %gt3A_770, %select_n3A_762, %broadcast_in_dim3A_764 : vector<16xi1>, vector<16xi32>
      %select_n3A_775 = arith.select %gt3A_771, %select_n3A_774, %select_n3A_760 : vector<16xi1>, vector<16xi32>
      %select_n3A_776 = arith.select %gt3A_770, %get3A_769, %select_n3A_761 : vector<16xi1>, vector<16xf32>
      %select_n3A_777 = arith.select %gt3A_770, %broadcast_in_dim3A_764, %select_n3A_762 : vector<16xi1>, vector<16xi32>
      %broadcast_in_dim3A_778 = arith.constant 48 : i32
      %broadcast_in_dim3A_779 = vector.broadcast %broadcast_in_dim3A_778 : i32 to vector<16xi32>
      %get3A_780 = arith.constant 48 : i32
      %get3A_781 = arith.index_cast %get3A_780 : i32 to index
      %get3A_782 = arith.index_cast %mul3A_53 : i32 to index
      %get3A_783 = tpu.vector_load %arg6[%get3A_781, %get3A_782] {strides = array<i32>} : memref<64x256xf32, #tpu.memory_space<vmem>>, vector<1x16xf32>,
      %get3A_784 = vector.shape_cast %get3A_783 : vector<1x16xf32> to vector<16xf32>
      %gt3A_785 = arith.cmpf ogt, %get3A_784, %select_n3A_776 : vector<16xf32>
      %gt3A_786 = arith.cmpf ogt, %get3A_784, %select_n3A_773 : vector<16xf32>
      %select_n3A_787 = arith.select %gt3A_785, %select_n3A_776, %get3A_784 : vector<16xi1>, vector<16xf32>
      %select_n3A_788 = arith.select %gt3A_786, %select_n3A_787, %select_n3A_773 : vector<16xi1>, vector<16xf32>
      %select_n3A_789 = arith.select %gt3A_785, %select_n3A_777, %broadcast_in_dim3A_779 : vector<16xi1>, vector<16xi32>
      %select_n3A_790 = arith.select %gt3A_786, %select_n3A_789, %select_n3A_775 : vector<16xi1>, vector<16xi32>
      %select_n3A_791 = arith.select %gt3A_785, %get3A_784, %select_n3A_776 : vector<16xi1>, vector<16xf32>
      %select_n3A_792 = arith.select %gt3A_785, %broadcast_in_dim3A_779, %select_n3A_777 : vector<16xi1>, vector<16xi32>
      %broadcast_in_dim3A_793 = arith.constant 49 : i32
      %broadcast_in_dim3A_794 = vector.broadcast %broadcast_in_dim3A_793 : i32 to vector<16xi32>
      %get3A_795 = arith.constant 49 : i32
      %get3A_796 = arith.index_cast %get3A_795 : i32 to index
      %get3A_797 = arith.index_cast %mul3A_53 : i32 to index
      %get3A_798 = tpu.vector_load %arg6[%get3A_796, %get3A_797] {strides = array<i32>} : memref<64x256xf32, #tpu.memory_space<vmem>>, vector<1x16xf32>,
      %get3A_799 = vector.shape_cast %get3A_798 : vector<1x16xf32> to vector<16xf32>
      %gt3A_800 = arith.cmpf ogt, %get3A_799, %select_n3A_791 : vector<16xf32>
      %gt3A_801 = arith.cmpf ogt, %get3A_799, %select_n3A_788 : vector<16xf32>
      %select_n3A_802 = arith.select %gt3A_800, %select_n3A_791, %get3A_799 : vector<16xi1>, vector<16xf32>
      %select_n3A_803 = arith.select %gt3A_801, %select_n3A_802, %select_n3A_788 : vector<16xi1>, vector<16xf32>
      %select_n3A_804 = arith.select %gt3A_800, %select_n3A_792, %broadcast_in_dim3A_794 : vector<16xi1>, vector<16xi32>
      %select_n3A_805 = arith.select %gt3A_801, %select_n3A_804, %select_n3A_790 : vector<16xi1>, vector<16xi32>
      %select_n3A_806 = arith.select %gt3A_800, %get3A_799, %select_n3A_791 : vector<16xi1>, vector<16xf32>
      %select_n3A_807 = arith.select %gt3A_800, %broadcast_in_dim3A_794, %select_n3A_792 : vector<16xi1>, vector<16xi32>
      %broadcast_in_dim3A_808 = arith.constant 50 : i32
      %broadcast_in_dim3A_809 = vector.broadcast %broadcast_in_dim3A_808 : i32 to vector<16xi32>
      %get3A_810 = arith.constant 50 : i32
      %get3A_811 = arith.index_cast %get3A_810 : i32 to index
      %get3A_812 = arith.index_cast %mul3A_53 : i32 to index
      %get3A_813 = tpu.vector_load %arg6[%get3A_811, %get3A_812] {strides = array<i32>} : memref<64x256xf32, #tpu.memory_space<vmem>>, vector<1x16xf32>,
      %get3A_814 = vector.shape_cast %get3A_813 : vector<1x16xf32> to vector<16xf32>
      %gt3A_815 = arith.cmpf ogt, %get3A_814, %select_n3A_806 : vector<16xf32>
      %gt3A_816 = arith.cmpf ogt, %get3A_814, %select_n3A_803 : vector<16xf32>
      %select_n3A_817 = arith.select %gt3A_815, %select_n3A_806, %get3A_814 : vector<16xi1>, vector<16xf32>
      %select_n3A_818 = arith.select %gt3A_816, %select_n3A_817, %select_n3A_803 : vector<16xi1>, vector<16xf32>
      %select_n3A_819 = arith.select %gt3A_815, %select_n3A_807, %broadcast_in_dim3A_809 : vector<16xi1>, vector<16xi32>
      %select_n3A_820 = arith.select %gt3A_816, %select_n3A_819, %select_n3A_805 : vector<16xi1>, vector<16xi32>
      %select_n3A_821 = arith.select %gt3A_815, %get3A_814, %select_n3A_806 : vector<16xi1>, vector<16xf32>
      %select_n3A_822 = arith.select %gt3A_815, %broadcast_in_dim3A_809, %select_n3A_807 : vector<16xi1>, vector<16xi32>
      %broadcast_in_dim3A_823 = arith.constant 51 : i32
      %broadcast_in_dim3A_824 = vector.broadcast %broadcast_in_dim3A_823 : i32 to vector<16xi32>
      %get3A_825 = arith.constant 51 : i32
      %get3A_826 = arith.index_cast %get3A_825 : i32 to index
      %get3A_827 = arith.index_cast %mul3A_53 : i32 to index
      %get3A_828 = tpu.vector_load %arg6[%get3A_826, %get3A_827] {strides = array<i32>} : memref<64x256xf32, #tpu.memory_space<vmem>>, vector<1x16xf32>,
      %get3A_829 = vector.shape_cast %get3A_828 : vector<1x16xf32> to vector<16xf32>
      %gt3A_830 = arith.cmpf ogt, %get3A_829, %select_n3A_821 : vector<16xf32>
      %gt3A_831 = arith.cmpf ogt, %get3A_829, %select_n3A_818 : vector<16xf32>
      %select_n3A_832 = arith.select %gt3A_830, %select_n3A_821, %get3A_829 : vector<16xi1>, vector<16xf32>
      %select_n3A_833 = arith.select %gt3A_831, %select_n3A_832, %select_n3A_818 : vector<16xi1>, vector<16xf32>
      %select_n3A_834 = arith.select %gt3A_830, %select_n3A_822, %broadcast_in_dim3A_824 : vector<16xi1>, vector<16xi32>
      %select_n3A_835 = arith.select %gt3A_831, %select_n3A_834, %select_n3A_820 : vector<16xi1>, vector<16xi32>
      %select_n3A_836 = arith.select %gt3A_830, %get3A_829, %select_n3A_821 : vector<16xi1>, vector<16xf32>
      %select_n3A_837 = arith.select %gt3A_830, %broadcast_in_dim3A_824, %select_n3A_822 : vector<16xi1>, vector<16xi32>
      %broadcast_in_dim3A_838 = arith.constant 52 : i32
      %broadcast_in_dim3A_839 = vector.broadcast %broadcast_in_dim3A_838 : i32 to vector<16xi32>
      %get3A_840 = arith.constant 52 : i32
      %get3A_841 = arith.index_cast %get3A_840 : i32 to index
      %get3A_842 = arith.index_cast %mul3A_53 : i32 to index
      %get3A_843 = tpu.vector_load %arg6[%get3A_841, %get3A_842] {strides = array<i32>} : memref<64x256xf32, #tpu.memory_space<vmem>>, vector<1x16xf32>,
      %get3A_844 = vector.shape_cast %get3A_843 : vector<1x16xf32> to vector<16xf32>
      %gt3A_845 = arith.cmpf ogt, %get3A_844, %select_n3A_836 : vector<16xf32>
      %gt3A_846 = arith.cmpf ogt, %get3A_844, %select_n3A_833 : vector<16xf32>
      %select_n3A_847 = arith.select %gt3A_845, %select_n3A_836, %get3A_844 : vector<16xi1>, vector<16xf32>
      %select_n3A_848 = arith.select %gt3A_846, %select_n3A_847, %select_n3A_833 : vector<16xi1>, vector<16xf32>
      %select_n3A_849 = arith.select %gt3A_845, %select_n3A_837, %broadcast_in_dim3A_839 : vector<16xi1>, vector<16xi32>
      %select_n3A_850 = arith.select %gt3A_846, %select_n3A_849, %select_n3A_835 : vector<16xi1>, vector<16xi32>
      %select_n3A_851 = arith.select %gt3A_845, %get3A_844, %select_n3A_836 : vector<16xi1>, vector<16xf32>
      %select_n3A_852 = arith.select %gt3A_845, %broadcast_in_dim3A_839, %select_n3A_837 : vector<16xi1>, vector<16xi32>
      %broadcast_in_dim3A_853 = arith.constant 53 : i32
      %broadcast_in_dim3A_854 = vector.broadcast %broadcast_in_dim3A_853 : i32 to vector<16xi32>
      %get3A_855 = arith.constant 53 : i32
      %get3A_856 = arith.index_cast %get3A_855 : i32 to index
      %get3A_857 = arith.index_cast %mul3A_53 : i32 to index
      %get3A_858 = tpu.vector_load %arg6[%get3A_856, %get3A_857] {strides = array<i32>} : memref<64x256xf32, #tpu.memory_space<vmem>>, vector<1x16xf32>,
      %get3A_859 = vector.shape_cast %get3A_858 : vector<1x16xf32> to vector<16xf32>
      %gt3A_860 = arith.cmpf ogt, %get3A_859, %select_n3A_851 : vector<16xf32>
      %gt3A_861 = arith.cmpf ogt, %get3A_859, %select_n3A_848 : vector<16xf32>
      %select_n3A_862 = arith.select %gt3A_860, %select_n3A_851, %get3A_859 : vector<16xi1>, vector<16xf32>
      %select_n3A_863 = arith.select %gt3A_861, %select_n3A_862, %select_n3A_848 : vector<16xi1>, vector<16xf32>
      %select_n3A_864 = arith.select %gt3A_860, %select_n3A_852, %broadcast_in_dim3A_854 : vector<16xi1>, vector<16xi32>
      %select_n3A_865 = arith.select %gt3A_861, %select_n3A_864, %select_n3A_850 : vector<16xi1>, vector<16xi32>
      %select_n3A_866 = arith.select %gt3A_860, %get3A_859, %select_n3A_851 : vector<16xi1>, vector<16xf32>
      %select_n3A_867 = arith.select %gt3A_860, %broadcast_in_dim3A_854, %select_n3A_852 : vector<16xi1>, vector<16xi32>
      %broadcast_in_dim3A_868 = arith.constant 54 : i32
      %broadcast_in_dim3A_869 = vector.broadcast %broadcast_in_dim3A_868 : i32 to vector<16xi32>
      %get3A_870 = arith.constant 54 : i32
      %get3A_871 = arith.index_cast %get3A_870 : i32 to index
      %get3A_872 = arith.index_cast %mul3A_53 : i32 to index
      %get3A_873 = tpu.vector_load %arg6[%get3A_871, %get3A_872] {strides = array<i32>} : memref<64x256xf32, #tpu.memory_space<vmem>>, vector<1x16xf32>,
      %get3A_874 = vector.shape_cast %get3A_873 : vector<1x16xf32> to vector<16xf32>
      %gt3A_875 = arith.cmpf ogt, %get3A_874, %select_n3A_866 : vector<16xf32>
      %gt3A_876 = arith.cmpf ogt, %get3A_874, %select_n3A_863 : vector<16xf32>
      %select_n3A_877 = arith.select %gt3A_875, %select_n3A_866, %get3A_874 : vector<16xi1>, vector<16xf32>
      %select_n3A_878 = arith.select %gt3A_876, %select_n3A_877, %select_n3A_863 : vector<16xi1>, vector<16xf32>
      %select_n3A_879 = arith.select %gt3A_875, %select_n3A_867, %broadcast_in_dim3A_869 : vector<16xi1>, vector<16xi32>
      %select_n3A_880 = arith.select %gt3A_876, %select_n3A_879, %select_n3A_865 : vector<16xi1>, vector<16xi32>
      %select_n3A_881 = arith.select %gt3A_875, %get3A_874, %select_n3A_866 : vector<16xi1>, vector<16xf32>
      %select_n3A_882 = arith.select %gt3A_875, %broadcast_in_dim3A_869, %select_n3A_867 : vector<16xi1>, vector<16xi32>
      %broadcast_in_dim3A_883 = arith.constant 55 : i32
      %broadcast_in_dim3A_884 = vector.broadcast %broadcast_in_dim3A_883 : i32 to vector<16xi32>
      %get3A_885 = arith.constant 55 : i32
      %get3A_886 = arith.index_cast %get3A_885 : i32 to index
      %get3A_887 = arith.index_cast %mul3A_53 : i32 to index
      %get3A_888 = tpu.vector_load %arg6[%get3A_886, %get3A_887] {strides = array<i32>} : memref<64x256xf32, #tpu.memory_space<vmem>>, vector<1x16xf32>,
      %get3A_889 = vector.shape_cast %get3A_888 : vector<1x16xf32> to vector<16xf32>
      %gt3A_890 = arith.cmpf ogt, %get3A_889, %select_n3A_881 : vector<16xf32>
      %gt3A_891 = arith.cmpf ogt, %get3A_889, %select_n3A_878 : vector<16xf32>
      %select_n3A_892 = arith.select %gt3A_890, %select_n3A_881, %get3A_889 : vector<16xi1>, vector<16xf32>
      %select_n3A_893 = arith.select %gt3A_891, %select_n3A_892, %select_n3A_878 : vector<16xi1>, vector<16xf32>
      %select_n3A_894 = arith.select %gt3A_890, %select_n3A_882, %broadcast_in_dim3A_884 : vector<16xi1>, vector<16xi32>
      %select_n3A_895 = arith.select %gt3A_891, %select_n3A_894, %select_n3A_880 : vector<16xi1>, vector<16xi32>
      %select_n3A_896 = arith.select %gt3A_890, %get3A_889, %select_n3A_881 : vector<16xi1>, vector<16xf32>
      %select_n3A_897 = arith.select %gt3A_890, %broadcast_in_dim3A_884, %select_n3A_882 : vector<16xi1>, vector<16xi32>
      %broadcast_in_dim3A_898 = arith.constant 56 : i32
      %broadcast_in_dim3A_899 = vector.broadcast %broadcast_in_dim3A_898 : i32 to vector<16xi32>
      %get3A_900 = arith.constant 56 : i32
      %get3A_901 = arith.index_cast %get3A_900 : i32 to index
      %get3A_902 = arith.index_cast %mul3A_53 : i32 to index
      %get3A_903 = tpu.vector_load %arg6[%get3A_901, %get3A_902] {strides = array<i32>} : memref<64x256xf32, #tpu.memory_space<vmem>>, vector<1x16xf32>,
      %get3A_904 = vector.shape_cast %get3A_903 : vector<1x16xf32> to vector<16xf32>
      %gt3A_905 = arith.cmpf ogt, %get3A_904, %select_n3A_896 : vector<16xf32>
      %gt3A_906 = arith.cmpf ogt, %get3A_904, %select_n3A_893 : vector<16xf32>
      %select_n3A_907 = arith.select %gt3A_905, %select_n3A_896, %get3A_904 : vector<16xi1>, vector<16xf32>
      %select_n3A_908 = arith.select %gt3A_906, %select_n3A_907, %select_n3A_893 : vector<16xi1>, vector<16xf32>
      %select_n3A_909 = arith.select %gt3A_905, %select_n3A_897, %broadcast_in_dim3A_899 : vector<16xi1>, vector<16xi32>
      %select_n3A_910 = arith.select %gt3A_906, %select_n3A_909, %select_n3A_895 : vector<16xi1>, vector<16xi32>
      %select_n3A_911 = arith.select %gt3A_905, %get3A_904, %select_n3A_896 : vector<16xi1>, vector<16xf32>
      %select_n3A_912 = arith.select %gt3A_905, %broadcast_in_dim3A_899, %select_n3A_897 : vector<16xi1>, vector<16xi32>
      %broadcast_in_dim3A_913 = arith.constant 57 : i32
      %broadcast_in_dim3A_914 = vector.broadcast %broadcast_in_dim3A_913 : i32 to vector<16xi32>
      %get3A_915 = arith.constant 57 : i32
      %get3A_916 = arith.index_cast %get3A_915 : i32 to index
      %get3A_917 = arith.index_cast %mul3A_53 : i32 to index
      %get3A_918 = tpu.vector_load %arg6[%get3A_916, %get3A_917] {strides = array<i32>} : memref<64x256xf32, #tpu.memory_space<vmem>>, vector<1x16xf32>,
      %get3A_919 = vector.shape_cast %get3A_918 : vector<1x16xf32> to vector<16xf32>
      %gt3A_920 = arith.cmpf ogt, %get3A_919, %select_n3A_911 : vector<16xf32>
      %gt3A_921 = arith.cmpf ogt, %get3A_919, %select_n3A_908 : vector<16xf32>
      %select_n3A_922 = arith.select %gt3A_920, %select_n3A_911, %get3A_919 : vector<16xi1>, vector<16xf32>
      %select_n3A_923 = arith.select %gt3A_921, %select_n3A_922, %select_n3A_908 : vector<16xi1>, vector<16xf32>
      %select_n3A_924 = arith.select %gt3A_920, %select_n3A_912, %broadcast_in_dim3A_914 : vector<16xi1>, vector<16xi32>
      %select_n3A_925 = arith.select %gt3A_921, %select_n3A_924, %select_n3A_910 : vector<16xi1>, vector<16xi32>
      %select_n3A_926 = arith.select %gt3A_920, %get3A_919, %select_n3A_911 : vector<16xi1>, vector<16xf32>
      %select_n3A_927 = arith.select %gt3A_920, %broadcast_in_dim3A_914, %select_n3A_912 : vector<16xi1>, vector<16xi32>
      %broadcast_in_dim3A_928 = arith.constant 58 : i32
      %broadcast_in_dim3A_929 = vector.broadcast %broadcast_in_dim3A_928 : i32 to vector<16xi32>
      %get3A_930 = arith.constant 58 : i32
      %get3A_931 = arith.index_cast %get3A_930 : i32 to index
      %get3A_932 = arith.index_cast %mul3A_53 : i32 to index
      %get3A_933 = tpu.vector_load %arg6[%get3A_931, %get3A_932] {strides = array<i32>} : memref<64x256xf32, #tpu.memory_space<vmem>>, vector<1x16xf32>,
      %get3A_934 = vector.shape_cast %get3A_933 : vector<1x16xf32> to vector<16xf32>
      %gt3A_935 = arith.cmpf ogt, %get3A_934, %select_n3A_926 : vector<16xf32>
      %gt3A_936 = arith.cmpf ogt, %get3A_934, %select_n3A_923 : vector<16xf32>
      %select_n3A_937 = arith.select %gt3A_935, %select_n3A_926, %get3A_934 : vector<16xi1>, vector<16xf32>
      %select_n3A_938 = arith.select %gt3A_936, %select_n3A_937, %select_n3A_923 : vector<16xi1>, vector<16xf32>
      %select_n3A_939 = arith.select %gt3A_935, %select_n3A_927, %broadcast_in_dim3A_929 : vector<16xi1>, vector<16xi32>
      %select_n3A_940 = arith.select %gt3A_936, %select_n3A_939, %select_n3A_925 : vector<16xi1>, vector<16xi32>
      %select_n3A_941 = arith.select %gt3A_935, %get3A_934, %select_n3A_926 : vector<16xi1>, vector<16xf32>
      %select_n3A_942 = arith.select %gt3A_935, %broadcast_in_dim3A_929, %select_n3A_927 : vector<16xi1>, vector<16xi32>
      %broadcast_in_dim3A_943 = arith.constant 59 : i32
      %broadcast_in_dim3A_944 = vector.broadcast %broadcast_in_dim3A_943 : i32 to vector<16xi32>
      %get3A_945 = arith.constant 59 : i32
      %get3A_946 = arith.index_cast %get3A_945 : i32 to index
      %get3A_947 = arith.index_cast %mul3A_53 : i32 to index
      %get3A_948 = tpu.vector_load %arg6[%get3A_946, %get3A_947] {strides = array<i32>} : memref<64x256xf32, #tpu.memory_space<vmem>>, vector<1x16xf32>,
      %get3A_949 = vector.shape_cast %get3A_948 : vector<1x16xf32> to vector<16xf32>
      %gt3A_950 = arith.cmpf ogt, %get3A_949, %select_n3A_941 : vector<16xf32>
      %gt3A_951 = arith.cmpf ogt, %get3A_949, %select_n3A_938 : vector<16xf32>
      %select_n3A_952 = arith.select %gt3A_950, %select_n3A_941, %get3A_949 : vector<16xi1>, vector<16xf32>
      %select_n3A_953 = arith.select %gt3A_951, %select_n3A_952, %select_n3A_938 : vector<16xi1>, vector<16xf32>
      %select_n3A_954 = arith.select %gt3A_950, %select_n3A_942, %broadcast_in_dim3A_944 : vector<16xi1>, vector<16xi32>
      %select_n3A_955 = arith.select %gt3A_951, %select_n3A_954, %select_n3A_940 : vector<16xi1>, vector<16xi32>
      %select_n3A_956 = arith.select %gt3A_950, %get3A_949, %select_n3A_941 : vector<16xi1>, vector<16xf32>
      %select_n3A_957 = arith.select %gt3A_950, %broadcast_in_dim3A_944, %select_n3A_942 : vector<16xi1>, vector<16xi32>
      %broadcast_in_dim3A_958 = arith.constant 60 : i32
      %broadcast_in_dim3A_959 = vector.broadcast %broadcast_in_dim3A_958 : i32 to vector<16xi32>
      %get3A_960 = arith.constant 60 : i32
      %get3A_961 = arith.index_cast %get3A_960 : i32 to index
      %get3A_962 = arith.index_cast %mul3A_53 : i32 to index
      %get3A_963 = tpu.vector_load %arg6[%get3A_961, %get3A_962] {strides = array<i32>} : memref<64x256xf32, #tpu.memory_space<vmem>>, vector<1x16xf32>,
      %get3A_964 = vector.shape_cast %get3A_963 : vector<1x16xf32> to vector<16xf32>
      %gt3A_965 = arith.cmpf ogt, %get3A_964, %select_n3A_956 : vector<16xf32>
      %gt3A_966 = arith.cmpf ogt, %get3A_964, %select_n3A_953 : vector<16xf32>
      %select_n3A_967 = arith.select %gt3A_965, %select_n3A_956, %get3A_964 : vector<16xi1>, vector<16xf32>
      %select_n3A_968 = arith.select %gt3A_966, %select_n3A_967, %select_n3A_953 : vector<16xi1>, vector<16xf32>
      %select_n3A_969 = arith.select %gt3A_965, %select_n3A_957, %broadcast_in_dim3A_959 : vector<16xi1>, vector<16xi32>
      %select_n3A_970 = arith.select %gt3A_966, %select_n3A_969, %select_n3A_955 : vector<16xi1>, vector<16xi32>
      %select_n3A_971 = arith.select %gt3A_965, %get3A_964, %select_n3A_956 : vector<16xi1>, vector<16xf32>
      %select_n3A_972 = arith.select %gt3A_965, %broadcast_in_dim3A_959, %select_n3A_957 : vector<16xi1>, vector<16xi32>
      %broadcast_in_dim3A_973 = arith.constant 61 : i32
      %broadcast_in_dim3A_974 = vector.broadcast %broadcast_in_dim3A_973 : i32 to vector<16xi32>
      %get3A_975 = arith.constant 61 : i32
      %get3A_976 = arith.index_cast %get3A_975 : i32 to index
      %get3A_977 = arith.index_cast %mul3A_53 : i32 to index
      %get3A_978 = tpu.vector_load %arg6[%get3A_976, %get3A_977] {strides = array<i32>} : memref<64x256xf32, #tpu.memory_space<vmem>>, vector<1x16xf32>,
      %get3A_979 = vector.shape_cast %get3A_978 : vector<1x16xf32> to vector<16xf32>
      %gt3A_980 = arith.cmpf ogt, %get3A_979, %select_n3A_971 : vector<16xf32>
      %gt3A_981 = arith.cmpf ogt, %get3A_979, %select_n3A_968 : vector<16xf32>
      %select_n3A_982 = arith.select %gt3A_980, %select_n3A_971, %get3A_979 : vector<16xi1>, vector<16xf32>
      %select_n3A_983 = arith.select %gt3A_981, %select_n3A_982, %select_n3A_968 : vector<16xi1>, vector<16xf32>
      %select_n3A_984 = arith.select %gt3A_980, %select_n3A_972, %broadcast_in_dim3A_974 : vector<16xi1>, vector<16xi32>
      %select_n3A_985 = arith.select %gt3A_981, %select_n3A_984, %select_n3A_970 : vector<16xi1>, vector<16xi32>
      %select_n3A_986 = arith.select %gt3A_980, %get3A_979, %select_n3A_971 : vector<16xi1>, vector<16xf32>
      %select_n3A_987 = arith.select %gt3A_980, %broadcast_in_dim3A_974, %select_n3A_972 : vector<16xi1>, vector<16xi32>
      %broadcast_in_dim3A_988 = arith.constant 62 : i32
      %broadcast_in_dim3A_989 = vector.broadcast %broadcast_in_dim3A_988 : i32 to vector<16xi32>
      %get3A_990 = arith.constant 62 : i32
      %get3A_991 = arith.index_cast %get3A_990 : i32 to index
      %get3A_992 = arith.index_cast %mul3A_53 : i32 to index
      %get3A_993 = tpu.vector_load %arg6[%get3A_991, %get3A_992] {strides = array<i32>} : memref<64x256xf32, #tpu.memory_space<vmem>>, vector<1x16xf32>,
      %get3A_994 = vector.shape_cast %get3A_993 : vector<1x16xf32> to vector<16xf32>
      %gt3A_995 = arith.cmpf ogt, %get3A_994, %select_n3A_986 : vector<16xf32>
      %gt3A_996 = arith.cmpf ogt, %get3A_994, %select_n3A_983 : vector<16xf32>
      %select_n3A_997 = arith.select %gt3A_995, %select_n3A_986, %get3A_994 : vector<16xi1>, vector<16xf32>
      %select_n3A_998 = arith.select %gt3A_996, %select_n3A_997, %select_n3A_983 : vector<16xi1>, vector<16xf32>
      %select_n3A_999 = arith.select %gt3A_995, %select_n3A_987, %broadcast_in_dim3A_989 : vector<16xi1>, vector<16xi32>
      %select_n3A_1000 = arith.select %gt3A_996, %select_n3A_999, %select_n3A_985 : vector<16xi1>, vector<16xi32>
      %select_n3A_1001 = arith.select %gt3A_995, %get3A_994, %select_n3A_986 : vector<16xi1>, vector<16xf32>
      %select_n3A_1002 = arith.select %gt3A_995, %broadcast_in_dim3A_989, %select_n3A_987 : vector<16xi1>, vector<16xi32>
      %broadcast_in_dim3A_1003 = arith.constant 63 : i32
      %broadcast_in_dim3A_1004 = vector.broadcast %broadcast_in_dim3A_1003 : i32 to vector<16xi32>
      %get3A_1005 = arith.constant 63 : i32
      %get3A_1006 = arith.index_cast %get3A_1005 : i32 to index
      %get3A_1007 = arith.index_cast %mul3A_53 : i32 to index
      %get3A_1008 = tpu.vector_load %arg6[%get3A_1006, %get3A_1007] {strides = array<i32>} : memref<64x256xf32, #tpu.memory_space<vmem>>, vector<1x16xf32>,
      %get3A_1009 = vector.shape_cast %get3A_1008 : vector<1x16xf32> to vector<16xf32>
      %gt3A_1010 = arith.cmpf ogt, %get3A_1009, %select_n3A_1001 : vector<16xf32>
      %gt3A_1011 = arith.cmpf ogt, %get3A_1009, %select_n3A_998 : vector<16xf32>
      %select_n3A_1012 = arith.select %gt3A_1010, %select_n3A_1001, %get3A_1009 : vector<16xi1>, vector<16xf32>
      %select_n3A_1013 = arith.select %gt3A_1011, %select_n3A_1012, %select_n3A_998 : vector<16xi1>, vector<16xf32>
      %select_n3A_1014 = arith.select %gt3A_1010, %select_n3A_1002, %broadcast_in_dim3A_1004 : vector<16xi1>, vector<16xi32>
      %select_n3A_1015 = arith.select %gt3A_1011, %select_n3A_1014, %select_n3A_1000 : vector<16xi1>, vector<16xi32>
      %select_n3A_1016 = arith.select %gt3A_1010, %get3A_1009, %select_n3A_1001 : vector<16xi1>, vector<16xf32>
      %select_n3A_1017 = arith.select %gt3A_1010, %broadcast_in_dim3A_1004, %select_n3A_1002 : vector<16xi1>, vector<16xi32>
      %sub3A = arith.subf %select_n3A_1013, %select_n3A_1016 : vector<16xf32>
      %exp3A = math.exp %sub3A : vector<16xf32>
      %add3A_1018 = arith.constant 1.000000e+00 : f32
      %add3A_1019 = vector.broadcast %add3A_1018 : f32 to vector<16xf32>
      %add3A_1020 = arith.addf %add3A_1019, %exp3A : vector<16xf32>
      %add3A_1021 = arith.constant 256 : i32
      %add3A_1022 = arith.addi %add3A_1021, %mul3A_53 : i32
      %div3A = arith.constant 1.000000e+00 : f32
      %div3A_1023 = vector.broadcast %div3A : f32 to vector<16xf32>
      %div3A_1024 = arith.divf %div3A_1023, %add3A_1020 : vector<16xf32>
      %swap3A = arith.index_cast %add3A_1022 : i32 to index
      %swap3A_1025 = tpu.vector_load %arg7[%swap3A] {strides = array<i32>} : memref<512xf32, #tpu.memory_space<vmem>>, vector<16xf32>,
      %swap3A_1026 = vector.shape_cast %swap3A_1025 : vector<16xf32> to vector<16xf32>
      %swap3A_1027 = vector.shape_cast %div3A_1024 : vector<16xf32> to vector<16xf32>
      tpu.vector_store %arg7[%swap3A], %swap3A_1027 {strides = array<i32>} : memref<512xf32, #tpu.memory_space<vmem>>, vector<16xf32>,
      %div3A_1028 = arith.divf %exp3A, %add3A_1020 : vector<16xf32>
      %swap3A_1029 = arith.index_cast %add3A_1022 : i32 to index
      %swap3A_1030 = tpu.vector_load %arg8[%swap3A_1029] {strides = array<i32>} : memref<512xf32, #tpu.memory_space<vmem>>, vector<16xf32>,
      %swap3A_1031 = vector.shape_cast %swap3A_1030 : vector<16xf32> to vector<16xf32>
      %swap3A_1032 = vector.shape_cast %div3A_1028 : vector<16xf32> to vector<16xf32>
      tpu.vector_store %arg8[%swap3A_1029], %swap3A_1032 {strides = array<i32>} : memref<512xf32, #tpu.memory_space<vmem>>, vector<16xf32>,
      %swap3A_1033 = arith.index_cast %add3A_1022 : i32 to index
      %swap3A_1034 = tpu.vector_load %arg9[%swap3A_1033] {strides = array<i32>} : memref<512xi32, #tpu.memory_space<vmem>>, vector<16xi32>,
      %swap3A_1035 = vector.shape_cast %swap3A_1034 : vector<16xi32> to vector<16xi32>
      %swap3A_1036 = vector.shape_cast %select_n3A_1017 : vector<16xi32> to vector<16xi32>
      tpu.vector_store %arg9[%swap3A_1033], %swap3A_1036 {strides = array<i32>} : memref<512xi32, #tpu.memory_space<vmem>>, vector<16xi32>,
      %swap3A_1037 = arith.index_cast %add3A_1022 : i32 to index
      %swap3A_1038 = tpu.vector_load %arg10[%swap3A_1037] {strides = array<i32>} : memref<512xi32, #tpu.memory_space<vmem>>, vector<16xi32>,
      %swap3A_1039 = vector.shape_cast %swap3A_1038 : vector<16xi32> to vector<16xi32>
      %swap3A_1040 = vector.shape_cast %select_n3A_1015 : vector<16xi32> to vector<16xi32>
      tpu.vector_store %arg10[%swap3A_1037], %swap3A_1040 {strides = array<i32>} : memref<512xi32, #tpu.memory_space<vmem>>, vector<16xi32>,
    }
    %scan3A_47 = arith.constant 16 : i32
    %run_scoped3A = arith.constant 0 : i32
    "tpu.region"() ({
      %run_scoped3A_51 = tpu.sem_alloc : memref<!tpu.dma_semaphore, #tpu.memory_space<semaphore_mem>>
      %dma_start3A_52 = tpu.memref_slice %arg3[%run_scoped3A, %mul3A_2] : memref<2x16384xf32, #tpu.memory_space<hbm>> -> memref<1x512xf32, #tpu.memory_space<hbm>>
      %dma_start3A_53 = tpu.memref_squeeze %dma_start3A_52 : memref<1x512xf32, #tpu.memory_space<hbm>> -> memref<512xf32, #tpu.memory_space<hbm>>
      %dma_start3A_54 = tpu.memref_slice %arg3[%run_scoped3A, %mul3A_2] : memref<2x16384xf32, #tpu.memory_space<hbm>> -> memref<1x512xf32, #tpu.memory_space<hbm>>
      %dma_start3A_55 = tpu.memref_squeeze %dma_start3A_54 : memref<1x512xf32, #tpu.memory_space<hbm>> -> memref<512xf32, #tpu.memory_space<hbm>>
      tpu.enqueue_dma source(%arg7 : memref<512xf32, #tpu.memory_space<vmem>>) target(%dma_start3A_55 : memref<512xf32, #tpu.memory_space<hbm>>) target_semaphore(%run_scoped3A_51 : memref<!tpu.dma_semaphore, #tpu.memory_space<semaphore_mem>>)
      %dma_wait3A_56 = tpu.memref_slice %arg3[%run_scoped3A, %mul3A_2] : memref<2x16384xf32, #tpu.memory_space<hbm>> -> memref<1x512xf32, #tpu.memory_space<hbm>>
      %dma_wait3A_57 = tpu.memref_squeeze %dma_wait3A_56 : memref<1x512xf32, #tpu.memory_space<hbm>> -> memref<512xf32, #tpu.memory_space<hbm>>
      %dma_wait3A_58 = tpu.memref_slice %arg3[%run_scoped3A, %mul3A_2] : memref<2x16384xf32, #tpu.memory_space<hbm>> -> memref<1x512xf32, #tpu.memory_space<hbm>>
      %dma_wait3A_59 = tpu.memref_squeeze %dma_wait3A_58 : memref<1x512xf32, #tpu.memory_space<hbm>> -> memref<512xf32, #tpu.memory_space<hbm>>
      tpu.wait_dma2 semaphore(%run_scoped3A_51 : memref<!tpu.dma_semaphore, #tpu.memory_space<semaphore_mem>>) src(%arg7 : memref<512xf32, #tpu.memory_space<vmem>>) dst(%dma_wait3A_59 : memref<512xf32, #tpu.memory_space<hbm>>)
      tpu.yield
    }) : () -> ()
    %run_scoped3A_48 = arith.constant 1 : i32
    "tpu.region"() ({
      %run_scoped3A_51 = tpu.sem_alloc : memref<!tpu.dma_semaphore, #tpu.memory_space<semaphore_mem>>
      %dma_start3A_52 = tpu.memref_slice %arg3[%run_scoped3A_48, %mul3A_2] : memref<2x16384xf32, #tpu.memory_space<hbm>> -> memref<1x512xf32, #tpu.memory_space<hbm>>
      %dma_start3A_53 = tpu.memref_squeeze %dma_start3A_52 : memref<1x512xf32, #tpu.memory_space<hbm>> -> memref<512xf32, #tpu.memory_space<hbm>>
      %dma_start3A_54 = tpu.memref_slice %arg3[%run_scoped3A_48, %mul3A_2] : memref<2x16384xf32, #tpu.memory_space<hbm>> -> memref<1x512xf32, #tpu.memory_space<hbm>>
      %dma_start3A_55 = tpu.memref_squeeze %dma_start3A_54 : memref<1x512xf32, #tpu.memory_space<hbm>> -> memref<512xf32, #tpu.memory_space<hbm>>
      tpu.enqueue_dma source(%arg8 : memref<512xf32, #tpu.memory_space<vmem>>) target(%dma_start3A_55 : memref<512xf32, #tpu.memory_space<hbm>>) target_semaphore(%run_scoped3A_51 : memref<!tpu.dma_semaphore, #tpu.memory_space<semaphore_mem>>)
      %dma_wait3A_56 = tpu.memref_slice %arg3[%run_scoped3A_48, %mul3A_2] : memref<2x16384xf32, #tpu.memory_space<hbm>> -> memref<1x512xf32, #tpu.memory_space<hbm>>
      %dma_wait3A_57 = tpu.memref_squeeze %dma_wait3A_56 : memref<1x512xf32, #tpu.memory_space<hbm>> -> memref<512xf32, #tpu.memory_space<hbm>>
      %dma_wait3A_58 = tpu.memref_slice %arg3[%run_scoped3A_48, %mul3A_2] : memref<2x16384xf32, #tpu.memory_space<hbm>> -> memref<1x512xf32, #tpu.memory_space<hbm>>
      %dma_wait3A_59 = tpu.memref_squeeze %dma_wait3A_58 : memref<1x512xf32, #tpu.memory_space<hbm>> -> memref<512xf32, #tpu.memory_space<hbm>>
      tpu.wait_dma2 semaphore(%run_scoped3A_51 : memref<!tpu.dma_semaphore, #tpu.memory_space<semaphore_mem>>) src(%arg8 : memref<512xf32, #tpu.memory_space<vmem>>) dst(%dma_wait3A_59 : memref<512xf32, #tpu.memory_space<hbm>>)
      tpu.yield
    }) : () -> ()
    %run_scoped3A_49 = arith.constant 0 : i32
    "tpu.region"() ({
      %run_scoped3A_51 = tpu.sem_alloc : memref<!tpu.dma_semaphore, #tpu.memory_space<semaphore_mem>>
      %dma_start3A_52 = tpu.memref_slice %arg4[%run_scoped3A_49, %mul3A_2] : memref<2x16384xi32, #tpu.memory_space<hbm>> -> memref<1x512xi32, #tpu.memory_space<hbm>>
      %dma_start3A_53 = tpu.memref_squeeze %dma_start3A_52 : memref<1x512xi32, #tpu.memory_space<hbm>> -> memref<512xi32, #tpu.memory_space<hbm>>
      %dma_start3A_54 = tpu.memref_slice %arg4[%run_scoped3A_49, %mul3A_2] : memref<2x16384xi32, #tpu.memory_space<hbm>> -> memref<1x512xi32, #tpu.memory_space<hbm>>
      %dma_start3A_55 = tpu.memref_squeeze %dma_start3A_54 : memref<1x512xi32, #tpu.memory_space<hbm>> -> memref<512xi32, #tpu.memory_space<hbm>>
      tpu.enqueue_dma source(%arg9 : memref<512xi32, #tpu.memory_space<vmem>>) target(%dma_start3A_55 : memref<512xi32, #tpu.memory_space<hbm>>) target_semaphore(%run_scoped3A_51 : memref<!tpu.dma_semaphore, #tpu.memory_space<semaphore_mem>>)
      %dma_wait3A_56 = tpu.memref_slice %arg4[%run_scoped3A_49, %mul3A_2] : memref<2x16384xi32, #tpu.memory_space<hbm>> -> memref<1x512xi32, #tpu.memory_space<hbm>>
      %dma_wait3A_57 = tpu.memref_squeeze %dma_wait3A_56 : memref<1x512xi32, #tpu.memory_space<hbm>> -> memref<512xi32, #tpu.memory_space<hbm>>
      %dma_wait3A_58 = tpu.memref_slice %arg4[%run_scoped3A_49, %mul3A_2] : memref<2x16384xi32, #tpu.memory_space<hbm>> -> memref<1x512xi32, #tpu.memory_space<hbm>>
      %dma_wait3A_59 = tpu.memref_squeeze %dma_wait3A_58 : memref<1x512xi32, #tpu.memory_space<hbm>> -> memref<512xi32, #tpu.memory_space<hbm>>
      tpu.wait_dma2 semaphore(%run_scoped3A_51 : memref<!tpu.dma_semaphore, #tpu.memory_space<semaphore_mem>>) src(%arg9 : memref<512xi32, #tpu.memory_space<vmem>>) dst(%dma_wait3A_59 : memref<512xi32, #tpu.memory_space<hbm>>)
      tpu.yield
    }) : () -> ()
    %run_scoped3A_50 = arith.constant 1 : i32
    "tpu.region"() ({
      %run_scoped3A_51 = tpu.sem_alloc : memref<!tpu.dma_semaphore, #tpu.memory_space<semaphore_mem>>
      %dma_start3A_52 = tpu.memref_slice %arg4[%run_scoped3A_50, %mul3A_2] : memref<2x16384xi32, #tpu.memory_space<hbm>> -> memref<1x512xi32, #tpu.memory_space<hbm>>
      %dma_start3A_53 = tpu.memref_squeeze %dma_start3A_52 : memref<1x512xi32, #tpu.memory_space<hbm>> -> memref<512xi32, #tpu.memory_space<hbm>>
      %dma_start3A_54 = tpu.memref_slice %arg4[%run_scoped3A_50, %mul3A_2] : memref<2x16384xi32, #tpu.memory_space<hbm>> -> memref<1x512xi32, #tpu.memory_space<hbm>>
      %dma_start3A_55 = tpu.memref_squeeze %dma_start3A_54 : memref<1x512xi32, #tpu.memory_space<hbm>> -> memref<512xi32, #tpu.memory_space<hbm>>
      tpu.enqueue_dma source(%arg10 : memref<512xi32, #tpu.memory_space<vmem>>) target(%dma_start3A_55 : memref<512xi32, #tpu.memory_space<hbm>>) target_semaphore(%run_scoped3A_51 : memref<!tpu.dma_semaphore, #tpu.memory_space<semaphore_mem>>)
      %dma_wait3A_56 = tpu.memref_slice %arg4[%run_scoped3A_50, %mul3A_2] : memref<2x16384xi32, #tpu.memory_space<hbm>> -> memref<1x512xi32, #tpu.memory_space<hbm>>
      %dma_wait3A_57 = tpu.memref_squeeze %dma_wait3A_56 : memref<1x512xi32, #tpu.memory_space<hbm>> -> memref<512xi32, #tpu.memory_space<hbm>>
      %dma_wait3A_58 = tpu.memref_slice %arg4[%run_scoped3A_50, %mul3A_2] : memref<2x16384xi32, #tpu.memory_space<hbm>> -> memref<1x512xi32, #tpu.memory_space<hbm>>
      %dma_wait3A_59 = tpu.memref_squeeze %dma_wait3A_58 : memref<1x512xi32, #tpu.memory_space<hbm>> -> memref<512xi32, #tpu.memory_space<hbm>>
      tpu.wait_dma2 semaphore(%run_scoped3A_51 : memref<!tpu.dma_semaphore, #tpu.memory_space<semaphore_mem>>) src(%arg10 : memref<512xi32, #tpu.memory_space<vmem>>) dst(%dma_wait3A_59 : memref<512xi32, #tpu.memory_space<hbm>>)
      tpu.yield
    }) : () -> ()
    return
  }
}

module attributes {stable_mosaic.version = 14 : i64} {
  func.func @_gate_body(%arg0: i32, %arg1: memref<4x1xf32, #tpu.memory_space<smem>>, %arg2: memref<1xf32, #tpu.memory_space<smem>>, %arg3: memref<1024x2048xf32, #tpu.memory_space<vmem>>, %arg4: memref<64x2048xf32, #tpu.memory_space<vmem>>, %arg5: memref<1x64xf32, #tpu.memory_space<vmem>>, %arg6: memref<1x64xf32, #tpu.memory_space<vmem>>, %arg7: memref<1024x64xf32, #tpu.memory_space<vmem>>, %arg8: memref<2x2x64x256xf32, #tpu.memory_space<vmem>>) attributes {dimension_semantics = [#tpu.dimension_semantics<parallel>], iteration_bounds = array<i64: 16>, scalar_prefetch = 0 : i64, scratch_operands = 0 : i64, tpu.core_type = #tpu.core_type<tc>, window_params = [{transform_indices = @transform_0, window_bounds = array<i64: 4, 1>}, {transform_indices = @transform_1, window_bounds = array<i64: 1>}, {transform_indices = @transform_2, window_bounds = array<i64: 1024, 2048>}, {pipeline_mode = #tpu.pipeline_mode<synchronous>, transform_indices = @transform_3, window_bounds = array<i64: 64, 2048>}, {pipeline_mode = #tpu.pipeline_mode<synchronous>, transform_indices = @transform_4, window_bounds = array<i64: 1, 64>}, {pipeline_mode = #tpu.pipeline_mode<synchronous>, transform_indices = @transform_5, window_bounds = array<i64: 1, 64>}, {transform_indices = @transform_6, window_bounds = array<i64: 1024, 64>}, {transform_indices = @transform_7, window_bounds = array<i64: 2, 2, 64, 256>}]} {
    %jit3A = arith.constant 4 : i32
    %div3A = arith.divsi %arg0, %jit3A : i32
    %sign3A = arith.constant 0 : i32
    %sign3A_0 = arith.cmpi sgt, %arg0, %sign3A : i32
    %sign3A_1 = arith.extui %sign3A_0 : i1 to i32
    %sign3A_2 = arith.constant 0 : i32
    %sign3A_3 = arith.cmpi slt, %arg0, %sign3A_2 : i32
    %sign3A_4 = arith.extui %sign3A_3 : i1 to i32
    %sign3A_5 = arith.subi %sign3A_1, %sign3A_4 : i32
    %sign3A_6 = arith.constant 0 : i32
    %sign3A_7 = arith.cmpi sgt, %jit3A, %sign3A_6 : i32
    %sign3A_8 = arith.extui %sign3A_7 : i1 to i32
    %sign3A_9 = arith.constant 0 : i32
    %sign3A_10 = arith.cmpi slt, %jit3A, %sign3A_9 : i32
    %sign3A_11 = arith.extui %sign3A_10 : i1 to i32
    %sign3A_12 = arith.subi %sign3A_8, %sign3A_11 : i32
    %ne3A = arith.cmpi ne, %sign3A_5, %sign3A_12 : i32
    %rem3A = arith.remsi %arg0, %jit3A : i32
    %ne3A_13 = arith.constant 0 : i32
    %ne3A_14 = arith.cmpi ne, %rem3A, %ne3A_13 : i32
    %and3A = arith.andi %ne3A, %ne3A_14 : i1
    %sub3A = arith.constant 1 : i32
    %sub3A_15 = arith.subi %div3A, %sub3A : i32
    %select_n3A = arith.select %and3A, %sub3A_15, %div3A : i32
    %get3A = arith.index_cast %select_n3A : i32 to index
    %get3A_16 = arith.constant 0 : index
    %get3A_17 = memref.load %arg1[%get3A, %get3A_16] : memref<4x1xf32, #tpu.memory_space<smem>>
    %get3A_18 = arith.constant 0 : index
    %get3A_19 = memref.load %arg2[%get3A_18] : memref<1xf32, #tpu.memory_space<smem>>
    %abs3A = math.absf %get3A_19 : f32
    %add3A = arith.constant 9.99999997E-7 : f32
    %add3A_20 = arith.addf %abs3A, %add3A : f32
    %get3A_21 = arith.constant 0 : index
    %get3A_22 = arith.constant 0 : index
    %get3A_23 = vector.load %arg3[%get3A_21, %get3A_22] : memref<1024x2048xf32, #tpu.memory_space<vmem>>, vector<1024x2048xf32>
    %get3A_24 = arith.constant 0 : index
    %get3A_25 = arith.constant 0 : index
    %get3A_26 = vector.load %arg4[%get3A_24, %get3A_25] : memref<64x2048xf32, #tpu.memory_space<vmem>>, vector<64x2048xf32>
    %dot_general3A = arith.constant dense<0.000000e+00> : vector<1024x64xf32>
    %dot_general3A_27 = tpu.matmul %get3A_23, %get3A_26, %dot_general3A {dimension_numbers = #tpu.dot_dimension_numbers<[1], [1], [0], [0], [0, 0, 1, 0], [], []>, transpose_lhs_hint = false} : vector<1024x2048xf32>, vector<64x2048xf32>, vector<1024x64xf32> -> vector<1024x64xf32>
    %get3A_28 = arith.constant 0 : index
    %get3A_29 = arith.constant 0 : index
    %get3A_30 = vector.load %arg5[%get3A_28, %get3A_29] : memref<1x64xf32, #tpu.memory_space<vmem>>, vector<1x64xf32>
    %mul3A = vector.broadcast %get3A_17 : f32 to vector<1x64xf32>
    %mul3A_31 = arith.mulf %mul3A, %get3A_30 : vector<1x64xf32>
    %get3A_32 = arith.constant 0 : index
    %get3A_33 = arith.constant 0 : index
    %get3A_34 = vector.load %arg6[%get3A_32, %get3A_33] : memref<1x64xf32, #tpu.memory_space<vmem>>, vector<1x64xf32>
    %add3A_35 = arith.addf %mul3A_31, %get3A_34 : vector<1x64xf32>
    %add3A_36 = vector.broadcast %add3A_35 : vector<1x64xf32> to vector<1024x64xf32>
    %add3A_37 = arith.addf %dot_general3A_27, %add3A_36 : vector<1024x64xf32>
    %div3A_38 = vector.broadcast %add3A_20 : f32 to vector<1024x64xf32>
    %div3A_39 = arith.divf %add3A_37, %div3A_38 : vector<1024x64xf32>
    %swap3A = arith.constant 0 : index
    %swap3A_40 = arith.constant 0 : index
    %swap3A_41 = vector.load %arg7[%swap3A, %swap3A_40] : memref<1024x64xf32, #tpu.memory_space<vmem>>, vector<1024x64xf32>
    tpu.vector_store %arg7[%swap3A, %swap3A_40], %div3A_39 {strides = array<i32>} : memref<1024x64xf32, #tpu.memory_space<vmem>>, vector<1024x64xf32>,
    %transpose3A = tpu.transpose %div3A_39, [1, 0] : vector<1024x64xf32> -> vector<64x1024xf32>
    %slice3A = vector.extract_strided_slice %transpose3A {offsets = [0, 0], sizes = [64, 256], strides = [1, 1]} : vector<64x1024xf32> to vector<64x256xf32>
    %swap3A_42 = arith.constant 0 : index
    %swap3A_43 = arith.constant 0 : index
    %swap3A_44 = arith.constant 0 : index
    %swap3A_45 = arith.constant 0 : index
    %swap3A_46 = vector.load %arg8[%swap3A_42, %swap3A_43, %swap3A_44, %swap3A_45] : memref<2x2x64x256xf32, #tpu.memory_space<vmem>>, vector<1x1x64x256xf32>
    %swap3A_47 = vector.shape_cast %swap3A_46 : vector<1x1x64x256xf32> to vector<64x256xf32>
    %swap3A_48 = vector.shape_cast %slice3A : vector<64x256xf32> to vector<1x1x64x256xf32>
    tpu.vector_store %arg8[%swap3A_42, %swap3A_43, %swap3A_44, %swap3A_45], %swap3A_48 {strides = array<i32>} : memref<2x2x64x256xf32, #tpu.memory_space<vmem>>, vector<1x1x64x256xf32>,
    %slice3A_49 = vector.extract_strided_slice %transpose3A {offsets = [0, 256], sizes = [64, 256], strides = [1, 1]} : vector<64x1024xf32> to vector<64x256xf32>
    %swap3A_50 = arith.constant 0 : index
    %swap3A_51 = arith.constant 1 : index
    %swap3A_52 = arith.constant 0 : index
    %swap3A_53 = arith.constant 0 : index
    %swap3A_54 = vector.load %arg8[%swap3A_50, %swap3A_51, %swap3A_52, %swap3A_53] : memref<2x2x64x256xf32, #tpu.memory_space<vmem>>, vector<1x1x64x256xf32>
    %swap3A_55 = vector.shape_cast %swap3A_54 : vector<1x1x64x256xf32> to vector<64x256xf32>
    %swap3A_56 = vector.shape_cast %slice3A_49 : vector<64x256xf32> to vector<1x1x64x256xf32>
    tpu.vector_store %arg8[%swap3A_50, %swap3A_51, %swap3A_52, %swap3A_53], %swap3A_56 {strides = array<i32>} : memref<2x2x64x256xf32, #tpu.memory_space<vmem>>, vector<1x1x64x256xf32>,
    %slice3A_57 = vector.extract_strided_slice %transpose3A {offsets = [0, 512], sizes = [64, 256], strides = [1, 1]} : vector<64x1024xf32> to vector<64x256xf32>
    %swap3A_58 = arith.constant 1 : index
    %swap3A_59 = arith.constant 0 : index
    %swap3A_60 = arith.constant 0 : index
    %swap3A_61 = arith.constant 0 : index
    %swap3A_62 = vector.load %arg8[%swap3A_58, %swap3A_59, %swap3A_60, %swap3A_61] : memref<2x2x64x256xf32, #tpu.memory_space<vmem>>, vector<1x1x64x256xf32>
    %swap3A_63 = vector.shape_cast %swap3A_62 : vector<1x1x64x256xf32> to vector<64x256xf32>
    %swap3A_64 = vector.shape_cast %slice3A_57 : vector<64x256xf32> to vector<1x1x64x256xf32>
    tpu.vector_store %arg8[%swap3A_58, %swap3A_59, %swap3A_60, %swap3A_61], %swap3A_64 {strides = array<i32>} : memref<2x2x64x256xf32, #tpu.memory_space<vmem>>, vector<1x1x64x256xf32>,
    %slice3A_65 = vector.extract_strided_slice %transpose3A {offsets = [0, 768], sizes = [64, 256], strides = [1, 1]} : vector<64x1024xf32> to vector<64x256xf32>
    %swap3A_66 = arith.constant 1 : index
    %swap3A_67 = arith.constant 1 : index
    %swap3A_68 = arith.constant 0 : index
    %swap3A_69 = arith.constant 0 : index
    %swap3A_70 = vector.load %arg8[%swap3A_66, %swap3A_67, %swap3A_68, %swap3A_69] : memref<2x2x64x256xf32, #tpu.memory_space<vmem>>, vector<1x1x64x256xf32>
    %swap3A_71 = vector.shape_cast %swap3A_70 : vector<1x1x64x256xf32> to vector<64x256xf32>
    %swap3A_72 = vector.shape_cast %slice3A_65 : vector<64x256xf32> to vector<1x1x64x256xf32>
    tpu.vector_store %arg8[%swap3A_66, %swap3A_67, %swap3A_68, %swap3A_69], %swap3A_72 {strides = array<i32>} : memref<2x2x64x256xf32, #tpu.memory_space<vmem>>, vector<1x1x64x256xf32>,
    return
  }
  func.func @transform_0(%arg0: i32) -> (i32, i32) {
    %c0_i32 = arith.constant 0 : i32
    %c0_i32_0 = arith.constant 0 : i32
    %c0_i32_1 = arith.constant 0 : i32
    return %c0_i32, %c0_i32_0 : i32, i32
  }
  func.func @transform_1(%arg0: i32) -> i32 {
    %c0_i32 = arith.constant 0 : i32
    %c0_i32_0 = arith.constant 0 : i32
    return %c0_i32 : i32
  }
  func.func @transform_2(%arg0: i32) -> (i32, i32) {
    %c0_i32 = arith.constant 0 : i32
    %c0_i32_0 = arith.constant 0 : i32
    return %arg0, %c0_i32 : i32, i32
  }
  func.func @transform_3(%arg0: i32) -> (i32, i32) {
    %c0_i32 = arith.constant 0 : i32
    %c0_i32_0 = arith.constant 0 : i32
    %c0_i32_1 = arith.constant 0 : i32
    return %c0_i32, %c0_i32_0 : i32, i32
  }
  func.func @transform_4(%arg0: i32) -> (i32, i32) {
    %c0_i32 = arith.constant 0 : i32
    %c0_i32_0 = arith.constant 0 : i32
    %c0_i32_1 = arith.constant 0 : i32
    return %c0_i32, %c0_i32_0 : i32, i32
  }
  func.func @transform_5(%arg0: i32) -> (i32, i32) {
    %c0_i32 = arith.constant 0 : i32
    %c0_i32_0 = arith.constant 0 : i32
    %c0_i32_1 = arith.constant 0 : i32
    return %c0_i32, %c0_i32_0 : i32, i32
  }
  func.func @transform_6(%arg0: i32) -> (i32, i32) {
    %c0_i32 = arith.constant 0 : i32
    %c0_i32_0 = arith.constant 0 : i32
    return %arg0, %c0_i32 : i32, i32
  }
  func.func @transform_7(%arg0: i32) -> (i32, i32, i32, i32) {
    %c0_i32 = arith.constant 0 : i32
    %c0_i32_0 = arith.constant 0 : i32
    %c0_i32_1 = arith.constant 0 : i32
    %c0_i32_2 = arith.constant 0 : i32
    return %arg0, %c0_i32, %c0_i32_0, %c0_i32_1 : i32, i32, i32, i32
  }
}

</mosaic_0001>

<sc_bundles>
// kernel: kernel.4.cloned.1.call-start
scs
__scs_entry_jumppad:
0x0: {  	(pc) =	sbr.rel $0x88, $3  }
0x1: {  	(tag) =	ssettag $0x0;
	lr =	simm.s32 $0x1  }
0x2: {  	[smem:$0x3F9B] =	sst lr;
	_ =	strace $0xD0000000  }
0x3: {  	_ = 	snop  }
0x4: {  	_ = 	snop  }
0x5: {  	_ = 	snop  }
0x6: {  	_ = 	snop  }
0x7: {  	_ = 	snop  }
__scs_overlays_trampoline_lowered:
0x8: {  	[smem:$0x3FAA] =	sst s0  }
0x9: {  	[smem:$0x3FAB] =	sst s1  }
0xa: {  	[smem:$0x3FAC] =	sst s2  }
0xb: {  	[smem:$0x3FAD] =	sst s3  }
0xc: {  	[smem:$0x3FAE] =	sst s4  }
0xd: {  	[smem:$0x3FAF] =	sst s5  }
0xe: {  	[smem:$0x3FB0] =	sst s6  }
0xf: {  	[smem:$0x3FB1] =	sst s7  }
0x10: {  	[smem:$0x3FB2] =	sst s8  }
0x11: {  	[smem:$0x3FB3] =	sst s9;
	s0 =	simm.s32 @!p0 $0x0  }
0x12: {  	s1 =	sld [smem:$0x3F99];
	s0 =	simm.s32 @p0 $0x1  }
0x13: {  	[smem:$0x3FB4] =	sst s0;
	s0 =	simm.s32 @!p1 $0x0  }
0x14: {  	s2 =	sld [smem:$0x3F98];
	s0 =	simm.s32 @p1 $0x1  }
0x15: {  	[smem:$0x3FB5] =	sst s0;
	s0 =	simm.s32 @!p2 $0x0  }
0x16: {  	s3 =	sld [smem:$0x3FDB];
	s0 =	simm.s32 @p2 $0x1  }
0x17: {  	s4 =	simm.s32 $0x1BF5;
	[smem:$0x3FB7] =	sst s0  }
0x18: {  	s0 =	sld [smem:$0x3F9A];
	_ =	swait.ge [sflag:s4], $0x0  }
0x19: {  	s7 =	sld [smem:$0x3F9B]  }
0x1a: {  	s8 =	sadd.s32 $0xFFFFE003, lr  }
0x1b: {  	s9 =	sadd.s32 $0xFFFFFEF7, lr;
	s5 =	simm.s32 $0xFFFFFFFF;
	p2 =	slt.u32 s8, $0xFFFFF086  }
0x1c: {  	p1 =	slt.u32 s9, $0xF7A;
	s5 =	simm.s32 @!p2 $0x0  }
0x1d: {  	s5 =	simm.s32 @p1 $0x1;
	p0 =	seq.s32 s7, s2  }
0x1e: {  	s7 =	smul.u32 @!p0 $0xF7A, s2;
	p2 =	seq.s32 @!p0 s5, $0x0  }
0x1f: {  	s9 =	smul.u32 $0xF7A, s1;
	s8 =	simm.s32 @!p0 $0x1BF5;
	p2 =	por !p2, p0  }
0x20: {  	[sflag:s8] =	ssyncset.s32 @!p0 $0xFFFFF086;
	s6 =	sadd.s32 @!p0 s3, s7;
	s7 =	simm.s32 @!p0 $0x108  }
0x21: {  	s3 =	sadd.s32 s3, s9;
	s6 =	sadd.s32 @!p0 $0x88, s6;
	s7 =	simm.s32 @p2 $0x1082  }
0x22: {  	[simem:s7], [sflag:s8] =	dma.local @!p0 [hbm:s6], $0xF7A  }
0x23: {  	s9 =	sor.u32 $0xD0000000, s2;
	s6 =	simm.s32 $0x108;
	_ =	swait.ge @!p0 [sflag:s8], $0x0  }
0x24: {  	s3 =	sadd.s32 $0x88, s3;
	s6 =	simm.s32 @!p1 $0x1082;
	[sflag:s4] =	ssyncset.s32 $0xFFFFF086  }
0x25: {  	[simem:s6], [sflag:s4] =	dma.local [hbm:s3], $0xF7A  }
0x26: {  	[smem:$0x3F9B] =	sst s1;
	(tag) =	ssettag s2;
	_ =	strace s9  }
0x27: {  	s1 =	sld [smem:$0x3FAB]  }
0x28: {  	s2 =	sld [smem:$0x3FAC]  }
0x29: {  	s4 =	sld [smem:$0x3FAE]  }
0x2a: {  	p0 =	seq.s32 s5, $0x0;
	s5 =	sld [smem:$0x3FAF]  }
0x2b: {  	s6 =	sld [smem:$0x3FB0]  }
0x2c: {  	s7 =	sld [smem:$0x3FB1]  }
0x2d: {  	s3 =	simm.s32 $0x108;
	s8 =	sld [smem:$0x3FB2]  }
0x2e: {  	s3 =	simm.s32 @!p0 $0x1082;
	s9 =	sld [smem:$0x3FB3]  }
0x2f: {  	lr =	sadd.s32 s0, s3;
	s0 =	sld [smem:$0x3FAA]  }
0x30: {  	s3 =	sld [smem:$0x3FAD]  }
0x31: {  	[smem:$0x3FB6] =	sst s10  }
0x32: {  	s10 =	sld [smem:$0x3FB4];
	_ =	sdelay $0x3  }
0x33: {  	p0 =	seq.s32 s10, $0x1;
	s10 =	sld [smem:$0x3FB6];
	_ =	sdelay $0x3  }
0x34: {  	[smem:$0x3FB6] =	sst s10  }
0x35: {  	s10 =	sld [smem:$0x3FB5];
	_ =	sdelay $0x3  }
0x36: {  	p1 =	seq.s32 s10, $0x1;
	s10 =	sld [smem:$0x3FB6];
	_ =	sdelay $0x3  }
0x37: {  	[smem:$0x3FB6] =	sst s10  }
0x38: {  	s10 =	sld [smem:$0x3FB7]  }
0x39: {  	_ = 	snop;
	(pc) =	sbr.ind lr, $3  }
0x3a: {  	_ = 	snop  }
0x3b: {  	_ = 	snop  }
0x3c: {  	p2 =	seq.s32 s10, $0x1;
	s10 =	sld [smem:$0x3FB6]  }
0x3d: {  	_ =	shalt  }
0x3e: {  	_ =	shalt  }
0x3f: {  	_ =	shalt  }
0x40: {  	_ =	shalt  }
0x41: {  	_ =	shalt  }
0x42: {  	_ =	shalt  }
0x43: {  	_ =	shalt  }
0x44: {  	_ =	shalt  }
0x45: {  	_ =	shalt  }
0x46: {  	_ =	shalt  }
0x47: {  	_ =	shalt  }
0x48: {  	_ =	shalt  }
0x49: {  	_ =	shalt  }
0x4a: {  	_ =	shalt  }
0x4b: {  	_ =	shalt  }
0x4c: {  	_ =	shalt  }
0x4d: {  	_ =	shalt  }
0x4e: {  	_ =	shalt  }
0x4f: {  	_ =	shalt  }
0x50: {  	_ =	shalt  }
0x51: {  	_ =	shalt  }
0x52: {  	_ =	shalt  }
0x53: {  	_ =	shalt  }
0x54: {  	_ =	shalt  }
0x55: {  	_ =	shalt  }
0x56: {  	_ =	shalt  }
0x57: {  	_ =	shalt  }
0x58: {  	_ =	shalt  }
0x59: {  	_ =	shalt  }
0x5a: {  	_ =	shalt  }
0x5b: {  	_ =	shalt  }
0x5c: {  	_ =	shalt  }
0x5d: {  	_ =	shalt  }
0x5e: {  	_ =	shalt  }
0x5f: {  	_ =	shalt  }
0x60: {  	_ =	shalt  }
0x61: {  	_ =	shalt  }
0x62: {  	_ =	shalt  }
0x63: {  	_ =	shalt  }
0x64: {  	_ =	shalt  }
0x65: {  	_ =	shalt  }
0x66: {  	_ =	shalt  }
0x67: {  	_ =	shalt  }
0x68: {  	_ =	shalt  }
0x69: {  	_ =	shalt  }
0x6a: {  	_ =	shalt  }
0x6b: {  	_ =	shalt  }
0x6c: {  	_ =	shalt  }
0x6d: {  	_ =	shalt  }
0x6e: {  	_ =	shalt  }
0x6f: {  	_ =	shalt  }
0x70: {  	_ =	shalt  }
0x71: {  	_ =	shalt  }
0x72: {  	_ =	shalt  }
0x73: {  	_ =	shalt  }
0x74: {  	_ =	shalt  }
0x75: {  	_ =	shalt  }
0x76: {  	_ =	shalt  }
0x77: {  	_ =	shalt  }
0x78: {  	_ =	shalt  }
0x79: {  	_ =	shalt  }
0x7a: {  	_ =	shalt  }
0x7b: {  	_ =	shalt  }
0x7c: {  	_ =	shalt  }
0x7d: {  	_ =	shalt  }
0x7e: {  	_ =	shalt  }
0x7f: {  	_ =	shalt  }
0x80: {  	_ =	shalt  }
0x81: {  	_ =	shalt  }
0x82: {  	_ =	shalt  }
0x83: {  	_ =	shalt  }
0x84: {  	_ =	shalt  }
0x85: {  	_ =	shalt  }
0x86: {  	_ =	shalt  }
0x87: {  	_ =	shalt  }
.Lfunc_end0:
.L_simem_size_0:
called_computation_lowered:
.L_overlay_start_0:
0x88: {  	s2 =	sld [smem:$0x3FD9]  }
0x89: {  	s3 =	sld [smem:$0x3FFE];
	_ =	sdelay $0x1  }
0x8a: {  	s1 =	srdreg.scid  }
0x8b: {  	s0 =	sand.u32 $0x1, s1  }
0x8c: {  	s14 =	sshll.u32 s0, $0xA;
	s2 =	sadd.s32 s3, s2  }
0x8d: {  	s2 =	sadd.s32 s2, s14  }
0x8e: {  	[smem:$0x3FC2] =	sst s2  }
0x8f: {  	_ = 	snop  }
0x90: {  	s2 =	sld [smem:$0x3FD0];
	_ =	sdelay $0x2  }
0x91: {  	s15 =	simm.s32 $0xA;
	s4 =	simm.s32 $0x10  }
0x92: {  	[smem:s4], [sflag:s15] =	dma.local [hbm:s2], $0x1  }
0x93: {  	_ =	swait.eq [sflag:s15], $0x1  }
0x94: {  	[sflag:s15] =	ssyncset.done $0x0  }
0x95: {  	s16 =	sld [smem:$0x10];
	[sflag:s15] =	ssyncadd.s32 $0xFFFFFFFF  }
0x96: {  	s17 =	sld [smem:$0x11];
	(tm) =	ssettm $0x1  }
0x97: {  	s18 =	sld [smem:$0x3FFB];
	_ =	sdelay $0x3  }
0x98: {  	_ =	strace s18  }
0x99: {  	s4 =	sld [smem:$0x3FFC];
	_ =	sdelay $0x3  }
0x9a: {  	_ =	strace s4  }
0x9b: {  	s4 =	sld [smem:$0x3FFD];
	_ =	sdelay $0x3  }
0x9c: {  	_ =	strace s4  }
0x9d: {  	_ =	strace $0x8FFFFFFF  }
0x9e: {  	s19 =	sld [smem:$0x3FDB];
	_ =	sdelay $0x1  }
0x9f: {  	s5 =	simm.s32 $_scs_section_size  }
0xa0: {  	s6 =	simm.s32 $_size__tile_overlayer_lowered;
	s7 =	simm.s32 $_tile_overlayer_lowered  }
0xa1: {  	s22 =	simm.s32 $0x1BFF;
	s21 =	sshll.u32 s7, $0x1;
	s4 =	sadd.s32 s5, s19  }
0xa2: {  	s8 =	simm.s32 $0x0;
	s20 =	sshll.u32 s6, $0x1;
	s6 =	sadd.s32 s21, s4  }
0xa3: {  	[timem:s8], [sflag:s22] =	dma.local [hbm:s6], s20  }
0xa4: {  	_ =	swait.ge [sflag:s22], s20  }
0xa5: {  	s5 =	ssub.s32 $0x0, s20;
	[sflag:s22] =	ssyncset.done $0x0  }
0xa6: {  	[sflag:s22] =	ssyncadd.s32 s5;
	_ =	sdelay $0x1  }
0xa7: {  	s23 =	simm.s32 $0x1B8B  }
0xa8: {  	_ =	swait.ge [sflag:s23], $0x1  }
0xa9: {  	[sflag:s23] =	ssyncset.done $0x0  }
0xaa: {  	s25 =	simm.s32 $0x1B8E;
	s24 =	sld [smem:$0x3FFE];
	[sflag:s23] =	ssyncadd.s32 $0xFFFFFFFF  }
0xab: {  	s26 =	simm.s32 $execute0_lowered;
	[smem:$0x3FD2] =	sst s25  }
0xac: {  	s6 =	sshll.u32 s26, $0x1;
	_ =	strace $0x80000046;
	[dreg:$0x1] =	wrdreg $0xFFFFFFFF  }
0xad: {  	s28 =	simm.s32 $_size_execute0_lowered;
	s4 =	sadd.s32 s4, s6;
	[dreg:$0x0] =	wrdreg $0x0  }
0xae: {  	s6 =	sshll.u32 s28, $0x1;
	[dreg:$0x2] =	wrdreg s4  }
0xaf: {  	[dreg:$0x3] =	wrdreg s6  }
0xb0: {  	[dreg:$0x4] =	wrdreg $0xC0  }
0xb1: {  	_ =	task [dreg:s8], $0x5FFFF  }
0xb2: {  	[dreg:$0x1] =	wrdreg $0xFFFFFFFF  }
0xb3: {  	[dreg:$0x0] =	wrdreg $0x60  }
0xb4: {  	[dreg:$0x2] =	wrdreg s24  }
0xb5: {  	[dreg:$0x3] =	wrdreg s16  }
0xb6: {  	[dreg:$0x4] =	wrdreg s17  }
0xb7: {  	[dreg:$0x5] =	wrdreg $0x9  }
0xb8: {  	_ =	task.clear_ibuf [dreg:s8], $0x6FFFF;
	_ =	strace $0x90000046  }
0xb9: {  	s29 =	simm.s32 $0x9;
	_ =	strace $0x80000048  }
0xba: {  	_ =	swait.ge [sflag:s29], $0x1  }
0xbb: {  	[sflag:s29] =	ssyncadd.s32 $0xFFFFFFFF  }
0xbc: {  	_ =	strace $0x90000048  }
0xbd: {  	_ =	sfence  }
0xbe: {  	s30 =	sld [smem:$0x0];
	_ =	sdelay $0x2  }
0xbf: {  	s31 =	sshll.u32 s1, $0xD;
	s1 =	sshrl.u32 s1, $0x2  }
0xc0: {  	s3 =	sand.u32 $0x4000, s31;
	s1 =	sadd.s32 s1, s30  }
0xc1: {  	s0 =	sor.u32 s3, s0;
	s1 =	sshll.u32 s1, $0x11  }
0xc2: {  	s0 =	sor.u32 s1, s0  }
0xc3: {  	s0 =	sadd.s32 $0x8F2B, s0  }
0xc4: {  	[sflag:s0] =	ssyncadd.remote.s32 $0x1  }
0xc5: {  	_ =	sfence.sel $0xFFFF  }
0xc6: {  	[dreg:$0x0] =	wrdreg $0xFFFFFFFF;
	(pc) =	sbr.abs _section_cstart, $3  }
0xc7: {  	[dreg:$0x1] =	wrdreg $0xFFFFFFFF  }
0xc8: {  	_ =	task.clear_ibuf [dreg:s8], $0x2FFFF;
	_ =	strace $0x9FFFFFFF  }
0xc9: {  	(tm) =	ssettm $0x7FFFFFFF  }
tec
execute0_lowered:
.L_overlay_start_1:
0x0: {  	(tag) =	ssettag $0x1  }
0x1: {  	s3 =	rddreg [dreg:$0x0]  }
0x2: {  	s6 =	rddreg [dreg:$0x1]  }
0x3: {  	s1 =	srdreg.scid;
	s0 =	stileid.u32  }
0x4: {  	s8 =	rddreg [dreg:$0x2];
	s2 =	simm.s32 $0x0;
	s12 =	simm.s32 $0x2  }
0x5: {  	s13 =	simm.s32 $0x80;
	s14 =	simm.s32 $0x100;
	s15 =	simm.s32 $0x8000  }
0x6: {  	s16 =	simm.s32 $0x3;
	s17 =	simm.s32 $0x8200;
	s18 =	simm.s32 $0x8400  }
0x7: {  	s19 =	simm.s32 $0x8600;
	s4 =	sand.u32 $0x1, s1;
	s1 =	rddreg [dreg:$0x3]  }
0x8: {  	s20 =	simm.s32 $0x0;
	s5 =	sshll.u32 s0, $0x1;
	[smem:$0x7FF] =	sst s2  }
0x9: {  	s5 =	sor.u32 s4, s5;
	s4 =	ssub.s32 $0x2, s4;
	_ =	strace $0x80000047  }
0xa: {  	s7 =	sshll.u32 s5, $0xC;
	s31 =	sshrl.u32 s4, $0x1;
	s10 =	sshll.u32 s5, $0x7  }
0xb: {  	s7 =	sadd.s32 s7, s3;
	s9 =	ssub.s32 s4, s31;
	s5 =	sadd.s32 s6, s10  }
0xc: {  	s11 =	sor.u32 $0x10, s10;
	s3 =	sadd.s32 $0x1200, s7;
	s4 =	sadd.s32 $0x1A00, s7  }
0xd: {  	s6 =	sadd.s32 s6, s11;
	s7 =	sadd.s32 s8, s10;
	s8 =	sadd.s32 s8, s11  }
0xe: {  	v0 =	vimm.s32 $0x0;
	s9 =	smax.u32 s9, $0x1;
	s10 =	simm.s32 $0x4000;
	s11 =	simm.s32 $0x1  }
.LBB2_1:
0xf: {  	[tilespmem:s2], [sflag:$0x1] =	stream.linear.gather [hbm4b:s3+s2], $0x4000, $0x38;
	[tilespmem:$0x8800] =	vst v63  }
0x10: {  	_ = 	snop  }
0x11: {  	[tilespmem:s10], [sflag:$0x2] =	stream.linear.gather [hbm4b:s4+s2], $0x4000, $0x38;
	[tilespmem:$0x8800] =	vst v63  }
0x12: {  	s21 =	simm.s32 $0x8600;
	s22 =	simm.s32 $0x8400;
	_ =	swait.ge [sflag:s11], $0x4000  }
0x13: {  	s23 =	simm.s32 $0x8200;
	s24 =	simm.s32 $0x8000;
	[sflag:s11] =	ssyncset.done $0x0  }
0x14: {  	s25 =	simm.s32 $0x0;
	s26 =	simm.s32 $0x0;
	[sflag:s11] =	ssyncadd.s32 $0xFFFFC000  }
.LBB2_2:
0x15: {  	s28 =	sand.u32 $0x70, s26;
	s29 =	sand.u32 $0x400, s25  }
0x16: {  	s28 =	sor.u32 s28, s29  }
0x17: {  	v1 =	vld [tilespmem:s28+$0x0];
	_ =	sdelay $0x1  }
0x18: {  	v2 =	vld [tilespmem:s28+$0x80];
	_ =	sdelay $0x2  }
0x19: {  	v3 =	vld [tilespmem:s28+$0x100];
	vm0 =	vgt.f32 v1, $-Inf  }
0x1a: {  	v1 =	vnsel vm0, $0xFF800000, v1  }
0x1b: {  	vm2 =	vlt.f32 v2, $-Inf;
	vm3 =	vgt.f32 v2, $-Inf;
	vm0 =	vgt.f32 v2, v1  }
0x1c: {  	v5 =	vld [tilespmem:s28+$0x180];
	vm2 =	vmor vm3, vm2;
	vm1 =	vmneg vm0  }
0x1d: {  	v6 =	vsel vm0, $0x1, v0;
	v4 =	vsel vm1, v2, v1;
	v1 =	vsel vm1, v1, v2  }
0x1e: {  	v4 =	vnsel vm2, $0xFF800000, v4;
	vm2 =	vmand vm2, vm1;
	vm8 =	vgt.f32 v3, v1  }
0x1f: {  	v7 =	vld [tilespmem:s28+$0x200];
	v2 =	vsel vm2, $0x1, v0;
	vm9 =	vgt.f32 v3, v4;
	v8 =	vsel vm8, v1, v3  }
0x20: {  	v9 =	vnsel vm8, $0x2, v6;
	v1 =	vsel vm8, v3, v1;
	v3 =	vsel vm8, $0x2, v6  }
0x21: {  	v38 =	vld [tilespmem:s28+$0x280];
	v4 =	vsel vm9, v8, v4;
	v2 =	vsel vm9, v9, v2;
	vm10 =	vgt.f32 v5, v1  }
0x22: {  	vm11 =	vgt.f32 v5, v4;
	v39 =	vsel vm10, v1, v5;
	v40 =	vnsel vm10, $0x3, v3  }
0x23: {  	v1 =	vsel vm10, v5, v1;
	v3 =	vsel vm10, $0x3, v3;
	v4 =	vsel vm11, v39, v4  }
0x24: {  	v41 =	vld [tilespmem:s28+$0x300];
	v2 =	vsel vm11, v40, v2;
	vm12 =	vgt.f32 v7, v1;
	vm13 =	vgt.f32 v7, v4  }
0x25: {  	v5 =	vsel vm12, v1, v7;
	v42 =	vnsel vm12, $0x4, v3;
	v1 =	vsel vm12, v7, v1  }
0x26: {  	v3 =	vsel vm12, $0x4, v3;
	v4 =	vsel vm13, v5, v4;
	vm14 =	vgt.f32 v38, v1  }
0x27: {  	v43 =	vld [tilespmem:s28+$0x380];
	v2 =	vsel vm13, v42, v2;
	vm15 =	vgt.f32 v38, v4;
	v7 =	vsel vm14, v1, v38  }
0x28: {  	v44 =	vnsel vm14, $0x5, v3;
	v1 =	vsel vm14, v38, v1;
	v3 =	vsel vm14, $0x5, v3  }
0x29: {  	v45 =	vld [tilespmem:s28+$0x800];
	v4 =	vsel vm15, v7, v4;
	v2 =	vsel vm15, v44, v2;
	vm4 =	vgt.f32 v41, v1  }
0x2a: {  	vm5 =	vgt.f32 v41, v4;
	v46 =	vsel vm4, v1, v41;
	v47 =	vnsel vm4, $0x6, v3  }
0x2b: {  	v1 =	vsel vm4, v41, v1;
	v3 =	vsel vm4, $0x6, v3;
	v4 =	vsel vm5, v46, v4  }
0x2c: {  	v49 =	vld [tilespmem:s28+$0x880];
	v2 =	vsel vm5, v47, v2;
	vm6 =	vgt.f32 v43, v1;
	vm7 =	vgt.f32 v43, v4  }
0x2d: {  	v48 =	vsel vm6, v1, v43;
	v50 =	vnsel vm6, $0x7, v3;
	v1 =	vsel vm6, v43, v1  }
0x2e: {  	v3 =	vsel vm6, $0x7, v3;
	v4 =	vsel vm7, v48, v4;
	vm8 =	vgt.f32 v45, v1  }
0x2f: {  	v51 =	vld [tilespmem:s28+$0x900];
	v2 =	vsel vm7, v50, v2;
	vm9 =	vgt.f32 v45, v4;
	v52 =	vsel vm8, v1, v45  }
0x30: {  	v53 =	vnsel vm8, $0x8, v3;
	v1 =	vsel vm8, v45, v1;
	v3 =	vsel vm8, $0x8, v3  }
0x31: {  	v54 =	vld [tilespmem:s28+$0x980];
	v4 =	vsel vm9, v52, v4;
	v2 =	vsel vm9, v53, v2;
	vm10 =	vgt.f32 v49, v1  }
0x32: {  	vm11 =	vgt.f32 v49, v4;
	v55 =	vsel vm10, v1, v49;
	v56 =	vnsel vm10, $0x9, v3  }
0x33: {  	v1 =	vsel vm10, v49, v1;
	v3 =	vsel vm10, $0x9, v3;
	v4 =	vsel vm11, v55, v4  }
0x34: {  	v58 =	vld [tilespmem:s28+$0xA00];
	v2 =	vsel vm11, v56, v2;
	vm12 =	vgt.f32 v51, v1;
	vm13 =	vgt.f32 v51, v4  }
0x35: {  	v57 =	vsel vm12, v1, v51;
	v59 =	vnsel vm12, $0xA, v3;
	v1 =	vsel vm12, v51, v1  }
0x36: {  	v3 =	vsel vm12, $0xA, v3;
	v4 =	vsel vm13, v57, v4;
	vm14 =	vgt.f32 v54, v1  }
0x37: {  	v60 =	vld [tilespmem:s28+$0xA80];
	v2 =	vsel vm13, v59, v2;
	vm15 =	vgt.f32 v54, v4;
	v61 =	vsel vm14, v1, v54  }
0x38: {  	v62 =	vnsel vm14, $0xB, v3;
	v1 =	vsel vm14, v54, v1;
	v3 =	vsel vm14, $0xB, v3  }
0x39: {  	v63 =	vld [tilespmem:s28+$0xB00];
	v4 =	vsel vm15, v61, v4;
	v2 =	vsel vm15, v62, v2;
	vm4 =	vgt.f32 v58, v1  }
0x3a: {  	vm5 =	vgt.f32 v58, v4;
	v12 =	vsel vm4, v1, v58;
	v13 =	vnsel vm4, $0xC, v3  }
0x3b: {  	v1 =	vsel vm4, v58, v1;
	v3 =	vsel vm4, $0xC, v3;
	v4 =	vsel vm5, v12, v4  }
0x3c: {  	v15 =	vld [tilespmem:s28+$0xB80];
	v2 =	vsel vm5, v13, v2;
	vm6 =	vgt.f32 v60, v1;
	vm7 =	vgt.f32 v60, v4  }
0x3d: {  	v14 =	vsel vm6, v1, v60;
	v16 =	vnsel vm6, $0xD, v3;
	v1 =	vsel vm6, v60, v1  }
0x3e: {  	v3 =	vsel vm6, $0xD, v3;
	v4 =	vsel vm7, v14, v4;
	vm8 =	vgt.f32 v63, v1  }
0x3f: {  	v17 =	vld [tilespmem:s28+$0x1000];
	v2 =	vsel vm7, v16, v2;
	vm9 =	vgt.f32 v63, v4;
	v18 =	vsel vm8, v1, v63  }
0x40: {  	v19 =	vnsel vm8, $0xE, v3;
	v1 =	vsel vm8, v63, v1;
	v3 =	vsel vm8, $0xE, v3  }
0x41: {  	v4 =	vsel vm9, v18, v4;
	v2 =	vsel vm9, v19, v2;
	vm10 =	vgt.f32 v15, v1  }
0x42: {  	v20 =	vld [tilespmem:s28+$0x1080];
	v18 =	vimm.s32 $0x0;
	vm11 =	vgt.f32 v15, v4;
	v21 =	vsel vm10, v1, v15  }
0x43: {  	v22 =	vnsel vm10, $0xF, v3;
	v1 =	vsel vm10, v15, v1;
	v3 =	vsel vm10, $0xF, v3  }
0x44: {  	v4 =	vsel vm11, v21, v4;
	v2 =	vsel vm11, v22, v2;
	vm12 =	vgt.f32 v17, v1  }
0x45: {  	v24 =	vld [tilespmem:s28+$0x1100];
	v21 =	vimm.s32 $0x0;
	vm13 =	vgt.f32 v17, v4;
	v23 =	vsel vm12, v1, v17  }
0x46: {  	v25 =	vnsel vm12, $0x10, v3;
	v1 =	vsel vm12, v17, v1;
	v3 =	vsel vm12, $0x10, v3  }
0x47: {  	v4 =	vsel vm13, v23, v4;
	v2 =	vsel vm13, v25, v2;
	vm14 =	vgt.f32 v20, v1  }
0x48: {  	v26 =	vld [tilespmem:s28+$0x1180];
	vm15 =	vgt.f32 v20, v4;
	v27 =	vsel vm14, v1, v20;
	v28 =	vnsel vm14, $0x11, v3  }
0x49: {  	v1 =	vsel vm14, v20, v1;
	v3 =	vsel vm14, $0x11, v3;
	v4 =	vsel vm15, v27, v4  }
0x4a: {  	v2 =	vsel vm15, v28, v2;
	vm4 =	vgt.f32 v24, v1;
	v28 =	vimm.s32 $0x0  }
0x4b: {  	vm5 =	vgt.f32 v24, v4;
	v30 =	vsel vm4, v1, v24;
	v31 =	vnsel vm4, $0x12, v3  }
0x4c: {  	v29 =	vld [tilespmem:s28+$0x1200];
	v1 =	vsel vm4, v24, v1;
	v3 =	vsel vm4, $0x12, v3;
	v24 =	vimm.s32 $0x0  }
0x4d: {  	v4 =	vsel vm5, v30, v4;
	v2 =	vsel vm5, v31, v2;
	vm6 =	vgt.f32 v26, v1  }
0x4e: {  	v33 =	vld [tilespmem:s28+$0x1280];
	v30 =	vimm.s32 $0x0;
	v31 =	vimm.s32 $0x0;
	vm7 =	vgt.f32 v26, v4  }
0x4f: {  	v32 =	vsel vm6, v1, v26;
	v34 =	vnsel vm6, $0x13, v3;
	v1 =	vsel vm6, v26, v1  }
0x50: {  	v3 =	vsel vm6, $0x13, v3;
	v4 =	vsel vm7, v32, v4;
	v2 =	vsel vm7, v34, v2  }
0x51: {  	v35 =	vld [tilespmem:s28+$0x1300];
	vm8 =	vgt.f32 v29, v1;
	v34 =	vimm.s32 $0x0;
	vm9 =	vgt.f32 v29, v4  }
0x52: {  	v36 =	vsel vm8, v1, v29;
	v37 =	vnsel vm8, $0x14, v3;
	v1 =	vsel vm8, v29, v1  }
0x53: {  	v3 =	vsel vm8, $0x14, v3;
	v4 =	vsel vm9, v36, v4;
	vm10 =	vgt.f32 v33, v1  }
0x54: {  	v2 =	vsel vm9, v37, v2;
	vm11 =	vgt.f32 v33, v4;
	v39 =	vsel vm10, v1, v33  }
0x55: {  	v38 =	vld [tilespmem:s28+$0x1380];
	v40 =	vnsel vm10, $0x15, v3;
	v1 =	vsel vm10, v33, v1;
	v3 =	vsel vm10, $0x15, v3  }
0x56: {  	v4 =	vsel vm11, v39, v4;
	v2 =	vsel vm11, v40, v2;
	vm12 =	vgt.f32 v35, v1  }
0x57: {  	v40 =	vimm.s32 $0x0;
	vm13 =	vgt.f32 v35, v4;
	v41 =	vsel vm12, v1, v35  }
0x58: {  	v42 =	vld [tilespmem:s28+$0x1800];
	v43 =	vnsel vm12, $0x16, v3;
	v1 =	vsel vm12, v35, v1;
	v3 =	vsel vm12, $0x16, v3  }
0x59: {  	v35 =	vimm.s32 $0x0;
	v4 =	vsel vm13, v41, v4;
	v2 =	vsel vm13, v43, v2  }
0x5a: {  	vm14 =	vgt.f32 v38, v1;
	v43 =	vimm.s32 $0x0;
	vm15 =	vgt.f32 v38, v4  }
0x5b: {  	v44 =	vld [tilespmem:s28+$0x1880];
	v45 =	vsel vm14, v1, v38;
	v46 =	vnsel vm14, $0x17, v3;
	v1 =	vsel vm14, v38, v1  }
0x5c: {  	v3 =	vsel vm14, $0x17, v3;
	v38 =	vimm.s32 $0x0;
	v4 =	vsel vm15, v45, v4  }
0x5d: {  	v2 =	vsel vm15, v46, v2;
	vm4 =	vgt.f32 v42, v1;
	vm5 =	vgt.f32 v42, v4  }
0x5e: {  	v47 =	vld [tilespmem:s28+$0x1900];
	v48 =	vsel vm4, v1, v42;
	v49 =	vnsel vm4, $0x18, v3;
	v1 =	vsel vm4, v42, v1  }
0x5f: {  	v3 =	vsel vm4, $0x18, v3;
	v4 =	vsel vm5, v48, v4;
	v2 =	vsel vm5, v49, v2  }
0x60: {  	vm6 =	vgt.f32 v44, v1;
	v48 =	vimm.s32 $0x0;
	vm7 =	vgt.f32 v44, v4  }
0x61: {  	v50 =	vld [tilespmem:s28+$0x1980];
	v51 =	vsel vm6, v1, v44;
	v1 =	vsel vm6, v44, v1;
	v55 =	vnsel vm6, $0x19, v3  }
0x62: {  	v3 =	vsel vm6, $0x19, v3;
	v44 =	vimm.s32 $0x0;
	v4 =	vsel vm7, v51, v4  }
0x63: {  	vm0 =	vgt.f32 v47, v1;
	v2 =	vsel vm7, v55, v2;
	v51 =	vimm.s32 $0x0  }
0x64: {  	v52 =	vld [tilespmem:s28+$0x1A00];
	vm3 =	vgt.f32 v47, v4;
	v53 =	vsel vm0, v1, v47;
	v1 =	vsel vm0, v47, v1  }
0x65: {  	v62 =	vnsel vm0, $0x1A, v3;
	v3 =	vsel vm0, $0x1A, v3;
	v47 =	vimm.s32 $0x0  }
0x66: {  	v4 =	vsel vm3, v53, v4;
	vm12 =	vgt.f32 v50, v1;
	v2 =	vsel vm3, v62, v2  }
0x67: {  	v54 =	vld [tilespmem:s28+$0x1A80];
	v53 =	vimm.s32 $0x0;
	vm10 =	vgt.f32 v50, v4;
	v56 =	vsel vm12, v1, v50  }
0x68: {  	v1 =	vsel vm12, v50, v1;
	v17 =	vnsel vm12, $0x1B, v3;
	v3 =	vsel vm12, $0x1B, v3  }
0x69: {  	v4 =	vsel vm10, v56, v4;
	vm9 =	vgt.f32 v52, v1;
	v2 =	vsel vm10, v17, v2  }
0x6a: {  	v57 =	vld [tilespmem:s28+$0x1B00];
	v56 =	vimm.s32 $0x0;
	v17 =	vimm.s32 $0x0;
	vm11 =	vgt.f32 v52, v4  }
0x6b: {  	v58 =	vsel vm9, v1, v52;
	v1 =	vsel vm9, v52, v1;
	v27 =	vnsel vm9, $0x1C, v3  }
0x6c: {  	v3 =	vsel vm9, $0x1C, v3;
	v4 =	vsel vm11, v58, v4;
	vm7 =	vgt.f32 v54, v1  }
0x6d: {  	v2 =	vsel vm11, v27, v2;
	v27 =	vimm.s32 $0x0;
	vm8 =	vgt.f32 v54, v4  }
0x6e: {  	v59 =	vld [tilespmem:s28+$0x1B80];
	v60 =	vsel vm7, v1, v54;
	v1 =	vsel vm7, v54, v1;
	v39 =	vnsel vm7, $0x1D, v3  }
0x6f: {  	v3 =	vsel vm7, $0x1D, v3;
	v4 =	vsel vm8, v60, v4;
	vm5 =	vgt.f32 v57, v1  }
0x70: {  	v61 =	vld [tilespmem:s28+$0x2000];
	v2 =	vsel vm8, v39, v2;
	v60 =	vimm.s32 $0x0;
	vm6 =	vgt.f32 v57, v4  }
0x71: {  	v63 =	vsel vm5, v1, v57;
	v1 =	vsel vm5, v57, v1;
	v52 =	vnsel vm5, $0x1E, v3  }
0x72: {  	v57 =	vimm.s32 $0x0;
	v3 =	vsel vm5, $0x1E, v3;
	v4 =	vsel vm6, v63, v4  }
0x73: {  	v12 =	vld [tilespmem:s28+$0x2080];
	vm2 =	vgt.f32 v59, v1;
	v2 =	vsel vm6, v52, v2;
	v52 =	vimm.s32 $0x0  }
0x74: {  	vm4 =	vgt.f32 v59, v4;
	v13 =	vsel vm2, v1, v59;
	v1 =	vsel vm2, v59, v1  }
0x75: {  	v14 =	vld [tilespmem:s28+$0x2100];
	v4 =	vsel vm4, v13, v4;
	vm0 =	vgt.f32 v61, v1;
	v13 =	vnsel vm2, $0x1F, v3  }
0x76: {  	v3 =	vsel vm2, $0x1F, v3;
	vm1 =	vgt.f32 v61, v4;
	v15 =	vsel vm0, v1, v61  }
0x77: {  	v1 =	vsel vm0, v61, v1;
	v61 =	vimm.s32 $0x0;
	v4 =	vsel vm1, v15, v4  }
0x78: {  	v16 =	vld [tilespmem:s28+$0x2180];
	v2 =	vsel vm4, v13, v2;
	vm3 =	vgt.f32 v12, v1;
	vm13 =	vgt.f32 v12, v4  }
0x79: {  	v19 =	vsel vm3, v1, v12;
	v1 =	vsel vm3, v12, v1;
	v12 =	vimm.s32 $0x0  }
0x7a: {  	v20 =	vld [tilespmem:s28+$0x2200];
	v7 =	vsel vm13, $0xFFFFFFFF, v18;
	v4 =	vsel vm13, v19, v4;
	vm10 =	vgt.f32 v14, v1  }
0x7b: {  	v18 =	vimm.s32 $0x0;
	vm13 =	vgt.f32 v14, v4;
	v22 =	vsel vm10, v1, v14  }
0x7c: {  	[tilespmem:$0x1FD30] =	vst v7;
	v1 =	vsel vm10, v14, v1;
	v14 =	vimm.s32 $0x0;
	v7 =	vsel vm13, $0xFFFFFFFF, v21  }
0x7d: {  	v23 =	vld [tilespmem:s28+$0x2280];
	v4 =	vsel vm13, v22, v4;
	vm15 =	vgt.f32 v16, v1;
	v21 =	vimm.s32 $0x0  }
0x7e: {  	vm12 =	vgt.f32 v16, v4;
	v25 =	vsel vm15, v1, v16;
	v1 =	vsel vm15, v16, v1  }
0x7f: {  	[tilespmem:$0x1FD40] =	vst v7;
	v7 =	vsel vm12, $0xFFFFFFFF, v24;
	v4 =	vsel vm12, v25, v4;
	vm12 =	vgt.f32 v20, v1  }
0x80: {  	v26 =	vld [tilespmem:s28+$0x2300];
	v22 =	vimm.s32 $0x0;
	v25 =	vimm.s32 $0x0;
	[tilespmem:$0x1FD50] =	vst v7;
	v7 =	vsel vm12, $0xFFFFFFFF, v28  }
0x81: {  	v29 =	vsel vm12, v1, v20;
	v1 =	vsel vm12, v20, v1;
	vm12 =	vgt.f32 v20, v4  }
0x82: {  	v8 =	vsel vm12, $0xFFFFFFFF, v30;
	v4 =	vsel vm12, v29, v4;
	vm13 =	vgt.f32 v23, v1  }
0x83: {  	[tilespmem:$0x1FD60] =	vst v7;
	v30 =	vimm.s32 $0x0;
	v7 =	vsel vm13, $0xFFFFFFFF, v31;
	v32 =	vsel vm13, v1, v23  }
0x84: {  	v10 =	vld [tilespmem:s28+$0x2380];
	v1 =	vsel vm13, v23, v1;
	vm14 =	vgt.f32 v23, v4;
	v31 =	vimm.s32 $0x0  }
0x85: {  	v5 =	vsel vm14, $0xFFFFFFFF, v34;
	v4 =	vsel vm14, v32, v4;
	vm12 =	vgt.f32 v26, v1  }
0x86: {  	v34 =	vimm.s32 $0x0;
	[tilespmem:$0x1FD90] =	vst v5;
	v5 =	vsel vm12, $0xFFFFFFFF, v35;
	v36 =	vsel vm12, v1, v26  }
0x87: {  	v33 =	vld [tilespmem:s28+$0x2800];
	v1 =	vsel vm12, v26, v1;
	vm13 =	vgt.f32 v26, v4;
	v26 =	vnsel vm0, $0x20, v3  }
0x88: {  	v3 =	vsel vm0, $0x20, v3;
	v6 =	vsel vm13, $0xFFFFFFFF, v38;
	v4 =	vsel vm13, v36, v4  }
0x89: {  	v37 =	vld [tilespmem:s28+$0x2880];
	vm14 =	vgt.f32 v10, v1;
	v2 =	vsel vm1, v26, v2;
	v38 =	vnsel vm3, $0x21, v3  }
0x8a: {  	[tilespmem:$0x1FDA0] =	vst v5;
	v3 =	vsel vm3, $0x21, v3;
	v5 =	vsel vm14, $0xFFFFFFFF, v40;
	vm12 =	vgt.f32 v10, v4  }
0x8b: {  	v41 =	vsel vm14, v1, v10;
	v1 =	vsel vm14, v10, v1;
	v10 =	vsel vm12, $0xFFFFFFFF, v43  }
0x8c: {  	v4 =	vsel vm12, v41, v4;
	vm13 =	vgt.f32 v33, v1;
	v41 =	vimm.s32 $0x0  }
0x8d: {  	v42 =	vld [tilespmem:s28+$0x2900];
	[tilespmem:$0x1FD70] =	vst v8;
	v45 =	vsel vm13, v1, v33;
	v1 =	vsel vm13, v33, v1;
	vm14 =	vgt.f32 v33, v4  }
0x8e: {  	[tilespmem:$0x1FDC0] =	vst v5;
	v5 =	vsel vm13, $0xFFFFFFFF, v44;
	v8 =	vsel vm14, $0xFFFFFFFF, v47;
	vm9 =	vgt.f32 v37, v1  }
0x8f: {  	[tilespmem:$0x1FDE0] =	vst v5;
	v4 =	vsel vm14, v45, v4;
	v45 =	vimm.s32 $0x0;
	v5 =	vsel vm9, $0xFFFFFFFF, v48  }
0x90: {  	v46 =	vld [tilespmem:s28+$0x2980];
	v49 =	vsel vm9, v1, v37;
	v1 =	vsel vm9, v37, v1;
	vm11 =	vgt.f32 v37, v4  }
0x91: {  	[tilespmem:$0x1FD80] =	vst v7;
	v37 =	vimm.s32 $0x0;
	v48 =	vimm.s32 $0x0;
	v7 =	vsel vm11, $0xFFFFFFFF, v51  }
0x92: {  	v4 =	vsel vm11, v49, v4;
	vm12 =	vgt.f32 v42, v1;
	v49 =	vnsel vm10, $0x22, v3  }
0x93: {  	v50 =	vld [tilespmem:s28+$0x2A00];
	[tilespmem:$0x1FE00] =	vst v5;
	v3 =	vsel vm10, $0x22, v3;
	v5 =	vsel vm12, $0xFFFFFFFF, v53;
	vm13 =	vgt.f32 v42, v4  }
0x94: {  	v54 =	vsel vm12, v1, v42;
	v1 =	vsel vm12, v42, v1;
	v9 =	vsel vm13, $0xFFFFFFFF, v56  }
0x95: {  	v55 =	vld [tilespmem:s28+$0x2A80];
	v4 =	vsel vm13, v54, v4;
	vm14 =	vgt.f32 v46, v1;
	v56 =	vimm.s32 $0x0  }
0x96: {  	v42 =	vld [tilespmem:$0x1FD30];
	[tilespmem:$0x1FE20] =	vst v5;
	v5 =	vsel vm14, $0xFFFFFFFF, v57;
	v58 =	vsel vm14, v1, v46;
	vm9 =	vgt.f32 v46, v4  }
0x97: {  	[tilespmem:$0x1FDB0] =	vst v6;
	v1 =	vsel vm14, v46, v1;
	v6 =	vsel vm9, $0xFFFFFFFF, v60;
	v4 =	vsel vm9, v58, v4  }
0x98: {  	v59 =	vld [tilespmem:s28+$0x2B00];
	vm11 =	vgt.f32 v50, v1;
	v60 =	vnsel vm15, $0x23, v3;
	v3 =	vsel vm15, $0x23, v3  }
0x99: {  	[tilespmem:$0x1FDF0] =	vst v8;
	v62 =	vsel vm11, v1, v50;
	v1 =	vsel vm11, v50, v1;
	vm12 =	vgt.f32 v50, v4  }
0x9a: {  	[tilespmem:$0x1FE40] =	vst v5;
	v5 =	vsel vm11, $0xFFFFFFFF, v61;
	v8 =	vsel vm12, $0xFFFFFFFF, v12;
	vm13 =	vgt.f32 v55, v1  }
0x9b: {  	v63 =	vld [tilespmem:s28+$0x2B80];
	[tilespmem:$0x1FE60] =	vst v5;
	v4 =	vsel vm12, v62, v4;
	vm7 =	vnez.u8 v42;
	v5 =	vsel vm13, $0xFFFFFFFF, v14  }
0x9c: {  	v15 =	vsel vm13, v1, v55;
	v1 =	vsel vm13, v55, v1;
	vm14 =	vgt.f32 v55, v4  }
0x9d: {  	[tilespmem:$0x1FDD0] =	vst v10;
	v2 =	vsel vm7, v38, v2;
	v10 =	vsel vm14, $0xFFFFFFFF, v17;
	vm8 =	vgt.f32 v59, v1  }
0x9e: {  	[tilespmem:$0x1FE80] =	vst v5;
	v4 =	vsel vm14, v15, v4;
	v15 =	vimm.s32 $0x0;
	v5 =	vsel vm8, $0xFFFFFFFF, v18  }
0x9f: {  	v16 =	vld [tilespmem:s28+$0x3000];
	v19 =	vsel vm8, v1, v59;
	v1 =	vsel vm8, v59, v1;
	vm9 =	vgt.f32 v59, v4  }
0xa0: {  	[tilespmem:$0x1FE10] =	vst v7;
	v59 =	vimm.s32 $0x0;
	v18 =	vimm.s32 $0x0;
	vm11 =	vgt.f32 v63, v1  }
0xa1: {  	v20 =	vld [tilespmem:s28+$0x3080];
	[tilespmem:$0x1FEA0] =	vst v5;
	v7 =	vsel vm9, $0xFFFFFFFF, v21;
	v4 =	vsel vm9, v19, v4;
	v5 =	vsel vm11, $0xFFFFFFFF, v22  }
0xa2: {  	v23 =	vsel vm11, v1, v63;
	v1 =	vsel vm11, v63, v1;
	vm12 =	vgt.f32 v63, v4  }
0xa3: {  	v24 =	vld [tilespmem:s28+$0x3100];
	[tilespmem:$0x1FE50] =	vst v6;
	v63 =	vimm.s32 $0x0;
	v22 =	vimm.s32 $0x0;
	v6 =	vsel vm12, $0xFFFFFFFF, v25  }
0xa4: {  	v53 =	vld [tilespmem:$0x1FD40];
	v4 =	vsel vm12, v23, v4;
	vm13 =	vgt.f32 v16, v1;
	v25 =	vimm.s32 $0x0  }
0xa5: {  	v12 =	vld [tilespmem:$0x1FD50];
	[tilespmem:$0x1FEC0] =	vst v5;
	v5 =	vsel vm13, $0xFFFFFFFF, v27;
	v28 =	vsel vm13, v1, v16;
	v1 =	vsel vm13, v16, v1  }
0xa6: {  	[tilespmem:$0x1FE30] =	vst v9;
	vm14 =	vgt.f32 v16, v4;
	v27 =	vimm.s32 $0x0;
	vm4 =	vgt.f32 v20, v1  }
0xa7: {  	v29 =	vld [tilespmem:s28+$0x3180];
	[tilespmem:$0x1FEE0] =	vst v5;
	v9 =	vsel vm14, $0xFFFFFFFF, v30;
	v4 =	vsel vm14, v28, v4;
	v5 =	vsel vm4, $0xFFFFFFFF, v31  }
0xa8: {  	v32 =	vsel vm4, v1, v20;
	v1 =	vsel vm4, v20, v1;
	vm5 =	vgt.f32 v20, v4  }
0xa9: {  	v33 =	vld [tilespmem:s28+$0x3200];
	[tilespmem:$0x1FE70] =	vst v8;
	vm4 =	vnez.u8 v53;
	v8 =	vsel vm5, $0xFFFFFFFF, v34;
	v4 =	vsel vm5, v32, v4  }
0xaa: {  	vm14 =	vgt.f32 v24, v1;
	v2 =	vsel vm4, v49, v2;
	vm4 =	vnez.u8 v12  }
0xab: {  	v36 =	vld [tilespmem:s28+$0x3280];
	v35 =	vsel vm14, v1, v24;
	v1 =	vsel vm14, v24, v1;
	vm6 =	vgt.f32 v24, v4  }
0xac: {  	v40 =	vld [tilespmem:s28+$0x3300];
	v2 =	vsel vm4, v60, v2;
	v4 =	vsel vm6, v35, v4;
	vm13 =	vgt.f32 v29, v1  }
0xad: {  	v23 =	vld [tilespmem:$0x1FD70];
	v39 =	vsel vm13, v1, v29;
	v1 =	vsel vm13, v29, v1;
	vm0 =	vgt.f32 v29, v4  }
0xae: {  	[tilespmem:$0x1FE90] =	vst v10;
	v10 =	vsel vm0, $0xFFFFFFFF, v41;
	v4 =	vsel vm0, v39, v4;
	vm12 =	vgt.f32 v33, v1  }
0xaf: {  	v44 =	vld [tilespmem:s28+$0x3380];
	v43 =	vsel vm12, v1, v33;
	v1 =	vsel vm12, v33, v1;
	vm0 =	vgt.f32 v33, v4  }
0xb0: {  	[tilespmem:$0x1FED0] =	vst v6;
	v6 =	vsel vm0, $0xFFFFFFFF, v45;
	v4 =	vsel vm0, v43, v4;
	vm11 =	vgt.f32 v36, v1  }
0xb1: {  	v46 =	vsel vm11, v1, v36;
	v1 =	vsel vm11, v36, v1;
	vm0 =	vgt.f32 v36, v4  }
0xb2: {  	v47 =	vld [tilespmem:s28+$0x3800];
	vm15 =	vnez.u8 v23;
	v4 =	vsel vm0, v46, v4;
	vm9 =	vgt.f32 v40, v1  }
0xb3: {  	v51 =	vld [tilespmem:s28+$0x3880];
	v50 =	vsel vm9, v1, v40;
	v1 =	vsel vm9, v40, v1;
	vm8 =	vgt.f32 v40, v4  }
0xb4: {  	v19 =	vld [tilespmem:$0x1FD60];
	[tilespmem:$0x1FEF0] =	vst v9;
	v9 =	vsel vm8, $0xFFFFFFFF, v52;
	v4 =	vsel vm8, v50, v4;
	vm8 =	vgt.f32 v44, v1  }
0xb5: {  	[tilespmem:$0x1FEB0] =	vst v7;
	v7 =	vsel vm6, $0xFFFFFFFF, v37;
	v54 =	vsel vm8, v1, v44;
	vm5 =	vgt.f32 v44, v4  }
0xb6: {  	v55 =	vld [tilespmem:s28+$0x3900];
	[tilespmem:$0x1FF10] =	vst v8;
	v8 =	vsel vm0, $0xFFFFFFFF, v48;
	v1 =	vsel vm8, v44, v1;
	v4 =	vsel vm5, v54, v4  }
0xb7: {  	[tilespmem:$0x1FF20] =	vst v7;
	v7 =	vsel vm5, $0xFFFFFFFF, v56;
	vm10 =	vgt.f32 v47, v1;
	vm0 =	vgt.f32 v47, v4  }
0xb8: {  	v58 =	vld [tilespmem:s28+$0x3980];
	[tilespmem:$0x1FF40] =	vst v6;
	v57 =	vsel vm10, v1, v47;
	v1 =	vsel vm10, v47, v1;
	v6 =	vsel vm0, $0xFFFFFFFF, v59  }
0xb9: {  	v4 =	vsel vm0, v57, v4;
	vm7 =	vgt.f32 v51, v1;
	vm0 =	vnez.u8 v19  }
0xba: {  	v62 =	vld [tilespmem:s28+$0x3A00];
	v61 =	vsel vm7, v1, v51;
	v1 =	vsel vm7, v51, v1;
	vm6 =	vgt.f32 v51, v4  }
0xbb: {  	[tilespmem:$0x1FF30] =	vst v10;
	v10 =	vsel vm6, $0xFFFFFFFF, v63;
	v4 =	vsel vm6, v61, v4;
	vm6 =	vgt.f32 v55, v1  }
0xbc: {  	v28 =	vld [tilespmem:$0x1FD80];
	v13 =	vsel vm6, v1, v55;
	v1 =	vsel vm6, v55, v1;
	vm5 =	vgt.f32 v55, v4  }
0xbd: {  	v14 =	vld [tilespmem:s28+$0x3A80];
	[tilespmem:$0x1FF50] =	vst v8;
	v8 =	vsel vm5, $0xFFFFFFFF, v15;
	v4 =	vsel vm5, v13, v4;
	vm5 =	vgt.f32 v58, v1  }
0xbe: {  	v16 =	vsel vm5, v1, v58;
	v1 =	vsel vm5, v58, v1;
	vm4 =	vgt.f32 v58, v4  }
0xbf: {  	[tilespmem:$0x1FF70] =	vst v7;
	v7 =	vsel vm4, $0xFFFFFFFF, v18;
	v4 =	vsel vm4, v16, v4;
	vm4 =	vgt.f32 v62, v1  }
0xc0: {  	v17 =	vld [tilespmem:s28+$0x3B00];
	[tilespmem:$0x1FFB0] =	vst v7;
	v7 =	vnsel vm0, $0x24, v3;
	v20 =	vsel vm4, v1, v62;
	v1 =	vsel vm4, v62, v1  }
0xc1: {  	v21 =	vld [tilespmem:s28+$0x3B80];
	vm2 =	vgt.f32 v62, v4;
	v3 =	vsel vm0, $0x24, v3;
	vm0 =	vnez.u8 v28  }
0xc2: {  	v29 =	vld [tilespmem:$0x1FD90];
	[tilespmem:$0x1FF60] =	vst v9;
	v9 =	vsel vm2, $0xFFFFFFFF, v22;
	v4 =	vsel vm2, v20, v4;
	vm3 =	vgt.f32 v14, v1  }
0xc3: {  	v2 =	vsel vm15, v7, v2;
	v24 =	vsel vm3, v1, v14;
	vm15 =	vgt.f32 v14, v4  }
0xc4: {  	[tilespmem:$0x1FF00] =	vst v5;
	v5 =	vnsel vm0, $0x25, v3;
	v1 =	vsel vm3, v14, v1;
	v4 =	vsel vm15, v24, v4  }
0xc5: {  	[tilespmem:$0x1FF80] =	vst v6;
	v6 =	vsel vm15, $0xFFFFFFFF, v25;
	vm2 =	vgt.f32 v17, v1;
	vm15 =	vgt.f32 v17, v4  }
0xc6: {  	[tilespmem:$0x1FFD0] =	vst v6;
	v26 =	vsel vm2, v1, v17;
	v1 =	vsel vm2, v17, v1;
	v6 =	vsel vm15, $0xFFFFFFFF, v27  }
0xc7: {  	v32 =	vld [tilespmem:$0x1FDA0];
	v4 =	vsel vm15, v26, v4;
	vm1 =	vgt.f32 v21, v1;
	vm15 =	vnez.u8 v29  }
0xc8: {  	v34 =	vld [tilespmem:$0x1FDC0];
	v2 =	vsel vm15, v5, v2;
	v30 =	vsel vm1, v1, v21;
	vm15 =	vgt.f32 v21, v4  }
0xc9: {  	v33 =	vld [tilespmem:$0x1FDB0];
	v1 =	vsel vm1, v21, v1;
	v4 =	vsel vm15, v30, v4  }
0xca: {  	v36 =	vld [tilespmem:$0x1FDE0];
	v1 =	vsub.f32 v4, v1  }
0xcb: {  	v31 =	vimm.s32 $0x0;
	v35 =	vld [tilespmem:$0x1FDD0];
	v3 =	vsel vm0, $0x25, v3  }
0xcc: {  	v37 =	vld [tilespmem:$0x1FDF0];
	[tilespmem:$0x1FFE0] =	vst v6;
	v6 =	vsel vm15, $0xFFFFFFFF, v31;
	vm15 =	vnez.u8 v32;
	v1 =	vmul.f32 $1.442695020e+00, v1  }
0xcd: {  	v38 =	vld [tilespmem:$0x1FE00];
	v5 =	vnsel vm15, $0x26, v3  }
0xce: {  	v3 =	vsel vm15, $0x26, v3;
	vm15 =	vnez.u8 v33;
	(erf) = vpow2.f32 v1;
	v1 =	vld [tilespmem:$0x1FE10]  }
0xcf: {  	vm0 =	vnez.u8 v36;
	v2 =	vsel vm15, v5, v2;
	vm15 =	vnez.u8 v34  }
0xd0: {  	v4 =	vnsel vm15, $0x27, v3;
	v3 =	vsel vm15, $0x27, v3;
	vm15 =	vnez.u8 v35  }
0xd1: {  	v2 =	vsel vm15, v4, v2;
	v4 =	vnsel vm0, $0x28, v3;
	vm15 =	vnez.u8 v37  }
0xd2: {  	v3 =	vsel vm0, $0x28, v3;
	v2 =	vsel vm15, v4, v2;
	vm15 =	vnez.u8 v38  }
0xd3: {  	v4 =	vnsel vm15, $0x29, v3;
	v3 =	vsel vm15, $0x29, v3;
	vm15 =	vnez.u8 v1  }
0xd4: {  	v1 =	vsel vm15, v4, v2;
	v2 =	vld [tilespmem:$0x1FE20]  }
0xd5: {  	v39 =	vld [tilespmem:$0x1FE30];
	_ =	sdelay $0x3  }
0xd6: {  	vm15 =	vnez.u8 v2  }
0xd7: {  	v2 =	vnsel vm15, $0x2A, v3;
	v3 =	vsel vm15, $0x2A, v3;
	vm15 =	vnez.u8 v39  }
0xd8: {  	v1 =	vsel vm15, v2, v1;
	v2 =	vld [tilespmem:$0x1FE40]  }
0xd9: {  	v40 =	vld [tilespmem:$0x1FE50];
	_ =	sdelay $0x3  }
0xda: {  	vm15 =	vnez.u8 v2  }
0xdb: {  	v2 =	vnsel vm15, $0x2B, v3;
	v3 =	vsel vm15, $0x2B, v3;
	vm15 =	vnez.u8 v40  }
0xdc: {  	v1 =	vsel vm15, v2, v1;
	v2 =	vld [tilespmem:$0x1FE60]  }
0xdd: {  	v41 =	vld [tilespmem:$0x1FE70];
	_ =	sdelay $0x3  }
0xde: {  	vm15 =	vnez.u8 v2  }
0xdf: {  	v2 =	vnsel vm15, $0x2C, v3;
	v3 =	vsel vm15, $0x2C, v3;
	vm15 =	vnez.u8 v41  }
0xe0: {  	v1 =	vsel vm15, v2, v1;
	v2 =	vld [tilespmem:$0x1FE80]  }
0xe1: {  	v42 =	vld [tilespmem:$0x1FE90];
	_ =	sdelay $0x3  }
0xe2: {  	vm15 =	vnez.u8 v2  }
0xe3: {  	v2 =	vnsel vm15, $0x2D, v3;
	v3 =	vsel vm15, $0x2D, v3;
	vm15 =	vnez.u8 v42  }
0xe4: {  	v1 =	vsel vm15, v2, v1;
	v2 =	vld [tilespmem:$0x1FEA0]  }
0xe5: {  	v43 =	vld [tilespmem:$0x1FEB0];
	_ =	sdelay $0x3  }
0xe6: {  	vm15 =	vnez.u8 v2  }
0xe7: {  	v2 =	vnsel vm15, $0x2E, v3;
	v3 =	vsel vm15, $0x2E, v3;
	vm15 =	vnez.u8 v43  }
0xe8: {  	v1 =	vsel vm15, v2, v1;
	v2 =	vld [tilespmem:$0x1FEC0]  }
0xe9: {  	v44 =	vld [tilespmem:$0x1FED0];
	_ =	sdelay $0x3  }
0xea: {  	vm15 =	vnez.u8 v2  }
0xeb: {  	v2 =	vnsel vm15, $0x2F, v3;
	v3 =	vsel vm15, $0x2F, v3;
	vm15 =	vnez.u8 v44  }
0xec: {  	v1 =	vsel vm15, v2, v1;
	v2 =	vld [tilespmem:$0x1FEE0]  }
0xed: {  	v45 =	vld [tilespmem:$0x1FEF0];
	_ =	sdelay $0x3  }
0xee: {  	vm15 =	vnez.u8 v2  }
0xef: {  	v2 =	vnsel vm15, $0x30, v3;
	v3 =	vsel vm15, $0x30, v3;
	vm15 =	vnez.u8 v45  }
0xf0: {  	v1 =	vsel vm15, v2, v1;
	v2 =	vld [tilespmem:$0x1FF00]  }
0xf1: {  	v46 =	vld [tilespmem:$0x1FF10]  }
0xf2: {  	v48 =	vld [tilespmem:$0x1FF20]  }
0xf3: {  	v50 =	vld [tilespmem:$0x1FF30]  }
0xf4: {  	v52 =	vld [tilespmem:$0x1FF50];
	v47 =	vpop (erf)  }
0xf5: {  	v53 =	vld [tilespmem:$0x1FF60];
	v49 =	vadd.f32 $1.000000000e+00, v47;
	vm15 =	vnez.u8 v2  }
0xf6: {  	v51 =	vld [tilespmem:$0x1FF40];
	v2 =	vnsel vm15, $0x31, v3;
	v3 =	vsel vm15, $0x31, v3;
	vm15 =	vnez.u8 v46  }
0xf7: {  	v54 =	vld [tilespmem:$0x1FF70];
	(erf) = vrcp.f32 v49;
	v1 =	vsel vm15, v2, v1  }
0xf8: {  	v58 =	vld [tilespmem:$0x1FFB0];
	v2 =	vnsel vm14, $0x32, v3;
	v3 =	vsel vm14, $0x32, v3;
	vm14 =	vnez.u8 v48  }
0xf9: {  	[tilespmem:$0x1FF90] =	vst v10;
	vm15 =	vnez.u8 v50;
	v1 =	vsel vm14, v2, v1;
	v2 =	vnsel vm13, $0x33, v3  }
0xfa: {  	v56 =	vld [tilespmem:$0x1FF90];
	vm14 =	vnez.u8 v53;
	v1 =	vsel vm15, v2, v1;
	v2 =	vsel vm13, $0x33, v3  }
0xfb: {  	v55 =	vld [tilespmem:$0x1FF80];
	[tilespmem:$0x1FFA0] =	vst v8;
	v3 =	vnsel vm12, $0x34, v2;
	v2 =	vsel vm12, $0x34, v2;
	vm12 =	vnez.u8 v51  }
0xfc: {  	v57 =	vld [tilespmem:$0x1FFA0];
	vm13 =	vnez.u8 v52;
	vm15 =	vnez.u8 v54;
	v1 =	vsel vm12, v3, v1  }
0xfd: {  	v3 =	vnsel vm11, $0x35, v2;
	v2 =	vsel vm11, $0x35, v2;
	vm11 =	vnez.u8 v58  }
0xfe: {  	v1 =	vsel vm13, v3, v1;
	v3 =	vnsel vm9, $0x36, v2;
	v2 =	vsel vm9, $0x36, v2  }
0xff: {  	vm9 =	vnez.u8 v56;
	v1 =	vsel vm14, v3, v1;
	v3 =	vnsel vm8, $0x37, v2  }
0x100: {  	v2 =	vsel vm8, $0x37, v2;
	vm8 =	vnez.u8 v55;
	v1 =	vsel vm15, v3, v1  }
0x101: {  	[tilespmem:$0x1FFC0] =	vst v9;
	v3 =	vnsel vm10, $0x38, v2;
	v2 =	vsel vm10, $0x38, v2;
	vm10 =	vnez.u8 v57  }
0x102: {  	v59 =	vld [tilespmem:$0x1FFC0];
	v1 =	vsel vm8, v3, v1;
	v3 =	vnsel vm7, $0x39, v2;
	v2 =	vsel vm7, $0x39, v2  }
0x103: {  	v1 =	vsel vm9, v3, v1;
	v3 =	vnsel vm6, $0x3A, v2;
	v2 =	vsel vm6, $0x3A, v2  }
0x104: {  	v1 =	vsel vm10, v3, v1;
	v3 =	vnsel vm5, $0x3B, v2;
	v2 =	vsel vm5, $0x3B, v2  }
0x105: {  	v1 =	vsel vm11, v3, v1;
	v3 =	vnsel vm4, $0x3C, v2;
	_ =	sdelay $0x1  }
0x106: {  	v61 =	vld [tilespmem:$0x1FFD0];
	[tilespmem:$0x1FFF0] =	vst v6;
	vm12 =	vnez.u8 v59  }
0x107: {  	v63 =	vld [tilespmem:$0x1FFF0];
	v1 =	vsel vm12, v3, v1;
	v3 =	vpop (erf)  }
0x108: {  	v4 =	vmul.f32 v3, v47;
	[tilespmem:s24+$0x0] =	vst v3;
	v3 =	vld [tilespmem:$0x1FFE0];
	_ =	sdelay $0x1  }
0x109: {  	v2 =	vsel vm4, $0x3C, v2  }
0x10a: {  	p0 =	sne.s32 s26, $0xF0;
	vm13 =	vnez.u8 v61;
	v60 =	vnsel vm3, $0x3D, v2  }
.Ltmp0:
0x10b: {  	vm15 =	vnez.u8 v63;
	v2 =	vsel vm3, $0x3D, v2;
	v1 =	vsel vm13, v60, v1;
	(pc) =	sbr.rel @p0 .LBB2_2-.Ltmp0, $4  }
0x10c: {  	v62 =	vnsel vm2, $0x3E, v2;
	v2 =	vsel vm2, $0x3E, v2;
	vm14 =	vnez.u8 v3  }
0x10d: {  	[tilespmem:s23+$0x0] =	vst v4;
	v3 =	vnsel vm1, $0x3F, v2;
	v2 =	vsel vm1, $0x3F, v2;
	v1 =	vsel vm14, v62, v1  }
0x10e: {  	s25 =	sadd.s32 $0x80, s25;
	s26 =	sadd.s32 $0x10, s26;
	s24 =	sadd.s32 $0x10, s24;
	[tilespmem:s22+$0x0] =	vst v2;
	v1 =	vsel vm15, v3, v1  }
0x10f: {  	s23 =	sadd.s32 $0x10, s23;
	s22 =	sadd.s32 $0x10, s22;
	[tilespmem:s21+$0x0] =	vst v1;
	s21 =	sadd.s32 $0x10, s21  }
0x110: {  	_ =	swait.ge [sflag:s12], $0x4000;
	s21 =	simm.s32 $0x0;
	s22 =	simm.s32 $0x8700  }
0x111: {  	s23 =	simm.s32 $0x8500;
	s24 =	simm.s32 $0x8300;
	[sflag:s12] =	ssyncset.done $0x0  }
0x112: {  	s25 =	simm.s32 $0x8100;
	s26 =	simm.s32 $0x0;
	[sflag:s12] =	ssyncadd.s32 $0xFFFFC000  }
.LBB2_4:
0x113: {  	s28 =	sand.u32 $0x70, s26;
	s29 =	sand.u32 $0x400, s21  }
0x114: {  	s28 =	sor.u32 s28, s29  }
0x115: {  	v1 =	vld [tilespmem:s28+$0x4000];
	_ =	sdelay $0x1  }
0x116: {  	v2 =	vld [tilespmem:s28+$0x4080];
	_ =	sdelay $0x2  }
0x117: {  	v3 =	vld [tilespmem:s28+$0x4100];
	vm0 =	vgt.f32 v1, $-Inf  }
0x118: {  	v1 =	vnsel vm0, $0xFF800000, v1  }
0x119: {  	vm2 =	vlt.f32 v2, $-Inf;
	vm3 =	vgt.f32 v2, $-Inf;
	vm0 =	vgt.f32 v2, v1  }
0x11a: {  	v5 =	vld [tilespmem:s28+$0x4180];
	vm2 =	vmor vm3, vm2;
	vm1 =	vmneg vm0  }
0x11b: {  	v6 =	vsel vm0, $0x1, v0;
	v4 =	vsel vm1, v2, v1;
	v1 =	vsel vm1, v1, v2  }
0x11c: {  	v4 =	vnsel vm2, $0xFF800000, v4;
	vm2 =	vmand vm2, vm1;
	vm8 =	vgt.f32 v3, v1  }
0x11d: {  	v7 =	vld [tilespmem:s28+$0x4200];
	v2 =	vsel vm2, $0x1, v0;
	vm9 =	vgt.f32 v3, v4;
	v8 =	vsel vm8, v1, v3  }
0x11e: {  	v9 =	vnsel vm8, $0x2, v6;
	v1 =	vsel vm8, v3, v1;
	v3 =	vsel vm8, $0x2, v6  }
0x11f: {  	v38 =	vld [tilespmem:s28+$0x4280];
	v4 =	vsel vm9, v8, v4;
	v2 =	vsel vm9, v9, v2;
	vm10 =	vgt.f32 v5, v1  }
0x120: {  	vm11 =	vgt.f32 v5, v4;
	v39 =	vsel vm10, v1, v5;
	v40 =	vnsel vm10, $0x3, v3  }
0x121: {  	v1 =	vsel vm10, v5, v1;
	v3 =	vsel vm10, $0x3, v3;
	v4 =	vsel vm11, v39, v4  }
0x122: {  	v41 =	vld [tilespmem:s28+$0x4300];
	v2 =	vsel vm11, v40, v2;
	vm12 =	vgt.f32 v7, v1;
	vm13 =	vgt.f32 v7, v4  }
0x123: {  	s31 =	sor.u32 s21, s26;
	v5 =	vsel vm12, v1, v7;
	v42 =	vnsel vm12, $0x4, v3;
	v1 =	vsel vm12, v7, v1  }
0x124: {  	s29 =	sor.u32 $0x380, s31;
	v3 =	vsel vm12, $0x4, v3;
	v4 =	vsel vm13, v5, v4;
	vm14 =	vgt.f32 v38, v1  }
0x125: {  	v43 =	vld [tilespmem:s29+$0x4000];
	v2 =	vsel vm13, v42, v2;
	vm15 =	vgt.f32 v38, v4;
	v7 =	vsel vm14, v1, v38  }
0x126: {  	v44 =	vnsel vm14, $0x5, v3;
	v1 =	vsel vm14, v38, v1;
	v3 =	vsel vm14, $0x5, v3  }
0x127: {  	v45 =	vld [tilespmem:s28+$0x4800];
	v4 =	vsel vm15, v7, v4;
	v2 =	vsel vm15, v44, v2;
	vm4 =	vgt.f32 v41, v1  }
0x128: {  	vm5 =	vgt.f32 v41, v4;
	v46 =	vsel vm4, v1, v41;
	v47 =	vnsel vm4, $0x6, v3  }
0x129: {  	v1 =	vsel vm4, v41, v1;
	v3 =	vsel vm4, $0x6, v3;
	v4 =	vsel vm5, v46, v4  }
0x12a: {  	v49 =	vld [tilespmem:s28+$0x4880];
	v2 =	vsel vm5, v47, v2;
	vm6 =	vgt.f32 v43, v1;
	vm7 =	vgt.f32 v43, v4  }
0x12b: {  	v48 =	vsel vm6, v1, v43;
	v50 =	vnsel vm6, $0x7, v3;
	v1 =	vsel vm6, v43, v1  }
0x12c: {  	v3 =	vsel vm6, $0x7, v3;
	v4 =	vsel vm7, v48, v4;
	vm8 =	vgt.f32 v45, v1  }
0x12d: {  	v51 =	vld [tilespmem:s28+$0x4900];
	v2 =	vsel vm7, v50, v2;
	vm9 =	vgt.f32 v45, v4;
	v52 =	vsel vm8, v1, v45  }
0x12e: {  	v53 =	vnsel vm8, $0x8, v3;
	v1 =	vsel vm8, v45, v1;
	v3 =	vsel vm8, $0x8, v3  }
0x12f: {  	v54 =	vld [tilespmem:s28+$0x4980];
	v4 =	vsel vm9, v52, v4;
	v2 =	vsel vm9, v53, v2;
	vm10 =	vgt.f32 v49, v1  }
0x130: {  	vm11 =	vgt.f32 v49, v4;
	v55 =	vsel vm10, v1, v49;
	v56 =	vnsel vm10, $0x9, v3  }
0x131: {  	v1 =	vsel vm10, v49, v1;
	v3 =	vsel vm10, $0x9, v3;
	v4 =	vsel vm11, v55, v4  }
0x132: {  	v58 =	vld [tilespmem:s28+$0x4A00];
	v2 =	vsel vm11, v56, v2;
	vm12 =	vgt.f32 v51, v1;
	vm13 =	vgt.f32 v51, v4  }
0x133: {  	v57 =	vsel vm12, v1, v51;
	v59 =	vnsel vm12, $0xA, v3;
	v1 =	vsel vm12, v51, v1  }
0x134: {  	v3 =	vsel vm12, $0xA, v3;
	v4 =	vsel vm13, v57, v4;
	vm14 =	vgt.f32 v54, v1  }
0x135: {  	v60 =	vld [tilespmem:s28+$0x4A80];
	v2 =	vsel vm13, v59, v2;
	vm15 =	vgt.f32 v54, v4;
	v61 =	vsel vm14, v1, v54  }
0x136: {  	v62 =	vnsel vm14, $0xB, v3;
	v1 =	vsel vm14, v54, v1;
	v3 =	vsel vm14, $0xB, v3  }
0x137: {  	v63 =	vld [tilespmem:s28+$0x4B00];
	v4 =	vsel vm15, v61, v4;
	v2 =	vsel vm15, v62, v2;
	vm4 =	vgt.f32 v58, v1  }
0x138: {  	vm5 =	vgt.f32 v58, v4;
	v12 =	vsel vm4, v1, v58;
	v13 =	vnsel vm4, $0xC, v3  }
0x139: {  	v1 =	vsel vm4, v58, v1;
	v3 =	vsel vm4, $0xC, v3;
	v4 =	vsel vm5, v12, v4  }
0x13a: {  	v15 =	vld [tilespmem:s28+$0x4B80];
	v2 =	vsel vm5, v13, v2;
	vm6 =	vgt.f32 v60, v1;
	vm7 =	vgt.f32 v60, v4  }
0x13b: {  	v14 =	vsel vm6, v1, v60;
	v16 =	vnsel vm6, $0xD, v3;
	v1 =	vsel vm6, v60, v1  }
0x13c: {  	v3 =	vsel vm6, $0xD, v3;
	v4 =	vsel vm7, v14, v4;
	vm8 =	vgt.f32 v63, v1  }
0x13d: {  	v17 =	vld [tilespmem:s28+$0x5000];
	v2 =	vsel vm7, v16, v2;
	vm9 =	vgt.f32 v63, v4;
	v18 =	vsel vm8, v1, v63  }
0x13e: {  	v19 =	vnsel vm8, $0xE, v3;
	v1 =	vsel vm8, v63, v1;
	v3 =	vsel vm8, $0xE, v3  }
0x13f: {  	v4 =	vsel vm9, v18, v4;
	v2 =	vsel vm9, v19, v2;
	vm10 =	vgt.f32 v15, v1  }
0x140: {  	v20 =	vld [tilespmem:s28+$0x5080];
	v18 =	vimm.s32 $0x0;
	vm11 =	vgt.f32 v15, v4;
	v21 =	vsel vm10, v1, v15  }
0x141: {  	v22 =	vnsel vm10, $0xF, v3;
	v1 =	vsel vm10, v15, v1;
	v3 =	vsel vm10, $0xF, v3  }
0x142: {  	v4 =	vsel vm11, v21, v4;
	v2 =	vsel vm11, v22, v2;
	vm12 =	vgt.f32 v17, v1  }
0x143: {  	v24 =	vld [tilespmem:s28+$0x5100];
	v21 =	vimm.s32 $0x0;
	vm13 =	vgt.f32 v17, v4;
	v23 =	vsel vm12, v1, v17  }
0x144: {  	v25 =	vnsel vm12, $0x10, v3;
	v1 =	vsel vm12, v17, v1;
	v3 =	vsel vm12, $0x10, v3  }
0x145: {  	v4 =	vsel vm13, v23, v4;
	v2 =	vsel vm13, v25, v2;
	vm14 =	vgt.f32 v20, v1  }
0x146: {  	v26 =	vld [tilespmem:s28+$0x5180];
	vm15 =	vgt.f32 v20, v4;
	v27 =	vsel vm14, v1, v20;
	v28 =	vnsel vm14, $0x11, v3  }
0x147: {  	v1 =	vsel vm14, v20, v1;
	v3 =	vsel vm14, $0x11, v3;
	v4 =	vsel vm15, v27, v4  }
0x148: {  	v2 =	vsel vm15, v28, v2;
	vm4 =	vgt.f32 v24, v1;
	v28 =	vimm.s32 $0x0  }
0x149: {  	vm5 =	vgt.f32 v24, v4;
	v30 =	vsel vm4, v1, v24;
	v31 =	vnsel vm4, $0x12, v3  }
0x14a: {  	v29 =	vld [tilespmem:s28+$0x5200];
	v1 =	vsel vm4, v24, v1;
	v3 =	vsel vm4, $0x12, v3;
	v24 =	vimm.s32 $0x0  }
0x14b: {  	v4 =	vsel vm5, v30, v4;
	v2 =	vsel vm5, v31, v2;
	vm6 =	vgt.f32 v26, v1  }
0x14c: {  	v33 =	vld [tilespmem:s28+$0x5280];
	v30 =	vimm.s32 $0x0;
	v31 =	vimm.s32 $0x0;
	vm7 =	vgt.f32 v26, v4  }
0x14d: {  	v32 =	vsel vm6, v1, v26;
	v34 =	vnsel vm6, $0x13, v3;
	v1 =	vsel vm6, v26, v1  }
0x14e: {  	v3 =	vsel vm6, $0x13, v3;
	v4 =	vsel vm7, v32, v4;
	v2 =	vsel vm7, v34, v2  }
0x14f: {  	v35 =	vld [tilespmem:s28+$0x5300];
	vm8 =	vgt.f32 v29, v1;
	v34 =	vimm.s32 $0x0;
	vm9 =	vgt.f32 v29, v4  }
0x150: {  	v36 =	vsel vm8, v1, v29;
	v37 =	vnsel vm8, $0x14, v3;
	v1 =	vsel vm8, v29, v1  }
0x151: {  	v3 =	vsel vm8, $0x14, v3;
	v4 =	vsel vm9, v36, v4;
	vm10 =	vgt.f32 v33, v1  }
0x152: {  	v2 =	vsel vm9, v37, v2;
	vm11 =	vgt.f32 v33, v4;
	v39 =	vsel vm10, v1, v33  }
0x153: {  	v38 =	vld [tilespmem:s28+$0x5380];
	v40 =	vnsel vm10, $0x15, v3;
	v1 =	vsel vm10, v33, v1;
	v3 =	vsel vm10, $0x15, v3  }
0x154: {  	v4 =	vsel vm11, v39, v4;
	v2 =	vsel vm11, v40, v2;
	vm12 =	vgt.f32 v35, v1  }
0x155: {  	v40 =	vimm.s32 $0x0;
	vm13 =	vgt.f32 v35, v4;
	v41 =	vsel vm12, v1, v35  }
0x156: {  	v42 =	vld [tilespmem:s28+$0x5800];
	v43 =	vnsel vm12, $0x16, v3;
	v1 =	vsel vm12, v35, v1;
	v3 =	vsel vm12, $0x16, v3  }
0x157: {  	v35 =	vimm.s32 $0x0;
	v4 =	vsel vm13, v41, v4;
	v2 =	vsel vm13, v43, v2  }
0x158: {  	vm14 =	vgt.f32 v38, v1;
	v43 =	vimm.s32 $0x0;
	vm15 =	vgt.f32 v38, v4  }
0x159: {  	v44 =	vld [tilespmem:s28+$0x5880];
	v45 =	vsel vm14, v1, v38;
	v46 =	vnsel vm14, $0x17, v3;
	v1 =	vsel vm14, v38, v1  }
0x15a: {  	v3 =	vsel vm14, $0x17, v3;
	v38 =	vimm.s32 $0x0;
	v4 =	vsel vm15, v45, v4  }
0x15b: {  	v2 =	vsel vm15, v46, v2;
	vm4 =	vgt.f32 v42, v1;
	vm5 =	vgt.f32 v42, v4  }
0x15c: {  	v47 =	vld [tilespmem:s28+$0x5900];
	v48 =	vsel vm4, v1, v42;
	v49 =	vnsel vm4, $0x18, v3;
	v1 =	vsel vm4, v42, v1  }
0x15d: {  	v3 =	vsel vm4, $0x18, v3;
	v4 =	vsel vm5, v48, v4;
	v2 =	vsel vm5, v49, v2  }
0x15e: {  	vm6 =	vgt.f32 v44, v1;
	v48 =	vimm.s32 $0x0;
	vm7 =	vgt.f32 v44, v4  }
0x15f: {  	v50 =	vld [tilespmem:s28+$0x5980];
	v51 =	vsel vm6, v1, v44;
	v1 =	vsel vm6, v44, v1;
	v55 =	vnsel vm6, $0x19, v3  }
0x160: {  	v3 =	vsel vm6, $0x19, v3;
	v44 =	vimm.s32 $0x0;
	v4 =	vsel vm7, v51, v4  }
0x161: {  	vm0 =	vgt.f32 v47, v1;
	v2 =	vsel vm7, v55, v2;
	v51 =	vimm.s32 $0x0  }
0x162: {  	v52 =	vld [tilespmem:s28+$0x5A00];
	vm3 =	vgt.f32 v47, v4;
	v53 =	vsel vm0, v1, v47;
	v1 =	vsel vm0, v47, v1  }
0x163: {  	v62 =	vnsel vm0, $0x1A, v3;
	v3 =	vsel vm0, $0x1A, v3;
	v47 =	vimm.s32 $0x0  }
0x164: {  	v4 =	vsel vm3, v53, v4;
	vm12 =	vgt.f32 v50, v1;
	v2 =	vsel vm3, v62, v2  }
0x165: {  	v54 =	vld [tilespmem:s28+$0x5A80];
	v53 =	vimm.s32 $0x0;
	vm10 =	vgt.f32 v50, v4;
	v56 =	vsel vm12, v1, v50  }
0x166: {  	v1 =	vsel vm12, v50, v1;
	v17 =	vnsel vm12, $0x1B, v3;
	v3 =	vsel vm12, $0x1B, v3  }
0x167: {  	v4 =	vsel vm10, v56, v4;
	vm9 =	vgt.f32 v52, v1;
	v2 =	vsel vm10, v17, v2  }
0x168: {  	v57 =	vld [tilespmem:s28+$0x5B00];
	v56 =	vimm.s32 $0x0;
	v17 =	vimm.s32 $0x0;
	vm11 =	vgt.f32 v52, v4  }
0x169: {  	v58 =	vsel vm9, v1, v52;
	v1 =	vsel vm9, v52, v1;
	v27 =	vnsel vm9, $0x1C, v3  }
0x16a: {  	v3 =	vsel vm9, $0x1C, v3;
	v4 =	vsel vm11, v58, v4;
	vm7 =	vgt.f32 v54, v1  }
0x16b: {  	v2 =	vsel vm11, v27, v2;
	v27 =	vimm.s32 $0x0;
	vm8 =	vgt.f32 v54, v4  }
0x16c: {  	v59 =	vld [tilespmem:s28+$0x5B80];
	v60 =	vsel vm7, v1, v54;
	v1 =	vsel vm7, v54, v1;
	v39 =	vnsel vm7, $0x1D, v3  }
0x16d: {  	v3 =	vsel vm7, $0x1D, v3;
	v4 =	vsel vm8, v60, v4;
	vm5 =	vgt.f32 v57, v1  }
0x16e: {  	v61 =	vld [tilespmem:s28+$0x6000];
	v2 =	vsel vm8, v39, v2;
	v60 =	vimm.s32 $0x0;
	vm6 =	vgt.f32 v57, v4  }
0x16f: {  	v63 =	vsel vm5, v1, v57;
	v1 =	vsel vm5, v57, v1;
	v52 =	vnsel vm5, $0x1E, v3  }
0x170: {  	v57 =	vimm.s32 $0x0;
	v3 =	vsel vm5, $0x1E, v3;
	v4 =	vsel vm6, v63, v4  }
0x171: {  	v12 =	vld [tilespmem:s28+$0x6080];
	vm2 =	vgt.f32 v59, v1;
	v2 =	vsel vm6, v52, v2;
	v52 =	vimm.s32 $0x0  }
0x172: {  	vm4 =	vgt.f32 v59, v4;
	v13 =	vsel vm2, v1, v59;
	v1 =	vsel vm2, v59, v1  }
0x173: {  	v14 =	vld [tilespmem:s28+$0x6100];
	v4 =	vsel vm4, v13, v4;
	vm0 =	vgt.f32 v61, v1;
	v13 =	vnsel vm2, $0x1F, v3  }
0x174: {  	v3 =	vsel vm2, $0x1F, v3;
	vm1 =	vgt.f32 v61, v4;
	v15 =	vsel vm0, v1, v61  }
0x175: {  	v1 =	vsel vm0, v61, v1;
	v61 =	vimm.s32 $0x0;
	v4 =	vsel vm1, v15, v4  }
0x176: {  	v16 =	vld [tilespmem:s28+$0x6180];
	v2 =	vsel vm4, v13, v2;
	vm3 =	vgt.f32 v12, v1;
	vm13 =	vgt.f32 v12, v4  }
0x177: {  	v19 =	vsel vm3, v1, v12;
	v1 =	vsel vm3, v12, v1;
	v12 =	vimm.s32 $0x0  }
0x178: {  	v20 =	vld [tilespmem:s28+$0x6200];
	v7 =	vsel vm13, $0xFFFFFFFF, v18;
	v4 =	vsel vm13, v19, v4;
	vm10 =	vgt.f32 v14, v1  }
0x179: {  	v18 =	vimm.s32 $0x0;
	vm13 =	vgt.f32 v14, v4;
	v22 =	vsel vm10, v1, v14  }
0x17a: {  	[tilespmem:$0x1FA60] =	vst v7;
	v1 =	vsel vm10, v14, v1;
	v14 =	vimm.s32 $0x0;
	v7 =	vsel vm13, $0xFFFFFFFF, v21  }
0x17b: {  	v23 =	vld [tilespmem:s28+$0x6280];
	v4 =	vsel vm13, v22, v4;
	vm15 =	vgt.f32 v16, v1;
	v21 =	vimm.s32 $0x0  }
0x17c: {  	vm12 =	vgt.f32 v16, v4;
	v25 =	vsel vm15, v1, v16;
	v1 =	vsel vm15, v16, v1  }
0x17d: {  	[tilespmem:$0x1FA70] =	vst v7;
	v7 =	vsel vm12, $0xFFFFFFFF, v24;
	v4 =	vsel vm12, v25, v4;
	vm12 =	vgt.f32 v20, v1  }
0x17e: {  	v26 =	vld [tilespmem:s28+$0x6300];
	v22 =	vimm.s32 $0x0;
	v25 =	vimm.s32 $0x0;
	[tilespmem:$0x1FA80] =	vst v7;
	v7 =	vsel vm12, $0xFFFFFFFF, v28  }
0x17f: {  	v29 =	vsel vm12, v1, v20;
	v1 =	vsel vm12, v20, v1;
	vm12 =	vgt.f32 v20, v4  }
0x180: {  	v8 =	vsel vm12, $0xFFFFFFFF, v30;
	v4 =	vsel vm12, v29, v4;
	vm13 =	vgt.f32 v23, v1  }
0x181: {  	[tilespmem:$0x1FA90] =	vst v7;
	v30 =	vimm.s32 $0x0;
	v7 =	vsel vm13, $0xFFFFFFFF, v31;
	v32 =	vsel vm13, v1, v23  }
0x182: {  	v10 =	vld [tilespmem:s28+$0x6380];
	v1 =	vsel vm13, v23, v1;
	vm14 =	vgt.f32 v23, v4;
	v31 =	vimm.s32 $0x0  }
0x183: {  	v5 =	vsel vm14, $0xFFFFFFFF, v34;
	v4 =	vsel vm14, v32, v4;
	vm12 =	vgt.f32 v26, v1  }
0x184: {  	v34 =	vimm.s32 $0x0;
	[tilespmem:$0x1FAC0] =	vst v5;
	v5 =	vsel vm12, $0xFFFFFFFF, v35;
	v36 =	vsel vm12, v1, v26  }
0x185: {  	v33 =	vld [tilespmem:s28+$0x6800];
	v1 =	vsel vm12, v26, v1;
	vm13 =	vgt.f32 v26, v4;
	v26 =	vnsel vm0, $0x20, v3  }
0x186: {  	v3 =	vsel vm0, $0x20, v3;
	v6 =	vsel vm13, $0xFFFFFFFF, v38;
	v4 =	vsel vm13, v36, v4  }
0x187: {  	v37 =	vld [tilespmem:s28+$0x6880];
	vm14 =	vgt.f32 v10, v1;
	v2 =	vsel vm1, v26, v2;
	v38 =	vnsel vm3, $0x21, v3  }
0x188: {  	[tilespmem:$0x1FAD0] =	vst v5;
	v3 =	vsel vm3, $0x21, v3;
	v5 =	vsel vm14, $0xFFFFFFFF, v40;
	vm12 =	vgt.f32 v10, v4  }
0x189: {  	v41 =	vsel vm14, v1, v10;
	v1 =	vsel vm14, v10, v1;
	v10 =	vsel vm12, $0xFFFFFFFF, v43  }
0x18a: {  	v4 =	vsel vm12, v41, v4;
	vm13 =	vgt.f32 v33, v1;
	v41 =	vimm.s32 $0x0  }
0x18b: {  	v42 =	vld [tilespmem:s28+$0x6900];
	[tilespmem:$0x1FAA0] =	vst v8;
	v45 =	vsel vm13, v1, v33;
	v1 =	vsel vm13, v33, v1;
	vm14 =	vgt.f32 v33, v4  }
0x18c: {  	[tilespmem:$0x1FAF0] =	vst v5;
	v5 =	vsel vm13, $0xFFFFFFFF, v44;
	v8 =	vsel vm14, $0xFFFFFFFF, v47;
	vm9 =	vgt.f32 v37, v1  }
0x18d: {  	[tilespmem:$0x1FB10] =	vst v5;
	v4 =	vsel vm14, v45, v4;
	v45 =	vimm.s32 $0x0;
	v5 =	vsel vm9, $0xFFFFFFFF, v48  }
0x18e: {  	v46 =	vld [tilespmem:s28+$0x6980];
	v49 =	vsel vm9, v1, v37;
	v1 =	vsel vm9, v37, v1;
	vm11 =	vgt.f32 v37, v4  }
0x18f: {  	[tilespmem:$0x1FAB0] =	vst v7;
	v37 =	vimm.s32 $0x0;
	v48 =	vimm.s32 $0x0;
	v7 =	vsel vm11, $0xFFFFFFFF, v51  }
0x190: {  	v4 =	vsel vm11, v49, v4;
	vm12 =	vgt.f32 v42, v1;
	v49 =	vnsel vm10, $0x22, v3  }
0x191: {  	v50 =	vld [tilespmem:s28+$0x6A00];
	[tilespmem:$0x1FB30] =	vst v5;
	v3 =	vsel vm10, $0x22, v3;
	v5 =	vsel vm12, $0xFFFFFFFF, v53;
	vm13 =	vgt.f32 v42, v4  }
0x192: {  	v54 =	vsel vm12, v1, v42;
	v1 =	vsel vm12, v42, v1;
	v9 =	vsel vm13, $0xFFFFFFFF, v56  }
0x193: {  	v55 =	vld [tilespmem:s28+$0x6A80];
	v4 =	vsel vm13, v54, v4;
	vm14 =	vgt.f32 v46, v1;
	v56 =	vimm.s32 $0x0  }
0x194: {  	v42 =	vld [tilespmem:$0x1FA60];
	[tilespmem:$0x1FB50] =	vst v5;
	v5 =	vsel vm14, $0xFFFFFFFF, v57;
	v58 =	vsel vm14, v1, v46;
	vm9 =	vgt.f32 v46, v4  }
0x195: {  	[tilespmem:$0x1FAE0] =	vst v6;
	v1 =	vsel vm14, v46, v1;
	v6 =	vsel vm9, $0xFFFFFFFF, v60;
	v4 =	vsel vm9, v58, v4  }
0x196: {  	v59 =	vld [tilespmem:s28+$0x6B00];
	vm11 =	vgt.f32 v50, v1;
	v60 =	vnsel vm15, $0x23, v3;
	v3 =	vsel vm15, $0x23, v3  }
0x197: {  	[tilespmem:$0x1FB20] =	vst v8;
	v62 =	vsel vm11, v1, v50;
	v1 =	vsel vm11, v50, v1;
	vm12 =	vgt.f32 v50, v4  }
0x198: {  	[tilespmem:$0x1FB70] =	vst v5;
	v5 =	vsel vm11, $0xFFFFFFFF, v61;
	v8 =	vsel vm12, $0xFFFFFFFF, v12;
	vm13 =	vgt.f32 v55, v1  }
0x199: {  	v63 =	vld [tilespmem:s28+$0x6B80];
	[tilespmem:$0x1FB90] =	vst v5;
	v4 =	vsel vm12, v62, v4;
	vm7 =	vnez.u8 v42;
	v5 =	vsel vm13, $0xFFFFFFFF, v14  }
0x19a: {  	v15 =	vsel vm13, v1, v55;
	v1 =	vsel vm13, v55, v1;
	vm14 =	vgt.f32 v55, v4  }
0x19b: {  	[tilespmem:$0x1FB00] =	vst v10;
	v2 =	vsel vm7, v38, v2;
	v10 =	vsel vm14, $0xFFFFFFFF, v17;
	vm8 =	vgt.f32 v59, v1  }
0x19c: {  	[tilespmem:$0x1FBB0] =	vst v5;
	v4 =	vsel vm14, v15, v4;
	v15 =	vimm.s32 $0x0;
	v5 =	vsel vm8, $0xFFFFFFFF, v18  }
0x19d: {  	v16 =	vld [tilespmem:s28+$0x7000];
	v19 =	vsel vm8, v1, v59;
	v1 =	vsel vm8, v59, v1;
	vm9 =	vgt.f32 v59, v4  }
0x19e: {  	[tilespmem:$0x1FB40] =	vst v7;
	v59 =	vimm.s32 $0x0;
	v18 =	vimm.s32 $0x0;
	vm11 =	vgt.f32 v63, v1  }
0x19f: {  	v20 =	vld [tilespmem:s28+$0x7080];
	[tilespmem:$0x1FBD0] =	vst v5;
	v7 =	vsel vm9, $0xFFFFFFFF, v21;
	v4 =	vsel vm9, v19, v4;
	v5 =	vsel vm11, $0xFFFFFFFF, v22  }
0x1a0: {  	v23 =	vsel vm11, v1, v63;
	v1 =	vsel vm11, v63, v1;
	vm12 =	vgt.f32 v63, v4  }
0x1a1: {  	v24 =	vld [tilespmem:s28+$0x7100];
	[tilespmem:$0x1FB80] =	vst v6;
	v63 =	vimm.s32 $0x0;
	v22 =	vimm.s32 $0x0;
	v6 =	vsel vm12, $0xFFFFFFFF, v25  }
0x1a2: {  	v53 =	vld [tilespmem:$0x1FA70];
	v4 =	vsel vm12, v23, v4;
	vm13 =	vgt.f32 v16, v1;
	v25 =	vimm.s32 $0x0  }
0x1a3: {  	v12 =	vld [tilespmem:$0x1FA80];
	[tilespmem:$0x1FBF0] =	vst v5;
	v5 =	vsel vm13, $0xFFFFFFFF, v27;
	v28 =	vsel vm13, v1, v16;
	v1 =	vsel vm13, v16, v1  }
0x1a4: {  	[tilespmem:$0x1FB60] =	vst v9;
	vm14 =	vgt.f32 v16, v4;
	v27 =	vimm.s32 $0x0;
	vm4 =	vgt.f32 v20, v1  }
0x1a5: {  	v29 =	vld [tilespmem:s28+$0x7180];
	[tilespmem:$0x1FC10] =	vst v5;
	v9 =	vsel vm14, $0xFFFFFFFF, v30;
	v4 =	vsel vm14, v28, v4;
	v5 =	vsel vm4, $0xFFFFFFFF, v31  }
0x1a6: {  	v32 =	vsel vm4, v1, v20;
	v1 =	vsel vm4, v20, v1;
	vm5 =	vgt.f32 v20, v4  }
0x1a7: {  	v33 =	vld [tilespmem:s28+$0x7200];
	[tilespmem:$0x1FBA0] =	vst v8;
	vm4 =	vnez.u8 v53;
	v8 =	vsel vm5, $0xFFFFFFFF, v34;
	v4 =	vsel vm5, v32, v4  }
0x1a8: {  	vm14 =	vgt.f32 v24, v1;
	v2 =	vsel vm4, v49, v2;
	vm4 =	vnez.u8 v12  }
0x1a9: {  	v36 =	vld [tilespmem:s28+$0x7280];
	v35 =	vsel vm14, v1, v24;
	v1 =	vsel vm14, v24, v1;
	vm6 =	vgt.f32 v24, v4  }
0x1aa: {  	v40 =	vld [tilespmem:s28+$0x7300];
	v2 =	vsel vm4, v60, v2;
	v4 =	vsel vm6, v35, v4;
	vm13 =	vgt.f32 v29, v1  }
0x1ab: {  	v23 =	vld [tilespmem:$0x1FAA0];
	v39 =	vsel vm13, v1, v29;
	v1 =	vsel vm13, v29, v1;
	vm0 =	vgt.f32 v29, v4  }
0x1ac: {  	[tilespmem:$0x1FBC0] =	vst v10;
	v10 =	vsel vm0, $0xFFFFFFFF, v41;
	v4 =	vsel vm0, v39, v4;
	vm12 =	vgt.f32 v33, v1  }
0x1ad: {  	v44 =	vld [tilespmem:s28+$0x7380];
	v43 =	vsel vm12, v1, v33;
	v1 =	vsel vm12, v33, v1;
	vm0 =	vgt.f32 v33, v4  }
0x1ae: {  	[tilespmem:$0x1FC00] =	vst v6;
	v6 =	vsel vm0, $0xFFFFFFFF, v45;
	v4 =	vsel vm0, v43, v4;
	vm11 =	vgt.f32 v36, v1  }
0x1af: {  	v46 =	vsel vm11, v1, v36;
	v1 =	vsel vm11, v36, v1;
	vm0 =	vgt.f32 v36, v4  }
0x1b0: {  	v47 =	vld [tilespmem:s28+$0x7800];
	vm15 =	vnez.u8 v23;
	v4 =	vsel vm0, v46, v4;
	vm9 =	vgt.f32 v40, v1  }
0x1b1: {  	v51 =	vld [tilespmem:s28+$0x7880];
	v50 =	vsel vm9, v1, v40;
	v1 =	vsel vm9, v40, v1;
	vm8 =	vgt.f32 v40, v4  }
0x1b2: {  	v19 =	vld [tilespmem:$0x1FA90];
	[tilespmem:$0x1FC20] =	vst v9;
	v9 =	vsel vm8, $0xFFFFFFFF, v52;
	v4 =	vsel vm8, v50, v4;
	vm8 =	vgt.f32 v44, v1  }
0x1b3: {  	[tilespmem:$0x1FBE0] =	vst v7;
	v7 =	vsel vm6, $0xFFFFFFFF, v37;
	v54 =	vsel vm8, v1, v44;
	vm5 =	vgt.f32 v44, v4  }
0x1b4: {  	v55 =	vld [tilespmem:s28+$0x7900];
	[tilespmem:$0x1FC40] =	vst v8;
	v8 =	vsel vm0, $0xFFFFFFFF, v48;
	v1 =	vsel vm8, v44, v1;
	v4 =	vsel vm5, v54, v4  }
0x1b5: {  	[tilespmem:$0x1FC50] =	vst v7;
	v7 =	vsel vm5, $0xFFFFFFFF, v56;
	vm10 =	vgt.f32 v47, v1;
	vm0 =	vgt.f32 v47, v4  }
0x1b6: {  	v58 =	vld [tilespmem:s28+$0x7980];
	[tilespmem:$0x1FC70] =	vst v6;
	v57 =	vsel vm10, v1, v47;
	v1 =	vsel vm10, v47, v1;
	v6 =	vsel vm0, $0xFFFFFFFF, v59  }
0x1b7: {  	v4 =	vsel vm0, v57, v4;
	vm7 =	vgt.f32 v51, v1;
	vm0 =	vnez.u8 v19  }
0x1b8: {  	v62 =	vld [tilespmem:s28+$0x7A00];
	v61 =	vsel vm7, v1, v51;
	v1 =	vsel vm7, v51, v1;
	vm6 =	vgt.f32 v51, v4  }
0x1b9: {  	[tilespmem:$0x1FC60] =	vst v10;
	v10 =	vsel vm6, $0xFFFFFFFF, v63;
	v4 =	vsel vm6, v61, v4;
	vm6 =	vgt.f32 v55, v1  }
0x1ba: {  	v28 =	vld [tilespmem:$0x1FAB0];
	v13 =	vsel vm6, v1, v55;
	v1 =	vsel vm6, v55, v1;
	vm5 =	vgt.f32 v55, v4  }
0x1bb: {  	v14 =	vld [tilespmem:s28+$0x7A80];
	[tilespmem:$0x1FC80] =	vst v8;
	v8 =	vsel vm5, $0xFFFFFFFF, v15;
	v4 =	vsel vm5, v13, v4;
	vm5 =	vgt.f32 v58, v1  }
0x1bc: {  	v16 =	vsel vm5, v1, v58;
	v1 =	vsel vm5, v58, v1;
	vm4 =	vgt.f32 v58, v4  }
0x1bd: {  	[tilespmem:$0x1FCA0] =	vst v7;
	v7 =	vsel vm4, $0xFFFFFFFF, v18;
	v4 =	vsel vm4, v16, v4;
	vm4 =	vgt.f32 v62, v1  }
0x1be: {  	v17 =	vld [tilespmem:s28+$0x7B00];
	[tilespmem:$0x1FCE0] =	vst v7;
	v7 =	vnsel vm0, $0x24, v3;
	v20 =	vsel vm4, v1, v62;
	v1 =	vsel vm4, v62, v1  }
0x1bf: {  	v21 =	vld [tilespmem:s28+$0x7B80];
	vm2 =	vgt.f32 v62, v4;
	v3 =	vsel vm0, $0x24, v3;
	vm0 =	vnez.u8 v28  }
0x1c0: {  	v29 =	vld [tilespmem:$0x1FAC0];
	[tilespmem:$0x1FC90] =	vst v9;
	v9 =	vsel vm2, $0xFFFFFFFF, v22;
	v4 =	vsel vm2, v20, v4;
	vm3 =	vgt.f32 v14, v1  }
0x1c1: {  	v2 =	vsel vm15, v7, v2;
	v24 =	vsel vm3, v1, v14;
	vm15 =	vgt.f32 v14, v4  }
0x1c2: {  	[tilespmem:$0x1FC30] =	vst v5;
	v5 =	vnsel vm0, $0x25, v3;
	v1 =	vsel vm3, v14, v1;
	v4 =	vsel vm15, v24, v4  }
0x1c3: {  	[tilespmem:$0x1FCB0] =	vst v6;
	v6 =	vsel vm15, $0xFFFFFFFF, v25;
	vm2 =	vgt.f32 v17, v1;
	vm15 =	vgt.f32 v17, v4  }
0x1c4: {  	[tilespmem:$0x1FD00] =	vst v6;
	v26 =	vsel vm2, v1, v17;
	v1 =	vsel vm2, v17, v1;
	v6 =	vsel vm15, $0xFFFFFFFF, v27  }
0x1c5: {  	v32 =	vld [tilespmem:$0x1FAD0];
	v4 =	vsel vm15, v26, v4;
	vm1 =	vgt.f32 v21, v1;
	vm15 =	vnez.u8 v29  }
0x1c6: {  	v34 =	vld [tilespmem:$0x1FAF0];
	v2 =	vsel vm15, v5, v2;
	v30 =	vsel vm1, v1, v21;
	vm15 =	vgt.f32 v21, v4  }
0x1c7: {  	v33 =	vld [tilespmem:$0x1FAE0];
	v1 =	vsel vm1, v21, v1;
	v4 =	vsel vm15, v30, v4  }
0x1c8: {  	v36 =	vld [tilespmem:$0x1FB10];
	v1 =	vsub.f32 v4, v1  }
0x1c9: {  	v31 =	vimm.s32 $0x0;
	v35 =	vld [tilespmem:$0x1FB00];
	v3 =	vsel vm0, $0x25, v3  }
0x1ca: {  	v37 =	vld [tilespmem:$0x1FB20];
	[tilespmem:$0x1FD10] =	vst v6;
	v6 =	vsel vm15, $0xFFFFFFFF, v31;
	vm15 =	vnez.u8 v32;
	v1 =	vmul.f32 $1.442695020e+00, v1  }
0x1cb: {  	v38 =	vld [tilespmem:$0x1FB30];
	v5 =	vnsel vm15, $0x26, v3  }
0x1cc: {  	v3 =	vsel vm15, $0x26, v3;
	vm15 =	vnez.u8 v33;
	(erf) = vpow2.f32 v1;
	v1 =	vld [tilespmem:$0x1FB40]  }
0x1cd: {  	vm0 =	vnez.u8 v36;
	v2 =	vsel vm15, v5, v2;
	vm15 =	vnez.u8 v34  }
0x1ce: {  	v4 =	vnsel vm15, $0x27, v3;
	v3 =	vsel vm15, $0x27, v3;
	vm15 =	vnez.u8 v35  }
0x1cf: {  	v2 =	vsel vm15, v4, v2;
	v4 =	vnsel vm0, $0x28, v3;
	vm15 =	vnez.u8 v37  }
0x1d0: {  	v3 =	vsel vm0, $0x28, v3;
	v2 =	vsel vm15, v4, v2;
	vm15 =	vnez.u8 v38  }
0x1d1: {  	v4 =	vnsel vm15, $0x29, v3;
	v3 =	vsel vm15, $0x29, v3;
	vm15 =	vnez.u8 v1  }
0x1d2: {  	v1 =	vsel vm15, v4, v2;
	v2 =	vld [tilespmem:$0x1FB50]  }
0x1d3: {  	v39 =	vld [tilespmem:$0x1FB60];
	_ =	sdelay $0x3  }
0x1d4: {  	vm15 =	vnez.u8 v2  }
0x1d5: {  	v2 =	vnsel vm15, $0x2A, v3;
	v3 =	vsel vm15, $0x2A, v3;
	vm15 =	vnez.u8 v39  }
0x1d6: {  	v1 =	vsel vm15, v2, v1;
	v2 =	vld [tilespmem:$0x1FB70]  }
0x1d7: {  	v40 =	vld [tilespmem:$0x1FB80];
	_ =	sdelay $0x3  }
0x1d8: {  	vm15 =	vnez.u8 v2  }
0x1d9: {  	v2 =	vnsel vm15, $0x2B, v3;
	v3 =	vsel vm15, $0x2B, v3;
	vm15 =	vnez.u8 v40  }
0x1da: {  	v1 =	vsel vm15, v2, v1;
	v2 =	vld [tilespmem:$0x1FB90]  }
0x1db: {  	v41 =	vld [tilespmem:$0x1FBA0];
	_ =	sdelay $0x3  }
0x1dc: {  	vm15 =	vnez.u8 v2  }
0x1dd: {  	v2 =	vnsel vm15, $0x2C, v3;
	v3 =	vsel vm15, $0x2C, v3;
	vm15 =	vnez.u8 v41  }
0x1de: {  	v1 =	vsel vm15, v2, v1;
	v2 =	vld [tilespmem:$0x1FBB0]  }
0x1df: {  	v42 =	vld [tilespmem:$0x1FBC0];
	_ =	sdelay $0x3  }
0x1e0: {  	vm15 =	vnez.u8 v2  }
0x1e1: {  	v2 =	vnsel vm15, $0x2D, v3;
	v3 =	vsel vm15, $0x2D, v3;
	vm15 =	vnez.u8 v42  }
0x1e2: {  	v1 =	vsel vm15, v2, v1;
	v2 =	vld [tilespmem:$0x1FBD0]  }
0x1e3: {  	v43 =	vld [tilespmem:$0x1FBE0];
	_ =	sdelay $0x3  }
0x1e4: {  	vm15 =	vnez.u8 v2  }
0x1e5: {  	v2 =	vnsel vm15, $0x2E, v3;
	v3 =	vsel vm15, $0x2E, v3;
	vm15 =	vnez.u8 v43  }
0x1e6: {  	v1 =	vsel vm15, v2, v1;
	v2 =	vld [tilespmem:$0x1FBF0]  }
0x1e7: {  	v44 =	vld [tilespmem:$0x1FC00];
	_ =	sdelay $0x3  }
0x1e8: {  	vm15 =	vnez.u8 v2  }
0x1e9: {  	v2 =	vnsel vm15, $0x2F, v3;
	v3 =	vsel vm15, $0x2F, v3;
	vm15 =	vnez.u8 v44  }
0x1ea: {  	v1 =	vsel vm15, v2, v1;
	v2 =	vld [tilespmem:$0x1FC10]  }
0x1eb: {  	v45 =	vld [tilespmem:$0x1FC20];
	_ =	sdelay $0x3  }
0x1ec: {  	vm15 =	vnez.u8 v2  }
0x1ed: {  	v2 =	vnsel vm15, $0x30, v3;
	v3 =	vsel vm15, $0x30, v3;
	vm15 =	vnez.u8 v45  }
0x1ee: {  	v1 =	vsel vm15, v2, v1;
	v2 =	vld [tilespmem:$0x1FC30]  }
0x1ef: {  	v46 =	vld [tilespmem:$0x1FC40]  }
0x1f0: {  	v48 =	vld [tilespmem:$0x1FC50]  }
0x1f1: {  	v50 =	vld [tilespmem:$0x1FC60]  }
0x1f2: {  	v52 =	vld [tilespmem:$0x1FC80];
	v47 =	vpop (erf)  }
0x1f3: {  	v53 =	vld [tilespmem:$0x1FC90];
	v49 =	vadd.f32 $1.000000000e+00, v47;
	vm15 =	vnez.u8 v2  }
0x1f4: {  	v51 =	vld [tilespmem:$0x1FC70];
	v2 =	vnsel vm15, $0x31, v3;
	v3 =	vsel vm15, $0x31, v3;
	vm15 =	vnez.u8 v46  }
0x1f5: {  	v54 =	vld [tilespmem:$0x1FCA0];
	(erf) = vrcp.f32 v49;
	v1 =	vsel vm15, v2, v1  }
0x1f6: {  	v58 =	vld [tilespmem:$0x1FCE0];
	v2 =	vnsel vm14, $0x32, v3;
	v3 =	vsel vm14, $0x32, v3;
	vm14 =	vnez.u8 v48  }
0x1f7: {  	[tilespmem:$0x1FCC0] =	vst v10;
	vm15 =	vnez.u8 v50;
	v1 =	vsel vm14, v2, v1;
	v2 =	vnsel vm13, $0x33, v3  }
0x1f8: {  	v56 =	vld [tilespmem:$0x1FCC0];
	vm14 =	vnez.u8 v53;
	v1 =	vsel vm15, v2, v1;
	v2 =	vsel vm13, $0x33, v3  }
0x1f9: {  	v55 =	vld [tilespmem:$0x1FCB0];
	[tilespmem:$0x1FCD0] =	vst v8;
	v3 =	vnsel vm12, $0x34, v2;
	v2 =	vsel vm12, $0x34, v2;
	vm12 =	vnez.u8 v51  }
0x1fa: {  	v57 =	vld [tilespmem:$0x1FCD0];
	vm13 =	vnez.u8 v52;
	vm15 =	vnez.u8 v54;
	v1 =	vsel vm12, v3, v1  }
0x1fb: {  	v3 =	vnsel vm11, $0x35, v2;
	v2 =	vsel vm11, $0x35, v2;
	vm11 =	vnez.u8 v58  }
0x1fc: {  	v1 =	vsel vm13, v3, v1;
	v3 =	vnsel vm9, $0x36, v2;
	v2 =	vsel vm9, $0x36, v2  }
0x1fd: {  	vm9 =	vnez.u8 v56;
	v1 =	vsel vm14, v3, v1;
	v3 =	vnsel vm8, $0x37, v2  }
0x1fe: {  	v2 =	vsel vm8, $0x37, v2;
	vm8 =	vnez.u8 v55;
	v1 =	vsel vm15, v3, v1  }
0x1ff: {  	[tilespmem:$0x1FCF0] =	vst v9;
	v3 =	vnsel vm10, $0x38, v2;
	v2 =	vsel vm10, $0x38, v2;
	vm10 =	vnez.u8 v57  }
0x200: {  	v59 =	vld [tilespmem:$0x1FCF0];
	v1 =	vsel vm8, v3, v1;
	v3 =	vnsel vm7, $0x39, v2;
	v2 =	vsel vm7, $0x39, v2  }
0x201: {  	v1 =	vsel vm9, v3, v1;
	v3 =	vnsel vm6, $0x3A, v2;
	v2 =	vsel vm6, $0x3A, v2  }
0x202: {  	v1 =	vsel vm10, v3, v1;
	v3 =	vnsel vm5, $0x3B, v2;
	v2 =	vsel vm5, $0x3B, v2  }
0x203: {  	v1 =	vsel vm11, v3, v1;
	v3 =	vnsel vm4, $0x3C, v2;
	_ =	sdelay $0x1  }
0x204: {  	v61 =	vld [tilespmem:$0x1FD00];
	[tilespmem:$0x1FD20] =	vst v6;
	vm12 =	vnez.u8 v59  }
0x205: {  	v63 =	vld [tilespmem:$0x1FD20];
	v1 =	vsel vm12, v3, v1;
	v3 =	vpop (erf)  }
0x206: {  	v4 =	vmul.f32 v3, v47;
	[tilespmem:s25+$0x0] =	vst v3;
	v3 =	vld [tilespmem:$0x1FD10];
	_ =	sdelay $0x1  }
0x207: {  	v2 =	vsel vm4, $0x3C, v2  }
0x208: {  	p0 =	sne.s32 s26, $0xF0;
	vm13 =	vnez.u8 v61;
	v60 =	vnsel vm3, $0x3D, v2  }
.Ltmp1:
0x209: {  	vm15 =	vnez.u8 v63;
	v2 =	vsel vm3, $0x3D, v2;
	v1 =	vsel vm13, v60, v1;
	(pc) =	sbr.rel @p0 .LBB2_4-.Ltmp1, $4  }
0x20a: {  	v62 =	vnsel vm2, $0x3E, v2;
	v2 =	vsel vm2, $0x3E, v2;
	vm14 =	vnez.u8 v3  }
0x20b: {  	[tilespmem:s24+$0x0] =	vst v4;
	v3 =	vnsel vm1, $0x3F, v2;
	v2 =	vsel vm1, $0x3F, v2;
	v1 =	vsel vm14, v62, v1  }
0x20c: {  	s21 =	sadd.s32 $0x80, s21;
	s26 =	sadd.s32 $0x10, s26;
	s25 =	sadd.s32 $0x10, s25;
	[tilespmem:s23+$0x0] =	vst v2;
	v1 =	vsel vm15, v3, v1  }
0x20d: {  	s24 =	sadd.s32 $0x10, s24;
	s23 =	sadd.s32 $0x10, s23;
	[tilespmem:s22+$0x0] =	vst v1;
	s22 =	sadd.s32 $0x10, s22  }
0x20e: {  	[hbm4b:s5+s13] =	stream.strided.scatter [tilespmem:s15], [sflag:$0x3], $0x200, s14, s13, $0x38;
	[tilespmem:$0x8800] =	vst v63  }
0x20f: {  	_ =	swait.ge [sflag:s16], $0x200  }
0x210: {  	[sflag:s16] =	ssyncset.done $0x0  }
0x211: {  	[sflag:s16] =	ssyncadd.s32 $0xFFFFFE00  }
0x212: {  	[hbm4b:s6+s13] =	stream.strided.scatter [tilespmem:s17], [sflag:$0x3], $0x200, s14, s13, $0x38;
	[tilespmem:$0x8800] =	vst v63  }
0x213: {  	_ =	swait.ge [sflag:s16], $0x200  }
0x214: {  	[sflag:s16] =	ssyncset.done $0x0  }
0x215: {  	[sflag:s16] =	ssyncadd.s32 $0xFFFFFE00  }
0x216: {  	[hbm4b:s7+s13] =	stream.strided.scatter [tilespmem:s18], [sflag:$0x3], $0x200, s14, s13, $0x38;
	[tilespmem:$0x8800] =	vst v63  }
0x217: {  	s20 =	sadd.s32 $0x1, s20;
	_ =	swait.ge [sflag:s16], $0x200  }
0x218: {  	p0 =	sne.s32 s20, s9;
	[sflag:s16] =	ssyncset.done $0x0  }
.Ltmp2:
0x219: {  	[sflag:s16] =	ssyncadd.s32 $0xFFFFFE00;
	(pc) =	sbr.rel @p0 .LBB2_1-.Ltmp2, $4  }
0x21a: {  	[hbm4b:s8+s13] =	stream.strided.scatter [tilespmem:s19], [sflag:$0x3], $0x200, s14, s13, $0x38;
	[tilespmem:$0x8800] =	vst v63  }
0x21b: {  	_ =	swait.ge [sflag:s16], $0x200  }
0x21c: {  	[sflag:s16] =	ssyncset.done $0x0  }
0x21d: {  	[sflag:s16] =	ssyncadd.s32 $0xFFFFFE00  }
0x21e: {  	_ =	sfence.sel $0x180000  }
0x21f: {  	[bflag:$0x0] =	sbarrier.arrive $0xFFFF  }
0x220: {  	p0 =	sne.s32 s0, $0x0;
	_ =	strace $0x90000047  }
0x221: {  	s0 =	sadd.s32 @!p0 $0x100000, s1;
	[bflag:$0x2] =	sbarrier.arrive $0xFFFF  }
0x222: {  	[sflag:s0] =	ssyncadd.tile.s32 @!p0 $0x1;
	_ =	shalt  }
.Lfunc_end2:
_tile_overlayer_lowered:
.L_overlay_start_2:
0x223: {  	(tag) =	ssettag $0x2  }
0x224: {  	s0 =	rddreg [dreg:$0x0];
	s2 =	stileid.u32  }
0x225: {  	s1 =	rddreg [dreg:$0x1];
	p0 =	sne.s32 s2, $0x0  }
0x226: {  	s3 =	rddreg [dreg:$0x2];
	[bflag:$0x3] =	sbarrier.arrive $0xFFFF;
	s2 =	simm.s32 @!p0 $0x1C03  }
0x227: {  	[timem:s3], [sflag:s2] =	dma.local @!p0 [hbm:s0], s1  }
0x228: {  	s0 =	simm.s32 @!p0 $0x3  }
0x229: {  	_ =	swait.ge @!p0 [sflag:s0], s1  }
0x22a: {  	s1 =	ssub.s32 @!p0 $0x0, s1;
	[sflag:s0] =	ssyncset.done @!p0 $0x0  }
0x22b: {  	[sflag:s0] =	ssyncadd.s32 @!p0 s1  }
0x22c: {  	[bflag:$0x3] =	sbarrier.arrive $0xFFFF  }
0x22d: {  	_ =	shalt  }

</sc_bundles>
